<compile_context>
chip_gen: v7x
topology: tpu7x:2x2x1
jax: 0.10.2.dev20260603
libtpu: 0.0.44.dev20260713+nightly
codegen_flags: <defaults>
</compile_context>

<pallas_src>
import functools

import jax
import jax.numpy as jnp
from jax import lax
from jax.experimental import pallas as pl
from jax.experimental.pallas import tpu as pltpu
from jax.experimental.pallas import tpu_sc as plsc

N = 10000
E = 320000
D = 128

NC = 2
NS = 16
NW = NC * NS

NPAD = 10240
RPT = NPAD // NS
EPW = E // NW

K = 40
NCH = EPW // K
NCHP = 288
QC = 72

KD = 80
DCH = EPW // KD
DSG = 8
DFULL = DCH // DSG

_mesh = plsc.VectorSubcoreMesh(core_axis_name="c", subcore_axis_name="s")


@functools.partial(
    pl.kernel,
    mesh=_mesh,
    out_type=[
        jax.ShapeDtypeStruct((NC, NPAD), jnp.float32),
        jax.ShapeDtypeStruct((NC, NPAD), jnp.float32),
    ],
    scratch_types=[
        pltpu.VMEM((DCH + 3, KD), jnp.int32),
        pltpu.VMEM((DCH + 3, KD), jnp.int32),
        pltpu.VMEM((KD,), jnp.float32),
        pltpu.VMEM_SHARED((NPAD,), jnp.float32),
        pltpu.VMEM_SHARED((NPAD,), jnp.float32),
        pltpu.SemaphoreType.DMA,
    ],
)
def _deg_kernel(srcd_hbm, dstd_hbm, zeros1_hbm, out_o, out_i,
                src_w, dst_w, ones_v, ho, hi, sem):
    c = lax.axis_index("c")
    s = lax.axis_index("s")
    w = c * NS + s
    r0 = s * RPT

    pltpu.sync_copy(zeros1_hbm.at[pl.ds(r0, RPT)], ho.at[pl.ds(r0, RPT)])
    pltpu.sync_copy(zeros1_hbm.at[pl.ds(r0, RPT)], hi.at[pl.ds(r0, RPT)])
    pltpu.sync_copy(srcd_hbm.at[w, pl.ds(0, DCH + 3), :], src_w)
    pltpu.sync_copy(dstd_hbm.at[w, pl.ds(0, DCH + 3), :], dst_w)
    for j in range(KD // 16):
        ones_v[pl.ds(j * 16, 16)] = jnp.full((16,), 1.0, jnp.float32)
    plsc.subcore_barrier()

    def burst(j0, count):
        handles = []
        for b in range(count):
            handles.append(pltpu.async_copy(
                ones_v, ho.at[src_w.at[j0 + b]], sem, add=True))
            handles.append(pltpu.async_copy(
                ones_v, hi.at[dst_w.at[j0 + b]], sem, add=True))
        for h in handles:
            h.wait()

    def grp_body(g, carry):
        burst(g * DSG, DSG)
        return carry

    lax.fori_loop(0, DFULL, grp_body, 0)
    burst(DFULL * DSG, DCH - DFULL * DSG)
    plsc.subcore_barrier()

    pltpu.sync_copy(ho.at[pl.ds(r0, RPT)], out_o.at[c, pl.ds(r0, RPT)])
    pltpu.sync_copy(hi.at[pl.ds(r0, RPT)], out_i.at[c, pl.ds(r0, RPT)])


@functools.partial(
    pl.kernel,
    mesh=_mesh,
    out_type=jax.ShapeDtypeStruct((NC, NPAD, D), jnp.float32),
    scratch_types=[
        pltpu.VMEM((QC, K), jnp.int32),
        pltpu.VMEM((QC, K), jnp.int32),
        [pltpu.VMEM((K, D), jnp.float32) for _ in range(3)],
        [pltpu.VMEM((K, D), jnp.float32) for _ in range(3)],
        pltpu.VMEM_SHARED((NPAD, D), jnp.float32),
        [pltpu.SemaphoreType.DMA for _ in range(3)],
        [pltpu.SemaphoreType.DMA for _ in range(3)],
    ],
)
def _agg_kernel(featS_hbm, srca_hbm, dstd_hbm, efeat_hbm, out_p,
                src_q, dst_q, rows, ef, hacc, sem_l, sem_s):
    c = lax.axis_index("c")
    s = lax.axis_index("s")
    w = c * NS + s
    r0 = s * RPT

    def load_quarter(q):
        pltpu.sync_copy(srca_hbm.at[w, pl.ds(q * QC, QC), :], src_q)
        pltpu.sync_copy(dstd_hbm.at[w, pl.ds(q * QC, QC), :], dst_q)

    def load_chunk(ch, bs):
        pltpu.async_copy(
            featS_hbm.at[src_q.at[lax.rem(ch, QC)]], rows[bs], sem_l[bs])
        pltpu.async_copy(
            efeat_hbm.at[pl.ds(w * EPW + ch * K, K), :], ef[bs], sem_l[bs])

    def wait_loads(bs):
        pltpu.make_async_copy(
            featS_hbm.at[src_q.at[0]], rows[bs], sem_l[bs]).wait()
        pltpu.make_async_copy(
            efeat_hbm.at[pl.ds(0, K), :], ef[bs], sem_l[bs]).wait()

    def issue_scatters(ch, bs):
        pltpu.async_copy(
            rows[bs], hacc.at[dst_q.at[lax.rem(ch, QC)]], sem_s[bs], add=True)
        pltpu.async_copy(
            ef[bs], hacc.at[dst_q.at[lax.rem(ch, QC)]], sem_s[bs], add=True)

    def wait_scatters(bs):
        pltpu.make_async_copy(
            rows[bs], hacc.at[dst_q.at[0]], sem_s[bs]).wait()
        pltpu.make_async_copy(
            ef[bs], hacc.at[dst_q.at[0]], sem_s[bs]).wait()

    def zbody(r, cc):
        for c8 in range(D // 16):
            rows[0][r, pl.ds(c8 * 16, 16)] = jnp.zeros((16,), jnp.float32)
        return cc

    lax.fori_loop(0, K, zbody, 0)
    for t in range(RPT // K):
        pltpu.sync_copy(rows[0], hacc.at[pl.ds(r0 + t * K, K), :])
    plsc.subcore_barrier()

    load_quarter(0)
    load_chunk(0, 0)
    load_chunk(1, 1)

    def iter_body(m, carry):
        boundary = lax.rem(m, 24) == 23

        wait_loads(0)
        issue_scatters(3 * m, 0)

        @pl.when(lax.rem(m, 24) != 0)
        def _():
            wait_scatters(2)
        load_chunk(3 * m + 2, 2)

        wait_loads(1)
        issue_scatters(3 * m + 1, 1)

        @pl.when(jnp.logical_not(boundary))
        def _():
            wait_scatters(0)
            load_chunk(3 * m + 3, 0)

        @pl.when(boundary)
        def _():
            wait_scatters(0)
            wait_loads(2)
            issue_scatters(3 * m + 2, 2)
            wait_scatters(1)
            wait_scatters(2)
            load_quarter(lax.div(m, 24) + 1)
            load_chunk(3 * m + 3, 0)
            load_chunk(3 * m + 4, 1)

        @pl.when(jnp.logical_not(boundary))
        def _():
            wait_loads(2)
            issue_scatters(3 * m + 2, 2)
            wait_scatters(1)

        @pl.when(jnp.logical_and(jnp.logical_not(boundary), m != 82))
        def _():
            load_chunk(3 * m + 4, 1)
        return carry

    lax.fori_loop(0, 83, iter_body, 0)
    wait_loads(0)
    issue_scatters(249, 0)
    wait_scatters(2)
    wait_scatters(0)

    plsc.subcore_barrier()
    pltpu.sync_copy(hacc.at[pl.ds(r0, RPT), :], out_p.at[c, pl.ds(r0, RPT), :])


def _prep_body(deg_ref, feat_ref, out_ref):
    d = deg_ref[:, 0] + deg_ref[:, 1]
    norm = lax.rsqrt(jnp.maximum(d, 1.0))
    out_ref[...] = feat_ref[...] * norm[:, None]


_PB = 1000

_prep_call = pl.pallas_call(
    _prep_body,
    grid=(N // _PB,),
    in_specs=[
        pl.BlockSpec((_PB, NC), lambda i: (i, 0)),
        pl.BlockSpec((_PB, D), lambda i: (i, 0)),
    ],
    out_specs=pl.BlockSpec((_PB, D), lambda i: (i, 0)),
    out_shape=jax.ShapeDtypeStruct((N, D), jnp.float32),
)


def _final_body(p_ref, w_ref, d_ref, b_ref, out_ref):
    h = p_ref[0] + p_ref[1]
    acc = jnp.dot(h, w_ref[...], preferred_element_type=jnp.float32)
    d = d_ref[:, 0] + d_ref[:, 1]
    norm = lax.rsqrt(jnp.maximum(d, 1.0))
    out_ref[...] = acc * norm[:, None] + b_ref[...]


_FB = 400

_final_call = pl.pallas_call(
    _final_body,
    grid=(N // _FB,),
    in_specs=[
        pl.BlockSpec((NC, _FB, D), lambda i: (0, i, 0)),
        pl.BlockSpec((D, D), lambda i: (0, 0)),
        pl.BlockSpec((_FB, NC), lambda i: (i, 0)),
        pl.BlockSpec((1, D), lambda i: (0, 0)),
    ],
    out_specs=pl.BlockSpec((_FB, D), lambda i: (i, 0)),
    out_shape=jax.ShapeDtypeStruct((N, D), jnp.float32),
)


@jax.jit
def kernel(feat, edge_index, edgeFeat, weight, bias):
    padw = NCHP * K - EPW
    srcp = jnp.pad(edge_index[0].reshape(NW, EPW), ((0, 0), (0, padw)))
    dstp = jnp.pad(edge_index[1].reshape(NW, EPW), ((0, 0), (0, padw)))
    srcq = srcp.reshape(NW, NCHP, K)
    dstq = dstp.reshape(NW, NCHP, K)
    srcd = srcp.reshape(NW, NCHP * K // KD, KD)
    dstd = dstp.reshape(NW, NCHP * K // KD, KD)
    zeros1 = jnp.zeros((NPAD,), jnp.float32)

    deg_o_p, deg_i_p = _deg_kernel(srcd, dstd, zeros1)
    feat_scaled = _prep_call(deg_o_p[:, :N].T, feat)
    partials = _agg_kernel(feat_scaled, srcq, dstq, edgeFeat)
    return _final_call(partials, weight, deg_i_p[:, :N].T, bias.reshape(1, D))

# --- scband reference (transcript-rebuilt; emitter-appended) ---
"""Pipeline reference for scband-gcnconv-25185688224350 (READ-ONLY COPY).

The authoritative reference and input builder live on the scoring server;
editing this copy changes nothing except your own understanding.
"""

import jax, jax.numpy as jnp
import numpy as np

N = 10000
E = 320000
D_IN = 128
D_OUT = 128


def setup_inputs(seed: int = 0) -> dict:
    key = jax.random.key(seed)
    k1, k2, k3, k4 = jax.random.split(key, 4)
    feat = jax.random.normal(k1, (N, D_IN), dtype=jnp.float32)
    edge_index = jax.random.randint(k2, (2, E), 0, N, dtype=jnp.int32)
    edgeFeat = jax.random.normal(k3, (E, D_IN), dtype=jnp.float32)
    # xavier_uniform_ for weight [in_feats, out_feats]
    limit = float(np.sqrt(6.0 / (D_IN + D_OUT)))
    weight = jax.random.uniform(k4, (D_IN, D_OUT), dtype=jnp.float32, minval=-limit, maxval=limit)
    bias = jnp.zeros((D_OUT,), dtype=jnp.float32)
    return {"feat": feat, "edge_index": edge_index, "edgeFeat": edgeFeat, "weight": weight, "bias": bias}


def reference(feat, edge_index, edgeFeat, weight, bias):
    src = edge_index[0]
    dst = edge_index[1]
    # norm == 'both': left normalization by out-degree^{-1/2}
    deg_out = jnp.bincount(src, length=N).astype(jnp.float32)
    deg_out = jnp.clip(deg_out, 1.0)
    norm_src = jnp.power(deg_out, -0.5)
    feat_src = feat * norm_src[:, None]
    # message: u_add_e('h', 'w', 'm') -> m_e = h_src + edgeFeat_e
    m = jnp.take(feat_src, src, axis=0) + edgeFeat
    # reduce: fn.sum over incoming edges per dst node
    h = jax.ops.segment_sum(m, dst, num_segments=N)
    # linear transform (aggregate-then-transform since in_feats == out_feats path)
    rst = h @ weight
    # norm == 'both': right normalization by in-degree^{-1/2}
    deg_in = jnp.bincount(dst, length=N).astype(jnp.float32)
    deg_in = jnp.clip(deg_in, 1.0)
    norm_dst = jnp.power(deg_in, -0.5)
    rst = rst * norm_dst[:, None]
    rst = rst + bias
    return rst

if __name__ == "__main__":
    import jax
    _d = setup_inputs()
    print(jax.jit(kernel)(*tuple(_d.values())))

</pallas_src>

<mosaic_0001>
#map = affine_map<(d0, d1) -> (0, 0, 0)>
#map1 = affine_map<(d0, d1) -> (0)>
#map2 = affine_map<(d0, d1) -> (0, 0)>
module attributes {stable_mosaic.version = 14 : i64} {
  func.func @_deg_kernel(%arg0: i32, %arg1: i32, %arg2: memref<32x144x80xi32, #tpu.memory_space<hbm>>, %arg3: memref<32x144x80xi32, #tpu.memory_space<hbm>>, %arg4: memref<10240xf32, #tpu.memory_space<hbm>>, %arg5: memref<2x10240xf32, #tpu.memory_space<hbm>>, %arg6: memref<2x10240xf32, #tpu.memory_space<hbm>>, %arg7: memref<128x80xi32, #tpu.memory_space<vmem>>, %arg8: memref<128x80xi32, #tpu.memory_space<vmem>>, %arg9: memref<80xf32, #tpu.memory_space<vmem>>, %arg10: memref<10240xf32, #tpu.memory_space<vmem_shared>>, %arg11: memref<10240xf32, #tpu.memory_space<vmem_shared>>, %arg12: memref<!tpu.dma_semaphore, #tpu.memory_space<semaphore_mem>>) attributes {dimension_semantics = [#tpu.dimension_semantics<core_parallel>, #tpu.dimension_semantics<subcore_parallel>], iteration_bounds = array<i64: 2, 16>, scalar_prefetch = 0 : i64, scratch_operands = 6 : i64, tpu.core_type = #tpu.core_type<sc_vector_subcore>, window_params = [{transform_indices = #map}, {transform_indices = #map}, {transform_indices = #map1}, {transform_indices = #map2}, {transform_indices = #map2}]} {
    %mul3A = arith.constant 16 : i32
    %mul3A_0 = arith.muli %arg0, %mul3A : i32
    %add3A = arith.addi %mul3A_0, %arg1 : i32
    %mul3A_1 = arith.constant 640 : i32
    %mul3A_2 = arith.muli %arg1, %mul3A_1 : i32
    "tpu.region"() ({
      %run_scoped3A = tpu.sem_alloc : memref<!tpu.dma_semaphore, #tpu.memory_space<semaphore_mem>>
      %dma_start3A_155 = tpu.memref_slice %arg10[%mul3A_2] : memref<10240xf32, #tpu.memory_space<vmem_shared>> -> memref<640xf32, #tpu.memory_space<vmem_shared>>
      %dma_start3A_156 = tpu.memref_slice %arg4[%mul3A_2] : memref<10240xf32, #tpu.memory_space<hbm>> -> memref<640xf32, #tpu.memory_space<hbm>>
      tpu.enqueue_dma source(%dma_start3A_156 : memref<640xf32, #tpu.memory_space<hbm>>) target(%dma_start3A_155 : memref<640xf32, #tpu.memory_space<vmem_shared>>) target_semaphore(%run_scoped3A : memref<!tpu.dma_semaphore, #tpu.memory_space<semaphore_mem>>)
      %dma_wait3A_157 = tpu.memref_slice %arg10[%mul3A_2] : memref<10240xf32, #tpu.memory_space<vmem_shared>> -> memref<640xf32, #tpu.memory_space<vmem_shared>>
      %dma_wait3A_158 = tpu.memref_slice %arg4[%mul3A_2] : memref<10240xf32, #tpu.memory_space<hbm>> -> memref<640xf32, #tpu.memory_space<hbm>>
      tpu.wait_dma2 semaphore(%run_scoped3A : memref<!tpu.dma_semaphore, #tpu.memory_space<semaphore_mem>>) src(%dma_wait3A_158 : memref<640xf32, #tpu.memory_space<hbm>>) dst(%dma_wait3A_157 : memref<640xf32, #tpu.memory_space<vmem_shared>>)
      tpu.yield
    }) : () -> ()
    "tpu.region"() ({
      %run_scoped3A = tpu.sem_alloc : memref<!tpu.dma_semaphore, #tpu.memory_space<semaphore_mem>>
      %dma_start3A_155 = tpu.memref_slice %arg11[%mul3A_2] : memref<10240xf32, #tpu.memory_space<vmem_shared>> -> memref<640xf32, #tpu.memory_space<vmem_shared>>
      %dma_start3A_156 = tpu.memref_slice %arg4[%mul3A_2] : memref<10240xf32, #tpu.memory_space<hbm>> -> memref<640xf32, #tpu.memory_space<hbm>>
      tpu.enqueue_dma source(%dma_start3A_156 : memref<640xf32, #tpu.memory_space<hbm>>) target(%dma_start3A_155 : memref<640xf32, #tpu.memory_space<vmem_shared>>) target_semaphore(%run_scoped3A : memref<!tpu.dma_semaphore, #tpu.memory_space<semaphore_mem>>)
      %dma_wait3A_157 = tpu.memref_slice %arg11[%mul3A_2] : memref<10240xf32, #tpu.memory_space<vmem_shared>> -> memref<640xf32, #tpu.memory_space<vmem_shared>>
      %dma_wait3A_158 = tpu.memref_slice %arg4[%mul3A_2] : memref<10240xf32, #tpu.memory_space<hbm>> -> memref<640xf32, #tpu.memory_space<hbm>>
      tpu.wait_dma2 semaphore(%run_scoped3A : memref<!tpu.dma_semaphore, #tpu.memory_space<semaphore_mem>>) src(%dma_wait3A_158 : memref<640xf32, #tpu.memory_space<hbm>>) dst(%dma_wait3A_157 : memref<640xf32, #tpu.memory_space<vmem_shared>>)
      tpu.yield
    }) : () -> ()
    "tpu.region"() ({
      %run_scoped3A = tpu.sem_alloc : memref<!tpu.dma_semaphore, #tpu.memory_space<semaphore_mem>>
      %dma_start3A_155 = arith.constant 0 : i32
      %dma_start3A_156 = arith.constant 0 : i32
      %dma_start3A_157 = tpu.memref_slice %arg2[%add3A, %dma_start3A_155, %dma_start3A_156] : memref<32x144x80xi32, #tpu.memory_space<hbm>> -> memref<1x128x80xi32, #tpu.memory_space<hbm>>
      %dma_start3A_158 = tpu.memref_squeeze %dma_start3A_157 : memref<1x128x80xi32, #tpu.memory_space<hbm>> -> memref<128x80xi32, #tpu.memory_space<hbm>>
      %dma_start3A_159 = arith.constant 0 : i32
      %dma_start3A_160 = arith.constant 0 : i32
      %dma_start3A_161 = tpu.memref_slice %arg2[%add3A, %dma_start3A_159, %dma_start3A_160] : memref<32x144x80xi32, #tpu.memory_space<hbm>> -> memref<1x128x80xi32, #tpu.memory_space<hbm>>
      %dma_start3A_162 = tpu.memref_squeeze %dma_start3A_161 : memref<1x128x80xi32, #tpu.memory_space<hbm>> -> memref<128x80xi32, #tpu.memory_space<hbm>>
      tpu.enqueue_dma source(%dma_start3A_162 : memref<128x80xi32, #tpu.memory_space<hbm>>) target(%arg7 : memref<128x80xi32, #tpu.memory_space<vmem>>) target_semaphore(%run_scoped3A : memref<!tpu.dma_semaphore, #tpu.memory_space<semaphore_mem>>)
      %dma_wait3A_163 = arith.constant 0 : i32
      %dma_wait3A_164 = arith.constant 0 : i32
      %dma_wait3A_165 = tpu.memref_slice %arg2[%add3A, %dma_wait3A_163, %dma_wait3A_164] : memref<32x144x80xi32, #tpu.memory_space<hbm>> -> memref<1x128x80xi32, #tpu.memory_space<hbm>>
      %dma_wait3A_166 = tpu.memref_squeeze %dma_wait3A_165 : memref<1x128x80xi32, #tpu.memory_space<hbm>> -> memref<128x80xi32, #tpu.memory_space<hbm>>
      %dma_wait3A_167 = arith.constant 0 : i32
      %dma_wait3A_168 = arith.constant 0 : i32
      %dma_wait3A_169 = tpu.memref_slice %arg2[%add3A, %dma_wait3A_167, %dma_wait3A_168] : memref<32x144x80xi32, #tpu.memory_space<hbm>> -> memref<1x128x80xi32, #tpu.memory_space<hbm>>
      %dma_wait3A_170 = tpu.memref_squeeze %dma_wait3A_169 : memref<1x128x80xi32, #tpu.memory_space<hbm>> -> memref<128x80xi32, #tpu.memory_space<hbm>>
      tpu.wait_dma2 semaphore(%run_scoped3A : memref<!tpu.dma_semaphore, #tpu.memory_space<semaphore_mem>>) src(%dma_wait3A_170 : memref<128x80xi32, #tpu.memory_space<hbm>>) dst(%arg7 : memref<128x80xi32, #tpu.memory_space<vmem>>)
      tpu.yield
    }) : () -> ()
    "tpu.region"() ({
      %run_scoped3A = tpu.sem_alloc : memref<!tpu.dma_semaphore, #tpu.memory_space<semaphore_mem>>
      %dma_start3A_155 = arith.constant 0 : i32
      %dma_start3A_156 = arith.constant 0 : i32
      %dma_start3A_157 = tpu.memref_slice %arg3[%add3A, %dma_start3A_155, %dma_start3A_156] : memref<32x144x80xi32, #tpu.memory_space<hbm>> -> memref<1x128x80xi32, #tpu.memory_space<hbm>>
      %dma_start3A_158 = tpu.memref_squeeze %dma_start3A_157 : memref<1x128x80xi32, #tpu.memory_space<hbm>> -> memref<128x80xi32, #tpu.memory_space<hbm>>
      %dma_start3A_159 = arith.constant 0 : i32
      %dma_start3A_160 = arith.constant 0 : i32
      %dma_start3A_161 = tpu.memref_slice %arg3[%add3A, %dma_start3A_159, %dma_start3A_160] : memref<32x144x80xi32, #tpu.memory_space<hbm>> -> memref<1x128x80xi32, #tpu.memory_space<hbm>>
      %dma_start3A_162 = tpu.memref_squeeze %dma_start3A_161 : memref<1x128x80xi32, #tpu.memory_space<hbm>> -> memref<128x80xi32, #tpu.memory_space<hbm>>
      tpu.enqueue_dma source(%dma_start3A_162 : memref<128x80xi32, #tpu.memory_space<hbm>>) target(%arg8 : memref<128x80xi32, #tpu.memory_space<vmem>>) target_semaphore(%run_scoped3A : memref<!tpu.dma_semaphore, #tpu.memory_space<semaphore_mem>>)
      %dma_wait3A_163 = arith.constant 0 : i32
      %dma_wait3A_164 = arith.constant 0 : i32
      %dma_wait3A_165 = tpu.memref_slice %arg3[%add3A, %dma_wait3A_163, %dma_wait3A_164] : memref<32x144x80xi32, #tpu.memory_space<hbm>> -> memref<1x128x80xi32, #tpu.memory_space<hbm>>
      %dma_wait3A_166 = tpu.memref_squeeze %dma_wait3A_165 : memref<1x128x80xi32, #tpu.memory_space<hbm>> -> memref<128x80xi32, #tpu.memory_space<hbm>>
      %dma_wait3A_167 = arith.constant 0 : i32
      %dma_wait3A_168 = arith.constant 0 : i32
      %dma_wait3A_169 = tpu.memref_slice %arg3[%add3A, %dma_wait3A_167, %dma_wait3A_168] : memref<32x144x80xi32, #tpu.memory_space<hbm>> -> memref<1x128x80xi32, #tpu.memory_space<hbm>>
      %dma_wait3A_170 = tpu.memref_squeeze %dma_wait3A_169 : memref<1x128x80xi32, #tpu.memory_space<hbm>> -> memref<128x80xi32, #tpu.memory_space<hbm>>
      tpu.wait_dma2 semaphore(%run_scoped3A : memref<!tpu.dma_semaphore, #tpu.memory_space<semaphore_mem>>) src(%dma_wait3A_170 : memref<128x80xi32, #tpu.memory_space<hbm>>) dst(%arg8 : memref<128x80xi32, #tpu.memory_space<vmem>>)
      tpu.yield
    }) : () -> ()
    %broadcast_in_dim3A = arith.constant 1.000000e+00 : f32
    %broadcast_in_dim3A_3 = vector.broadcast %broadcast_in_dim3A : f32 to vector<16xf32>
    %swap3A = arith.constant 0 : index
    %swap3A_4 = tpu.vector_load %arg9[%swap3A] {strides = array<i32>} : memref<80xf32, #tpu.memory_space<vmem>>, vector<16xf32>,
    %swap3A_5 = vector.shape_cast %swap3A_4 : vector<16xf32> to vector<16xf32>
    %swap3A_6 = vector.shape_cast %broadcast_in_dim3A_3 : vector<16xf32> to vector<16xf32>
    tpu.vector_store %arg9[%swap3A], %swap3A_6 {strides = array<i32>} : memref<80xf32, #tpu.memory_space<vmem>>, vector<16xf32>,
    %broadcast_in_dim3A_7 = arith.constant 1.000000e+00 : f32
    %broadcast_in_dim3A_8 = vector.broadcast %broadcast_in_dim3A_7 : f32 to vector<16xf32>
    %swap3A_9 = arith.constant 16 : index
    %swap3A_10 = tpu.vector_load %arg9[%swap3A_9] {strides = array<i32>} : memref<80xf32, #tpu.memory_space<vmem>>, vector<16xf32>,
    %swap3A_11 = vector.shape_cast %swap3A_10 : vector<16xf32> to vector<16xf32>
    %swap3A_12 = vector.shape_cast %broadcast_in_dim3A_8 : vector<16xf32> to vector<16xf32>
    tpu.vector_store %arg9[%swap3A_9], %swap3A_12 {strides = array<i32>} : memref<80xf32, #tpu.memory_space<vmem>>, vector<16xf32>,
    %broadcast_in_dim3A_13 = arith.constant 1.000000e+00 : f32
    %broadcast_in_dim3A_14 = vector.broadcast %broadcast_in_dim3A_13 : f32 to vector<16xf32>
    %swap3A_15 = arith.constant 32 : index
    %swap3A_16 = tpu.vector_load %arg9[%swap3A_15] {strides = array<i32>} : memref<80xf32, #tpu.memory_space<vmem>>, vector<16xf32>,
    %swap3A_17 = vector.shape_cast %swap3A_16 : vector<16xf32> to vector<16xf32>
    %swap3A_18 = vector.shape_cast %broadcast_in_dim3A_14 : vector<16xf32> to vector<16xf32>
    tpu.vector_store %arg9[%swap3A_15], %swap3A_18 {strides = array<i32>} : memref<80xf32, #tpu.memory_space<vmem>>, vector<16xf32>,
    %broadcast_in_dim3A_19 = arith.constant 1.000000e+00 : f32
    %broadcast_in_dim3A_20 = vector.broadcast %broadcast_in_dim3A_19 : f32 to vector<16xf32>
    %swap3A_21 = arith.constant 48 : index
    %swap3A_22 = tpu.vector_load %arg9[%swap3A_21] {strides = array<i32>} : memref<80xf32, #tpu.memory_space<vmem>>, vector<16xf32>,
    %swap3A_23 = vector.shape_cast %swap3A_22 : vector<16xf32> to vector<16xf32>
    %swap3A_24 = vector.shape_cast %broadcast_in_dim3A_20 : vector<16xf32> to vector<16xf32>
    tpu.vector_store %arg9[%swap3A_21], %swap3A_24 {strides = array<i32>} : memref<80xf32, #tpu.memory_space<vmem>>, vector<16xf32>,
    %broadcast_in_dim3A_25 = arith.constant 1.000000e+00 : f32
    %broadcast_in_dim3A_26 = vector.broadcast %broadcast_in_dim3A_25 : f32 to vector<16xf32>
    %swap3A_27 = arith.constant 64 : index
    %swap3A_28 = tpu.vector_load %arg9[%swap3A_27] {strides = array<i32>} : memref<80xf32, #tpu.memory_space<vmem>>, vector<16xf32>,
    %swap3A_29 = vector.shape_cast %swap3A_28 : vector<16xf32> to vector<16xf32>
    %swap3A_30 = vector.shape_cast %broadcast_in_dim3A_26 : vector<16xf32> to vector<16xf32>
    tpu.vector_store %arg9[%swap3A_27], %swap3A_30 {strides = array<i32>} : memref<80xf32, #tpu.memory_space<vmem>>, vector<16xf32>,
    %barrier3A = arith.constant 0 : index
    tpu.barrier barrier_id(%barrier3A)
    %scan3A = arith.constant 0 : i32
    %scan3A_31 = arith.constant 0 : i32
    %scan3A_32 = arith.constant 15 : i32
    %scan3A_33 = arith.addi %scan3A_31, %scan3A_32 : i32
    %scan3A_34 = arith.constant 1 : i32
    scf.for %scan3A_155 = %scan3A_31 to %scan3A_33 step %scan3A_34  : i32 {
      %mul3A_156 = arith.constant 8 : i32
      %mul3A_157 = arith.muli %scan3A_155, %mul3A_156 : i32
      %add3A_158 = arith.constant 0 : i32
      %add3A_159 = arith.addi %mul3A_157, %add3A_158 : i32
      %dma_start3A_160 = arith.constant 0 : i32
      %dma_start3A_161 = tpu.memref_slice %arg7[%add3A_159, %dma_start3A_160] : memref<128x80xi32, #tpu.memory_space<vmem>> -> memref<1x80xi32, #tpu.memory_space<vmem>>
      %dma_start3A_162 = tpu.memref_squeeze %dma_start3A_161 : memref<1x80xi32, #tpu.memory_space<vmem>> -> memref<80xi32, #tpu.memory_space<vmem>>
      %dma_start3A_163 = arith.constant 0 : i32
      %dma_start3A_164 = tpu.memref_slice %arg10[%dma_start3A_163] : memref<10240xf32, #tpu.memory_space<vmem_shared>> -> memref<10240xf32, #tpu.memory_space<vmem_shared>>
      tpu.enqueue_indirect_dma source(%arg9 : memref<80xf32, #tpu.memory_space<vmem>>) target(%dma_start3A_164 : memref<10240xf32, #tpu.memory_space<vmem_shared>>) offsets(%dma_start3A_162 : memref<80xi32, #tpu.memory_space<vmem>>) semaphore(%arg12 : memref<!tpu.dma_semaphore, #tpu.memory_space<semaphore_mem>>) {add = true}
      %add3A_165 = arith.constant 0 : i32
      %add3A_166 = arith.addi %mul3A_157, %add3A_165 : i32
      %dma_start3A_167 = arith.constant 0 : i32
      %dma_start3A_168 = tpu.memref_slice %arg8[%add3A_166, %dma_start3A_167] : memref<128x80xi32, #tpu.memory_space<vmem>> -> memref<1x80xi32, #tpu.memory_space<vmem>>
      %dma_start3A_169 = tpu.memref_squeeze %dma_start3A_168 : memref<1x80xi32, #tpu.memory_space<vmem>> -> memref<80xi32, #tpu.memory_space<vmem>>
      %dma_start3A_170 = arith.constant 0 : i32
      %dma_start3A_171 = tpu.memref_slice %arg11[%dma_start3A_170] : memref<10240xf32, #tpu.memory_space<vmem_shared>> -> memref<10240xf32, #tpu.memory_space<vmem_shared>>
      tpu.enqueue_indirect_dma source(%arg9 : memref<80xf32, #tpu.memory_space<vmem>>) target(%dma_start3A_171 : memref<10240xf32, #tpu.memory_space<vmem_shared>>) offsets(%dma_start3A_169 : memref<80xi32, #tpu.memory_space<vmem>>) semaphore(%arg12 : memref<!tpu.dma_semaphore, #tpu.memory_space<semaphore_mem>>) {add = true}
      %add3A_172 = arith.constant 1 : i32
      %add3A_173 = arith.addi %mul3A_157, %add3A_172 : i32
      %dma_start3A_174 = arith.constant 0 : i32
      %dma_start3A_175 = tpu.memref_slice %arg7[%add3A_173, %dma_start3A_174] : memref<128x80xi32, #tpu.memory_space<vmem>> -> memref<1x80xi32, #tpu.memory_space<vmem>>
      %dma_start3A_176 = tpu.memref_squeeze %dma_start3A_175 : memref<1x80xi32, #tpu.memory_space<vmem>> -> memref<80xi32, #tpu.memory_space<vmem>>
      %dma_start3A_177 = arith.constant 0 : i32
      %dma_start3A_178 = tpu.memref_slice %arg10[%dma_start3A_177] : memref<10240xf32, #tpu.memory_space<vmem_shared>> -> memref<10240xf32, #tpu.memory_space<vmem_shared>>
      tpu.enqueue_indirect_dma source(%arg9 : memref<80xf32, #tpu.memory_space<vmem>>) target(%dma_start3A_178 : memref<10240xf32, #tpu.memory_space<vmem_shared>>) offsets(%dma_start3A_176 : memref<80xi32, #tpu.memory_space<vmem>>) semaphore(%arg12 : memref<!tpu.dma_semaphore, #tpu.memory_space<semaphore_mem>>) {add = true}
      %add3A_179 = arith.constant 1 : i32
      %add3A_180 = arith.addi %mul3A_157, %add3A_179 : i32
      %dma_start3A_181 = arith.constant 0 : i32
      %dma_start3A_182 = tpu.memref_slice %arg8[%add3A_180, %dma_start3A_181] : memref<128x80xi32, #tpu.memory_space<vmem>> -> memref<1x80xi32, #tpu.memory_space<vmem>>
      %dma_start3A_183 = tpu.memref_squeeze %dma_start3A_182 : memref<1x80xi32, #tpu.memory_space<vmem>> -> memref<80xi32, #tpu.memory_space<vmem>>
      %dma_start3A_184 = arith.constant 0 : i32
      %dma_start3A_185 = tpu.memref_slice %arg11[%dma_start3A_184] : memref<10240xf32, #tpu.memory_space<vmem_shared>> -> memref<10240xf32, #tpu.memory_space<vmem_shared>>
      tpu.enqueue_indirect_dma source(%arg9 : memref<80xf32, #tpu.memory_space<vmem>>) target(%dma_start3A_185 : memref<10240xf32, #tpu.memory_space<vmem_shared>>) offsets(%dma_start3A_183 : memref<80xi32, #tpu.memory_space<vmem>>) semaphore(%arg12 : memref<!tpu.dma_semaphore, #tpu.memory_space<semaphore_mem>>) {add = true}
      %add3A_186 = arith.constant 2 : i32
      %add3A_187 = arith.addi %mul3A_157, %add3A_186 : i32
      %dma_start3A_188 = arith.constant 0 : i32
      %dma_start3A_189 = tpu.memref_slice %arg7[%add3A_187, %dma_start3A_188] : memref<128x80xi32, #tpu.memory_space<vmem>> -> memref<1x80xi32, #tpu.memory_space<vmem>>
      %dma_start3A_190 = tpu.memref_squeeze %dma_start3A_189 : memref<1x80xi32, #tpu.memory_space<vmem>> -> memref<80xi32, #tpu.memory_space<vmem>>
      %dma_start3A_191 = arith.constant 0 : i32
      %dma_start3A_192 = tpu.memref_slice %arg10[%dma_start3A_191] : memref<10240xf32, #tpu.memory_space<vmem_shared>> -> memref<10240xf32, #tpu.memory_space<vmem_shared>>
      tpu.enqueue_indirect_dma source(%arg9 : memref<80xf32, #tpu.memory_space<vmem>>) target(%dma_start3A_192 : memref<10240xf32, #tpu.memory_space<vmem_shared>>) offsets(%dma_start3A_190 : memref<80xi32, #tpu.memory_space<vmem>>) semaphore(%arg12 : memref<!tpu.dma_semaphore, #tpu.memory_space<semaphore_mem>>) {add = true}
      %add3A_193 = arith.constant 2 : i32
      %add3A_194 = arith.addi %mul3A_157, %add3A_193 : i32
      %dma_start3A_195 = arith.constant 0 : i32
      %dma_start3A_196 = tpu.memref_slice %arg8[%add3A_194, %dma_start3A_195] : memref<128x80xi32, #tpu.memory_space<vmem>> -> memref<1x80xi32, #tpu.memory_space<vmem>>
      %dma_start3A_197 = tpu.memref_squeeze %dma_start3A_196 : memref<1x80xi32, #tpu.memory_space<vmem>> -> memref<80xi32, #tpu.memory_space<vmem>>
      %dma_start3A_198 = arith.constant 0 : i32
      %dma_start3A_199 = tpu.memref_slice %arg11[%dma_start3A_198] : memref<10240xf32, #tpu.memory_space<vmem_shared>> -> memref<10240xf32, #tpu.memory_space<vmem_shared>>
      tpu.enqueue_indirect_dma source(%arg9 : memref<80xf32, #tpu.memory_space<vmem>>) target(%dma_start3A_199 : memref<10240xf32, #tpu.memory_space<vmem_shared>>) offsets(%dma_start3A_197 : memref<80xi32, #tpu.memory_space<vmem>>) semaphore(%arg12 : memref<!tpu.dma_semaphore, #tpu.memory_space<semaphore_mem>>) {add = true}
      %add3A_200 = arith.constant 3 : i32
      %add3A_201 = arith.addi %mul3A_157, %add3A_200 : i32
      %dma_start3A_202 = arith.constant 0 : i32
      %dma_start3A_203 = tpu.memref_slice %arg7[%add3A_201, %dma_start3A_202] : memref<128x80xi32, #tpu.memory_space<vmem>> -> memref<1x80xi32, #tpu.memory_space<vmem>>
      %dma_start3A_204 = tpu.memref_squeeze %dma_start3A_203 : memref<1x80xi32, #tpu.memory_space<vmem>> -> memref<80xi32, #tpu.memory_space<vmem>>
      %dma_start3A_205 = arith.constant 0 : i32
      %dma_start3A_206 = tpu.memref_slice %arg10[%dma_start3A_205] : memref<10240xf32, #tpu.memory_space<vmem_shared>> -> memref<10240xf32, #tpu.memory_space<vmem_shared>>
      tpu.enqueue_indirect_dma source(%arg9 : memref<80xf32, #tpu.memory_space<vmem>>) target(%dma_start3A_206 : memref<10240xf32, #tpu.memory_space<vmem_shared>>) offsets(%dma_start3A_204 : memref<80xi32, #tpu.memory_space<vmem>>) semaphore(%arg12 : memref<!tpu.dma_semaphore, #tpu.memory_space<semaphore_mem>>) {add = true}
      %add3A_207 = arith.constant 3 : i32
      %add3A_208 = arith.addi %mul3A_157, %add3A_207 : i32
      %dma_start3A_209 = arith.constant 0 : i32
      %dma_start3A_210 = tpu.memref_slice %arg8[%add3A_208, %dma_start3A_209] : memref<128x80xi32, #tpu.memory_space<vmem>> -> memref<1x80xi32, #tpu.memory_space<vmem>>
      %dma_start3A_211 = tpu.memref_squeeze %dma_start3A_210 : memref<1x80xi32, #tpu.memory_space<vmem>> -> memref<80xi32, #tpu.memory_space<vmem>>
      %dma_start3A_212 = arith.constant 0 : i32
      %dma_start3A_213 = tpu.memref_slice %arg11[%dma_start3A_212] : memref<10240xf32, #tpu.memory_space<vmem_shared>> -> memref<10240xf32, #tpu.memory_space<vmem_shared>>
      tpu.enqueue_indirect_dma source(%arg9 : memref<80xf32, #tpu.memory_space<vmem>>) target(%dma_start3A_213 : memref<10240xf32, #tpu.memory_space<vmem_shared>>) offsets(%dma_start3A_211 : memref<80xi32, #tpu.memory_space<vmem>>) semaphore(%arg12 : memref<!tpu.dma_semaphore, #tpu.memory_space<semaphore_mem>>) {add = true}
      %add3A_214 = arith.constant 4 : i32
      %add3A_215 = arith.addi %mul3A_157, %add3A_214 : i32
      %dma_start3A_216 = arith.constant 0 : i32
      %dma_start3A_217 = tpu.memref_slice %arg7[%add3A_215, %dma_start3A_216] : memref<128x80xi32, #tpu.memory_space<vmem>> -> memref<1x80xi32, #tpu.memory_space<vmem>>
      %dma_start3A_218 = tpu.memref_squeeze %dma_start3A_217 : memref<1x80xi32, #tpu.memory_space<vmem>> -> memref<80xi32, #tpu.memory_space<vmem>>
      %dma_start3A_219 = arith.constant 0 : i32
      %dma_start3A_220 = tpu.memref_slice %arg10[%dma_start3A_219] : memref<10240xf32, #tpu.memory_space<vmem_shared>> -> memref<10240xf32, #tpu.memory_space<vmem_shared>>
      tpu.enqueue_indirect_dma source(%arg9 : memref<80xf32, #tpu.memory_space<vmem>>) target(%dma_start3A_220 : memref<10240xf32, #tpu.memory_space<vmem_shared>>) offsets(%dma_start3A_218 : memref<80xi32, #tpu.memory_space<vmem>>) semaphore(%arg12 : memref<!tpu.dma_semaphore, #tpu.memory_space<semaphore_mem>>) {add = true}
      %add3A_221 = arith.constant 4 : i32
      %add3A_222 = arith.addi %mul3A_157, %add3A_221 : i32
      %dma_start3A_223 = arith.constant 0 : i32
      %dma_start3A_224 = tpu.memref_slice %arg8[%add3A_222, %dma_start3A_223] : memref<128x80xi32, #tpu.memory_space<vmem>> -> memref<1x80xi32, #tpu.memory_space<vmem>>
      %dma_start3A_225 = tpu.memref_squeeze %dma_start3A_224 : memref<1x80xi32, #tpu.memory_space<vmem>> -> memref<80xi32, #tpu.memory_space<vmem>>
      %dma_start3A_226 = arith.constant 0 : i32
      %dma_start3A_227 = tpu.memref_slice %arg11[%dma_start3A_226] : memref<10240xf32, #tpu.memory_space<vmem_shared>> -> memref<10240xf32, #tpu.memory_space<vmem_shared>>
      tpu.enqueue_indirect_dma source(%arg9 : memref<80xf32, #tpu.memory_space<vmem>>) target(%dma_start3A_227 : memref<10240xf32, #tpu.memory_space<vmem_shared>>) offsets(%dma_start3A_225 : memref<80xi32, #tpu.memory_space<vmem>>) semaphore(%arg12 : memref<!tpu.dma_semaphore, #tpu.memory_space<semaphore_mem>>) {add = true}
      %add3A_228 = arith.constant 5 : i32
      %add3A_229 = arith.addi %mul3A_157, %add3A_228 : i32
      %dma_start3A_230 = arith.constant 0 : i32
      %dma_start3A_231 = tpu.memref_slice %arg7[%add3A_229, %dma_start3A_230] : memref<128x80xi32, #tpu.memory_space<vmem>> -> memref<1x80xi32, #tpu.memory_space<vmem>>
      %dma_start3A_232 = tpu.memref_squeeze %dma_start3A_231 : memref<1x80xi32, #tpu.memory_space<vmem>> -> memref<80xi32, #tpu.memory_space<vmem>>
      %dma_start3A_233 = arith.constant 0 : i32
      %dma_start3A_234 = tpu.memref_slice %arg10[%dma_start3A_233] : memref<10240xf32, #tpu.memory_space<vmem_shared>> -> memref<10240xf32, #tpu.memory_space<vmem_shared>>
      tpu.enqueue_indirect_dma source(%arg9 : memref<80xf32, #tpu.memory_space<vmem>>) target(%dma_start3A_234 : memref<10240xf32, #tpu.memory_space<vmem_shared>>) offsets(%dma_start3A_232 : memref<80xi32, #tpu.memory_space<vmem>>) semaphore(%arg12 : memref<!tpu.dma_semaphore, #tpu.memory_space<semaphore_mem>>) {add = true}
      %add3A_235 = arith.constant 5 : i32
      %add3A_236 = arith.addi %mul3A_157, %add3A_235 : i32
      %dma_start3A_237 = arith.constant 0 : i32
      %dma_start3A_238 = tpu.memref_slice %arg8[%add3A_236, %dma_start3A_237] : memref<128x80xi32, #tpu.memory_space<vmem>> -> memref<1x80xi32, #tpu.memory_space<vmem>>
      %dma_start3A_239 = tpu.memref_squeeze %dma_start3A_238 : memref<1x80xi32, #tpu.memory_space<vmem>> -> memref<80xi32, #tpu.memory_space<vmem>>
      %dma_start3A_240 = arith.constant 0 : i32
      %dma_start3A_241 = tpu.memref_slice %arg11[%dma_start3A_240] : memref<10240xf32, #tpu.memory_space<vmem_shared>> -> memref<10240xf32, #tpu.memory_space<vmem_shared>>
      tpu.enqueue_indirect_dma source(%arg9 : memref<80xf32, #tpu.memory_space<vmem>>) target(%dma_start3A_241 : memref<10240xf32, #tpu.memory_space<vmem_shared>>) offsets(%dma_start3A_239 : memref<80xi32, #tpu.memory_space<vmem>>) semaphore(%arg12 : memref<!tpu.dma_semaphore, #tpu.memory_space<semaphore_mem>>) {add = true}
      %add3A_242 = arith.constant 6 : i32
      %add3A_243 = arith.addi %mul3A_157, %add3A_242 : i32
      %dma_start3A_244 = arith.constant 0 : i32
      %dma_start3A_245 = tpu.memref_slice %arg7[%add3A_243, %dma_start3A_244] : memref<128x80xi32, #tpu.memory_space<vmem>> -> memref<1x80xi32, #tpu.memory_space<vmem>>
      %dma_start3A_246 = tpu.memref_squeeze %dma_start3A_245 : memref<1x80xi32, #tpu.memory_space<vmem>> -> memref<80xi32, #tpu.memory_space<vmem>>
      %dma_start3A_247 = arith.constant 0 : i32
      %dma_start3A_248 = tpu.memref_slice %arg10[%dma_start3A_247] : memref<10240xf32, #tpu.memory_space<vmem_shared>> -> memref<10240xf32, #tpu.memory_space<vmem_shared>>
      tpu.enqueue_indirect_dma source(%arg9 : memref<80xf32, #tpu.memory_space<vmem>>) target(%dma_start3A_248 : memref<10240xf32, #tpu.memory_space<vmem_shared>>) offsets(%dma_start3A_246 : memref<80xi32, #tpu.memory_space<vmem>>) semaphore(%arg12 : memref<!tpu.dma_semaphore, #tpu.memory_space<semaphore_mem>>) {add = true}
      %add3A_249 = arith.constant 6 : i32
      %add3A_250 = arith.addi %mul3A_157, %add3A_249 : i32
      %dma_start3A_251 = arith.constant 0 : i32
      %dma_start3A_252 = tpu.memref_slice %arg8[%add3A_250, %dma_start3A_251] : memref<128x80xi32, #tpu.memory_space<vmem>> -> memref<1x80xi32, #tpu.memory_space<vmem>>
      %dma_start3A_253 = tpu.memref_squeeze %dma_start3A_252 : memref<1x80xi32, #tpu.memory_space<vmem>> -> memref<80xi32, #tpu.memory_space<vmem>>
      %dma_start3A_254 = arith.constant 0 : i32
      %dma_start3A_255 = tpu.memref_slice %arg11[%dma_start3A_254] : memref<10240xf32, #tpu.memory_space<vmem_shared>> -> memref<10240xf32, #tpu.memory_space<vmem_shared>>
      tpu.enqueue_indirect_dma source(%arg9 : memref<80xf32, #tpu.memory_space<vmem>>) target(%dma_start3A_255 : memref<10240xf32, #tpu.memory_space<vmem_shared>>) offsets(%dma_start3A_253 : memref<80xi32, #tpu.memory_space<vmem>>) semaphore(%arg12 : memref<!tpu.dma_semaphore, #tpu.memory_space<semaphore_mem>>) {add = true}
      %add3A_256 = arith.constant 7 : i32
      %add3A_257 = arith.addi %mul3A_157, %add3A_256 : i32
      %dma_start3A_258 = arith.constant 0 : i32
      %dma_start3A_259 = tpu.memref_slice %arg7[%add3A_257, %dma_start3A_258] : memref<128x80xi32, #tpu.memory_space<vmem>> -> memref<1x80xi32, #tpu.memory_space<vmem>>
      %dma_start3A_260 = tpu.memref_squeeze %dma_start3A_259 : memref<1x80xi32, #tpu.memory_space<vmem>> -> memref<80xi32, #tpu.memory_space<vmem>>
      %dma_start3A_261 = arith.constant 0 : i32
      %dma_start3A_262 = tpu.memref_slice %arg10[%dma_start3A_261] : memref<10240xf32, #tpu.memory_space<vmem_shared>> -> memref<10240xf32, #tpu.memory_space<vmem_shared>>
      tpu.enqueue_indirect_dma source(%arg9 : memref<80xf32, #tpu.memory_space<vmem>>) target(%dma_start3A_262 : memref<10240xf32, #tpu.memory_space<vmem_shared>>) offsets(%dma_start3A_260 : memref<80xi32, #tpu.memory_space<vmem>>) semaphore(%arg12 : memref<!tpu.dma_semaphore, #tpu.memory_space<semaphore_mem>>) {add = true}
      %add3A_263 = arith.constant 7 : i32
      %add3A_264 = arith.addi %mul3A_157, %add3A_263 : i32
      %dma_start3A_265 = arith.constant 0 : i32
      %dma_start3A_266 = tpu.memref_slice %arg8[%add3A_264, %dma_start3A_265] : memref<128x80xi32, #tpu.memory_space<vmem>> -> memref<1x80xi32, #tpu.memory_space<vmem>>
      %dma_start3A_267 = tpu.memref_squeeze %dma_start3A_266 : memref<1x80xi32, #tpu.memory_space<vmem>> -> memref<80xi32, #tpu.memory_space<vmem>>
      %dma_start3A_268 = arith.constant 0 : i32
      %dma_start3A_269 = tpu.memref_slice %arg11[%dma_start3A_268] : memref<10240xf32, #tpu.memory_space<vmem_shared>> -> memref<10240xf32, #tpu.memory_space<vmem_shared>>
      tpu.enqueue_indirect_dma source(%arg9 : memref<80xf32, #tpu.memory_space<vmem>>) target(%dma_start3A_269 : memref<10240xf32, #tpu.memory_space<vmem_shared>>) offsets(%dma_start3A_267 : memref<80xi32, #tpu.memory_space<vmem>>) semaphore(%arg12 : memref<!tpu.dma_semaphore, #tpu.memory_space<semaphore_mem>>) {add = true}
      %dma_wait3A_270 = arith.constant 0 : i32
      %dma_wait3A_271 = tpu.memref_slice %arg7[%add3A_159, %dma_wait3A_270] : memref<128x80xi32, #tpu.memory_space<vmem>> -> memref<1x80xi32, #tpu.memory_space<vmem>>
      %dma_wait3A_272 = tpu.memref_squeeze %dma_wait3A_271 : memref<1x80xi32, #tpu.memory_space<vmem>> -> memref<80xi32, #tpu.memory_space<vmem>>
      %dma_wait3A_273 = arith.constant 0 : i32
      %dma_wait3A_274 = tpu.memref_slice %arg10[%dma_wait3A_273] : memref<10240xf32, #tpu.memory_space<vmem_shared>> -> memref<10240xf32, #tpu.memory_space<vmem_shared>>
      tpu.wait_indirect_dma semaphore(%arg12 : memref<!tpu.dma_semaphore, #tpu.memory_space<semaphore_mem>>) src(%arg9 : memref<80xf32, #tpu.memory_space<vmem>>) dst(%dma_wait3A_274 : memref<10240xf32, #tpu.memory_space<vmem_shared>>)
      %dma_wait3A_275 = arith.constant 0 : i32
      %dma_wait3A_276 = tpu.memref_slice %arg8[%add3A_166, %dma_wait3A_275] : memref<128x80xi32, #tpu.memory_space<vmem>> -> memref<1x80xi32, #tpu.memory_space<vmem>>
      %dma_wait3A_277 = tpu.memref_squeeze %dma_wait3A_276 : memref<1x80xi32, #tpu.memory_space<vmem>> -> memref<80xi32, #tpu.memory_space<vmem>>
      %dma_wait3A_278 = arith.constant 0 : i32
      %dma_wait3A_279 = tpu.memref_slice %arg11[%dma_wait3A_278] : memref<10240xf32, #tpu.memory_space<vmem_shared>> -> memref<10240xf32, #tpu.memory_space<vmem_shared>>
      tpu.wait_indirect_dma semaphore(%arg12 : memref<!tpu.dma_semaphore, #tpu.memory_space<semaphore_mem>>) src(%arg9 : memref<80xf32, #tpu.memory_space<vmem>>) dst(%dma_wait3A_279 : memref<10240xf32, #tpu.memory_space<vmem_shared>>)
      %dma_wait3A_280 = arith.constant 0 : i32
      %dma_wait3A_281 = tpu.memref_slice %arg7[%add3A_173, %dma_wait3A_280] : memref<128x80xi32, #tpu.memory_space<vmem>> -> memref<1x80xi32, #tpu.memory_space<vmem>>
      %dma_wait3A_282 = tpu.memref_squeeze %dma_wait3A_281 : memref<1x80xi32, #tpu.memory_space<vmem>> -> memref<80xi32, #tpu.memory_space<vmem>>
      %dma_wait3A_283 = arith.constant 0 : i32
      %dma_wait3A_284 = tpu.memref_slice %arg10[%dma_wait3A_283] : memref<10240xf32, #tpu.memory_space<vmem_shared>> -> memref<10240xf32, #tpu.memory_space<vmem_shared>>
      tpu.wait_indirect_dma semaphore(%arg12 : memref<!tpu.dma_semaphore, #tpu.memory_space<semaphore_mem>>) src(%arg9 : memref<80xf32, #tpu.memory_space<vmem>>) dst(%dma_wait3A_284 : memref<10240xf32, #tpu.memory_space<vmem_shared>>)
      %dma_wait3A_285 = arith.constant 0 : i32
      %dma_wait3A_286 = tpu.memref_slice %arg8[%add3A_180, %dma_wait3A_285] : memref<128x80xi32, #tpu.memory_space<vmem>> -> memref<1x80xi32, #tpu.memory_space<vmem>>
      %dma_wait3A_287 = tpu.memref_squeeze %dma_wait3A_286 : memref<1x80xi32, #tpu.memory_space<vmem>> -> memref<80xi32, #tpu.memory_space<vmem>>
      %dma_wait3A_288 = arith.constant 0 : i32
      %dma_wait3A_289 = tpu.memref_slice %arg11[%dma_wait3A_288] : memref<10240xf32, #tpu.memory_space<vmem_shared>> -> memref<10240xf32, #tpu.memory_space<vmem_shared>>
      tpu.wait_indirect_dma semaphore(%arg12 : memref<!tpu.dma_semaphore, #tpu.memory_space<semaphore_mem>>) src(%arg9 : memref<80xf32, #tpu.memory_space<vmem>>) dst(%dma_wait3A_289 : memref<10240xf32, #tpu.memory_space<vmem_shared>>)
      %dma_wait3A_290 = arith.constant 0 : i32
      %dma_wait3A_291 = tpu.memref_slice %arg7[%add3A_187, %dma_wait3A_290] : memref<128x80xi32, #tpu.memory_space<vmem>> -> memref<1x80xi32, #tpu.memory_space<vmem>>
      %dma_wait3A_292 = tpu.memref_squeeze %dma_wait3A_291 : memref<1x80xi32, #tpu.memory_space<vmem>> -> memref<80xi32, #tpu.memory_space<vmem>>
      %dma_wait3A_293 = arith.constant 0 : i32
      %dma_wait3A_294 = tpu.memref_slice %arg10[%dma_wait3A_293] : memref<10240xf32, #tpu.memory_space<vmem_shared>> -> memref<10240xf32, #tpu.memory_space<vmem_shared>>
      tpu.wait_indirect_dma semaphore(%arg12 : memref<!tpu.dma_semaphore, #tpu.memory_space<semaphore_mem>>) src(%arg9 : memref<80xf32, #tpu.memory_space<vmem>>) dst(%dma_wait3A_294 : memref<10240xf32, #tpu.memory_space<vmem_shared>>)
      %dma_wait3A_295 = arith.constant 0 : i32
      %dma_wait3A_296 = tpu.memref_slice %arg8[%add3A_194, %dma_wait3A_295] : memref<128x80xi32, #tpu.memory_space<vmem>> -> memref<1x80xi32, #tpu.memory_space<vmem>>
      %dma_wait3A_297 = tpu.memref_squeeze %dma_wait3A_296 : memref<1x80xi32, #tpu.memory_space<vmem>> -> memref<80xi32, #tpu.memory_space<vmem>>
      %dma_wait3A_298 = arith.constant 0 : i32
      %dma_wait3A_299 = tpu.memref_slice %arg11[%dma_wait3A_298] : memref<10240xf32, #tpu.memory_space<vmem_shared>> -> memref<10240xf32, #tpu.memory_space<vmem_shared>>
      tpu.wait_indirect_dma semaphore(%arg12 : memref<!tpu.dma_semaphore, #tpu.memory_space<semaphore_mem>>) src(%arg9 : memref<80xf32, #tpu.memory_space<vmem>>) dst(%dma_wait3A_299 : memref<10240xf32, #tpu.memory_space<vmem_shared>>)
      %dma_wait3A_300 = arith.constant 0 : i32
      %dma_wait3A_301 = tpu.memref_slice %arg7[%add3A_201, %dma_wait3A_300] : memref<128x80xi32, #tpu.memory_space<vmem>> -> memref<1x80xi32, #tpu.memory_space<vmem>>
      %dma_wait3A_302 = tpu.memref_squeeze %dma_wait3A_301 : memref<1x80xi32, #tpu.memory_space<vmem>> -> memref<80xi32, #tpu.memory_space<vmem>>
      %dma_wait3A_303 = arith.constant 0 : i32
      %dma_wait3A_304 = tpu.memref_slice %arg10[%dma_wait3A_303] : memref<10240xf32, #tpu.memory_space<vmem_shared>> -> memref<10240xf32, #tpu.memory_space<vmem_shared>>
      tpu.wait_indirect_dma semaphore(%arg12 : memref<!tpu.dma_semaphore, #tpu.memory_space<semaphore_mem>>) src(%arg9 : memref<80xf32, #tpu.memory_space<vmem>>) dst(%dma_wait3A_304 : memref<10240xf32, #tpu.memory_space<vmem_shared>>)
      %dma_wait3A_305 = arith.constant 0 : i32
      %dma_wait3A_306 = tpu.memref_slice %arg8[%add3A_208, %dma_wait3A_305] : memref<128x80xi32, #tpu.memory_space<vmem>> -> memref<1x80xi32, #tpu.memory_space<vmem>>
      %dma_wait3A_307 = tpu.memref_squeeze %dma_wait3A_306 : memref<1x80xi32, #tpu.memory_space<vmem>> -> memref<80xi32, #tpu.memory_space<vmem>>
      %dma_wait3A_308 = arith.constant 0 : i32
      %dma_wait3A_309 = tpu.memref_slice %arg11[%dma_wait3A_308] : memref<10240xf32, #tpu.memory_space<vmem_shared>> -> memref<10240xf32, #tpu.memory_space<vmem_shared>>
      tpu.wait_indirect_dma semaphore(%arg12 : memref<!tpu.dma_semaphore, #tpu.memory_space<semaphore_mem>>) src(%arg9 : memref<80xf32, #tpu.memory_space<vmem>>) dst(%dma_wait3A_309 : memref<10240xf32, #tpu.memory_space<vmem_shared>>)
      %dma_wait3A_310 = arith.constant 0 : i32
      %dma_wait3A_311 = tpu.memref_slice %arg7[%add3A_215, %dma_wait3A_310] : memref<128x80xi32, #tpu.memory_space<vmem>> -> memref<1x80xi32, #tpu.memory_space<vmem>>
      %dma_wait3A_312 = tpu.memref_squeeze %dma_wait3A_311 : memref<1x80xi32, #tpu.memory_space<vmem>> -> memref<80xi32, #tpu.memory_space<vmem>>
      %dma_wait3A_313 = arith.constant 0 : i32
      %dma_wait3A_314 = tpu.memref_slice %arg10[%dma_wait3A_313] : memref<10240xf32, #tpu.memory_space<vmem_shared>> -> memref<10240xf32, #tpu.memory_space<vmem_shared>>
      tpu.wait_indirect_dma semaphore(%arg12 : memref<!tpu.dma_semaphore, #tpu.memory_space<semaphore_mem>>) src(%arg9 : memref<80xf32, #tpu.memory_space<vmem>>) dst(%dma_wait3A_314 : memref<10240xf32, #tpu.memory_space<vmem_shared>>)
      %dma_wait3A_315 = arith.constant 0 : i32
      %dma_wait3A_316 = tpu.memref_slice %arg8[%add3A_222, %dma_wait3A_315] : memref<128x80xi32, #tpu.memory_space<vmem>> -> memref<1x80xi32, #tpu.memory_space<vmem>>
      %dma_wait3A_317 = tpu.memref_squeeze %dma_wait3A_316 : memref<1x80xi32, #tpu.memory_space<vmem>> -> memref<80xi32, #tpu.memory_space<vmem>>
      %dma_wait3A_318 = arith.constant 0 : i32
      %dma_wait3A_319 = tpu.memref_slice %arg11[%dma_wait3A_318] : memref<10240xf32, #tpu.memory_space<vmem_shared>> -> memref<10240xf32, #tpu.memory_space<vmem_shared>>
      tpu.wait_indirect_dma semaphore(%arg12 : memref<!tpu.dma_semaphore, #tpu.memory_space<semaphore_mem>>) src(%arg9 : memref<80xf32, #tpu.memory_space<vmem>>) dst(%dma_wait3A_319 : memref<10240xf32, #tpu.memory_space<vmem_shared>>)
      %dma_wait3A_320 = arith.constant 0 : i32
      %dma_wait3A_321 = tpu.memref_slice %arg7[%add3A_229, %dma_wait3A_320] : memref<128x80xi32, #tpu.memory_space<vmem>> -> memref<1x80xi32, #tpu.memory_space<vmem>>
      %dma_wait3A_322 = tpu.memref_squeeze %dma_wait3A_321 : memref<1x80xi32, #tpu.memory_space<vmem>> -> memref<80xi32, #tpu.memory_space<vmem>>
      %dma_wait3A_323 = arith.constant 0 : i32
      %dma_wait3A_324 = tpu.memref_slice %arg10[%dma_wait3A_323] : memref<10240xf32, #tpu.memory_space<vmem_shared>> -> memref<10240xf32, #tpu.memory_space<vmem_shared>>
      tpu.wait_indirect_dma semaphore(%arg12 : memref<!tpu.dma_semaphore, #tpu.memory_space<semaphore_mem>>) src(%arg9 : memref<80xf32, #tpu.memory_space<vmem>>) dst(%dma_wait3A_324 : memref<10240xf32, #tpu.memory_space<vmem_shared>>)
      %dma_wait3A_325 = arith.constant 0 : i32
      %dma_wait3A_326 = tpu.memref_slice %arg8[%add3A_236, %dma_wait3A_325] : memref<128x80xi32, #tpu.memory_space<vmem>> -> memref<1x80xi32, #tpu.memory_space<vmem>>
      %dma_wait3A_327 = tpu.memref_squeeze %dma_wait3A_326 : memref<1x80xi32, #tpu.memory_space<vmem>> -> memref<80xi32, #tpu.memory_space<vmem>>
      %dma_wait3A_328 = arith.constant 0 : i32
      %dma_wait3A_329 = tpu.memref_slice %arg11[%dma_wait3A_328] : memref<10240xf32, #tpu.memory_space<vmem_shared>> -> memref<10240xf32, #tpu.memory_space<vmem_shared>>
      tpu.wait_indirect_dma semaphore(%arg12 : memref<!tpu.dma_semaphore, #tpu.memory_space<semaphore_mem>>) src(%arg9 : memref<80xf32, #tpu.memory_space<vmem>>) dst(%dma_wait3A_329 : memref<10240xf32, #tpu.memory_space<vmem_shared>>)
      %dma_wait3A_330 = arith.constant 0 : i32
      %dma_wait3A_331 = tpu.memref_slice %arg7[%add3A_243, %dma_wait3A_330] : memref<128x80xi32, #tpu.memory_space<vmem>> -> memref<1x80xi32, #tpu.memory_space<vmem>>
      %dma_wait3A_332 = tpu.memref_squeeze %dma_wait3A_331 : memref<1x80xi32, #tpu.memory_space<vmem>> -> memref<80xi32, #tpu.memory_space<vmem>>
      %dma_wait3A_333 = arith.constant 0 : i32
      %dma_wait3A_334 = tpu.memref_slice %arg10[%dma_wait3A_333] : memref<10240xf32, #tpu.memory_space<vmem_shared>> -> memref<10240xf32, #tpu.memory_space<vmem_shared>>
      tpu.wait_indirect_dma semaphore(%arg12 : memref<!tpu.dma_semaphore, #tpu.memory_space<semaphore_mem>>) src(%arg9 : memref<80xf32, #tpu.memory_space<vmem>>) dst(%dma_wait3A_334 : memref<10240xf32, #tpu.memory_space<vmem_shared>>)
      %dma_wait3A_335 = arith.constant 0 : i32
      %dma_wait3A_336 = tpu.memref_slice %arg8[%add3A_250, %dma_wait3A_335] : memref<128x80xi32, #tpu.memory_space<vmem>> -> memref<1x80xi32, #tpu.memory_space<vmem>>
      %dma_wait3A_337 = tpu.memref_squeeze %dma_wait3A_336 : memref<1x80xi32, #tpu.memory_space<vmem>> -> memref<80xi32, #tpu.memory_space<vmem>>
      %dma_wait3A_338 = arith.constant 0 : i32
      %dma_wait3A_339 = tpu.memref_slice %arg11[%dma_wait3A_338] : memref<10240xf32, #tpu.memory_space<vmem_shared>> -> memref<10240xf32, #tpu.memory_space<vmem_shared>>
      tpu.wait_indirect_dma semaphore(%arg12 : memref<!tpu.dma_semaphore, #tpu.memory_space<semaphore_mem>>) src(%arg9 : memref<80xf32, #tpu.memory_space<vmem>>) dst(%dma_wait3A_339 : memref<10240xf32, #tpu.memory_space<vmem_shared>>)
      %dma_wait3A_340 = arith.constant 0 : i32
      %dma_wait3A_341 = tpu.memref_slice %arg7[%add3A_257, %dma_wait3A_340] : memref<128x80xi32, #tpu.memory_space<vmem>> -> memref<1x80xi32, #tpu.memory_space<vmem>>
      %dma_wait3A_342 = tpu.memref_squeeze %dma_wait3A_341 : memref<1x80xi32, #tpu.memory_space<vmem>> -> memref<80xi32, #tpu.memory_space<vmem>>
      %dma_wait3A_343 = arith.constant 0 : i32
      %dma_wait3A_344 = tpu.memref_slice %arg10[%dma_wait3A_343] : memref<10240xf32, #tpu.memory_space<vmem_shared>> -> memref<10240xf32, #tpu.memory_space<vmem_shared>>
      tpu.wait_indirect_dma semaphore(%arg12 : memref<!tpu.dma_semaphore, #tpu.memory_space<semaphore_mem>>) src(%arg9 : memref<80xf32, #tpu.memory_space<vmem>>) dst(%dma_wait3A_344 : memref<10240xf32, #tpu.memory_space<vmem_shared>>)
      %dma_wait3A_345 = arith.constant 0 : i32
      %dma_wait3A_346 = tpu.memref_slice %arg8[%add3A_264, %dma_wait3A_345] : memref<128x80xi32, #tpu.memory_space<vmem>> -> memref<1x80xi32, #tpu.memory_space<vmem>>
      %dma_wait3A_347 = tpu.memref_squeeze %dma_wait3A_346 : memref<1x80xi32, #tpu.memory_space<vmem>> -> memref<80xi32, #tpu.memory_space<vmem>>
      %dma_wait3A_348 = arith.constant 0 : i32
      %dma_wait3A_349 = tpu.memref_slice %arg11[%dma_wait3A_348] : memref<10240xf32, #tpu.memory_space<vmem_shared>> -> memref<10240xf32, #tpu.memory_space<vmem_shared>>
      tpu.wait_indirect_dma semaphore(%arg12 : memref<!tpu.dma_semaphore, #tpu.memory_space<semaphore_mem>>) src(%arg9 : memref<80xf32, #tpu.memory_space<vmem>>) dst(%dma_wait3A_349 : memref<10240xf32, #tpu.memory_space<vmem_shared>>)
    }
    %scan3A_35 = arith.constant 15 : i32
    %dma_start3A = arith.constant 120 : i32
    %dma_start3A_36 = arith.constant 0 : i32
    %dma_start3A_37 = tpu.memref_slice %arg7[%dma_start3A, %dma_start3A_36] : memref<128x80xi32, #tpu.memory_space<vmem>> -> memref<1x80xi32, #tpu.memory_space<vmem>>
    %dma_start3A_38 = tpu.memref_squeeze %dma_start3A_37 : memref<1x80xi32, #tpu.memory_space<vmem>> -> memref<80xi32, #tpu.memory_space<vmem>>
    %dma_start3A_39 = arith.constant 0 : i32
    %dma_start3A_40 = tpu.memref_slice %arg10[%dma_start3A_39] : memref<10240xf32, #tpu.memory_space<vmem_shared>> -> memref<10240xf32, #tpu.memory_space<vmem_shared>>
    tpu.enqueue_indirect_dma source(%arg9 : memref<80xf32, #tpu.memory_space<vmem>>) target(%dma_start3A_40 : memref<10240xf32, #tpu.memory_space<vmem_shared>>) offsets(%dma_start3A_38 : memref<80xi32, #tpu.memory_space<vmem>>) semaphore(%arg12 : memref<!tpu.dma_semaphore, #tpu.memory_space<semaphore_mem>>) {add = true}
    %dma_start3A_41 = arith.constant 120 : i32
    %dma_start3A_42 = arith.constant 0 : i32
    %dma_start3A_43 = tpu.memref_slice %arg8[%dma_start3A_41, %dma_start3A_42] : memref<128x80xi32, #tpu.memory_space<vmem>> -> memref<1x80xi32, #tpu.memory_space<vmem>>
    %dma_start3A_44 = tpu.memref_squeeze %dma_start3A_43 : memref<1x80xi32, #tpu.memory_space<vmem>> -> memref<80xi32, #tpu.memory_space<vmem>>
    %dma_start3A_45 = arith.constant 0 : i32
    %dma_start3A_46 = tpu.memref_slice %arg11[%dma_start3A_45] : memref<10240xf32, #tpu.memory_space<vmem_shared>> -> memref<10240xf32, #tpu.memory_space<vmem_shared>>
    tpu.enqueue_indirect_dma source(%arg9 : memref<80xf32, #tpu.memory_space<vmem>>) target(%dma_start3A_46 : memref<10240xf32, #tpu.memory_space<vmem_shared>>) offsets(%dma_start3A_44 : memref<80xi32, #tpu.memory_space<vmem>>) semaphore(%arg12 : memref<!tpu.dma_semaphore, #tpu.memory_space<semaphore_mem>>) {add = true}
    %dma_start3A_47 = arith.constant 121 : i32
    %dma_start3A_48 = arith.constant 0 : i32
    %dma_start3A_49 = tpu.memref_slice %arg7[%dma_start3A_47, %dma_start3A_48] : memref<128x80xi32, #tpu.memory_space<vmem>> -> memref<1x80xi32, #tpu.memory_space<vmem>>
    %dma_start3A_50 = tpu.memref_squeeze %dma_start3A_49 : memref<1x80xi32, #tpu.memory_space<vmem>> -> memref<80xi32, #tpu.memory_space<vmem>>
    %dma_start3A_51 = arith.constant 0 : i32
    %dma_start3A_52 = tpu.memref_slice %arg10[%dma_start3A_51] : memref<10240xf32, #tpu.memory_space<vmem_shared>> -> memref<10240xf32, #tpu.memory_space<vmem_shared>>
    tpu.enqueue_indirect_dma source(%arg9 : memref<80xf32, #tpu.memory_space<vmem>>) target(%dma_start3A_52 : memref<10240xf32, #tpu.memory_space<vmem_shared>>) offsets(%dma_start3A_50 : memref<80xi32, #tpu.memory_space<vmem>>) semaphore(%arg12 : memref<!tpu.dma_semaphore, #tpu.memory_space<semaphore_mem>>) {add = true}
    %dma_start3A_53 = arith.constant 121 : i32
    %dma_start3A_54 = arith.constant 0 : i32
    %dma_start3A_55 = tpu.memref_slice %arg8[%dma_start3A_53, %dma_start3A_54] : memref<128x80xi32, #tpu.memory_space<vmem>> -> memref<1x80xi32, #tpu.memory_space<vmem>>
    %dma_start3A_56 = tpu.memref_squeeze %dma_start3A_55 : memref<1x80xi32, #tpu.memory_space<vmem>> -> memref<80xi32, #tpu.memory_space<vmem>>
    %dma_start3A_57 = arith.constant 0 : i32
    %dma_start3A_58 = tpu.memref_slice %arg11[%dma_start3A_57] : memref<10240xf32, #tpu.memory_space<vmem_shared>> -> memref<10240xf32, #tpu.memory_space<vmem_shared>>
    tpu.enqueue_indirect_dma source(%arg9 : memref<80xf32, #tpu.memory_space<vmem>>) target(%dma_start3A_58 : memref<10240xf32, #tpu.memory_space<vmem_shared>>) offsets(%dma_start3A_56 : memref<80xi32, #tpu.memory_space<vmem>>) semaphore(%arg12 : memref<!tpu.dma_semaphore, #tpu.memory_space<semaphore_mem>>) {add = true}
    %dma_start3A_59 = arith.constant 122 : i32
    %dma_start3A_60 = arith.constant 0 : i32
    %dma_start3A_61 = tpu.memref_slice %arg7[%dma_start3A_59, %dma_start3A_60] : memref<128x80xi32, #tpu.memory_space<vmem>> -> memref<1x80xi32, #tpu.memory_space<vmem>>
    %dma_start3A_62 = tpu.memref_squeeze %dma_start3A_61 : memref<1x80xi32, #tpu.memory_space<vmem>> -> memref<80xi32, #tpu.memory_space<vmem>>
    %dma_start3A_63 = arith.constant 0 : i32
    %dma_start3A_64 = tpu.memref_slice %arg10[%dma_start3A_63] : memref<10240xf32, #tpu.memory_space<vmem_shared>> -> memref<10240xf32, #tpu.memory_space<vmem_shared>>
    tpu.enqueue_indirect_dma source(%arg9 : memref<80xf32, #tpu.memory_space<vmem>>) target(%dma_start3A_64 : memref<10240xf32, #tpu.memory_space<vmem_shared>>) offsets(%dma_start3A_62 : memref<80xi32, #tpu.memory_space<vmem>>) semaphore(%arg12 : memref<!tpu.dma_semaphore, #tpu.memory_space<semaphore_mem>>) {add = true}
    %dma_start3A_65 = arith.constant 122 : i32
    %dma_start3A_66 = arith.constant 0 : i32
    %dma_start3A_67 = tpu.memref_slice %arg8[%dma_start3A_65, %dma_start3A_66] : memref<128x80xi32, #tpu.memory_space<vmem>> -> memref<1x80xi32, #tpu.memory_space<vmem>>
    %dma_start3A_68 = tpu.memref_squeeze %dma_start3A_67 : memref<1x80xi32, #tpu.memory_space<vmem>> -> memref<80xi32, #tpu.memory_space<vmem>>
    %dma_start3A_69 = arith.constant 0 : i32
    %dma_start3A_70 = tpu.memref_slice %arg11[%dma_start3A_69] : memref<10240xf32, #tpu.memory_space<vmem_shared>> -> memref<10240xf32, #tpu.memory_space<vmem_shared>>
    tpu.enqueue_indirect_dma source(%arg9 : memref<80xf32, #tpu.memory_space<vmem>>) target(%dma_start3A_70 : memref<10240xf32, #tpu.memory_space<vmem_shared>>) offsets(%dma_start3A_68 : memref<80xi32, #tpu.memory_space<vmem>>) semaphore(%arg12 : memref<!tpu.dma_semaphore, #tpu.memory_space<semaphore_mem>>) {add = true}
    %dma_start3A_71 = arith.constant 123 : i32
    %dma_start3A_72 = arith.constant 0 : i32
    %dma_start3A_73 = tpu.memref_slice %arg7[%dma_start3A_71, %dma_start3A_72] : memref<128x80xi32, #tpu.memory_space<vmem>> -> memref<1x80xi32, #tpu.memory_space<vmem>>
    %dma_start3A_74 = tpu.memref_squeeze %dma_start3A_73 : memref<1x80xi32, #tpu.memory_space<vmem>> -> memref<80xi32, #tpu.memory_space<vmem>>
    %dma_start3A_75 = arith.constant 0 : i32
    %dma_start3A_76 = tpu.memref_slice %arg10[%dma_start3A_75] : memref<10240xf32, #tpu.memory_space<vmem_shared>> -> memref<10240xf32, #tpu.memory_space<vmem_shared>>
    tpu.enqueue_indirect_dma source(%arg9 : memref<80xf32, #tpu.memory_space<vmem>>) target(%dma_start3A_76 : memref<10240xf32, #tpu.memory_space<vmem_shared>>) offsets(%dma_start3A_74 : memref<80xi32, #tpu.memory_space<vmem>>) semaphore(%arg12 : memref<!tpu.dma_semaphore, #tpu.memory_space<semaphore_mem>>) {add = true}
    %dma_start3A_77 = arith.constant 123 : i32
    %dma_start3A_78 = arith.constant 0 : i32
    %dma_start3A_79 = tpu.memref_slice %arg8[%dma_start3A_77, %dma_start3A_78] : memref<128x80xi32, #tpu.memory_space<vmem>> -> memref<1x80xi32, #tpu.memory_space<vmem>>
    %dma_start3A_80 = tpu.memref_squeeze %dma_start3A_79 : memref<1x80xi32, #tpu.memory_space<vmem>> -> memref<80xi32, #tpu.memory_space<vmem>>
    %dma_start3A_81 = arith.constant 0 : i32
    %dma_start3A_82 = tpu.memref_slice %arg11[%dma_start3A_81] : memref<10240xf32, #tpu.memory_space<vmem_shared>> -> memref<10240xf32, #tpu.memory_space<vmem_shared>>
    tpu.enqueue_indirect_dma source(%arg9 : memref<80xf32, #tpu.memory_space<vmem>>) target(%dma_start3A_82 : memref<10240xf32, #tpu.memory_space<vmem_shared>>) offsets(%dma_start3A_80 : memref<80xi32, #tpu.memory_space<vmem>>) semaphore(%arg12 : memref<!tpu.dma_semaphore, #tpu.memory_space<semaphore_mem>>) {add = true}
    %dma_start3A_83 = arith.constant 124 : i32
    %dma_start3A_84 = arith.constant 0 : i32
    %dma_start3A_85 = tpu.memref_slice %arg7[%dma_start3A_83, %dma_start3A_84] : memref<128x80xi32, #tpu.memory_space<vmem>> -> memref<1x80xi32, #tpu.memory_space<vmem>>
    %dma_start3A_86 = tpu.memref_squeeze %dma_start3A_85 : memref<1x80xi32, #tpu.memory_space<vmem>> -> memref<80xi32, #tpu.memory_space<vmem>>
    %dma_start3A_87 = arith.constant 0 : i32
    %dma_start3A_88 = tpu.memref_slice %arg10[%dma_start3A_87] : memref<10240xf32, #tpu.memory_space<vmem_shared>> -> memref<10240xf32, #tpu.memory_space<vmem_shared>>
    tpu.enqueue_indirect_dma source(%arg9 : memref<80xf32, #tpu.memory_space<vmem>>) target(%dma_start3A_88 : memref<10240xf32, #tpu.memory_space<vmem_shared>>) offsets(%dma_start3A_86 : memref<80xi32, #tpu.memory_space<vmem>>) semaphore(%arg12 : memref<!tpu.dma_semaphore, #tpu.memory_space<semaphore_mem>>) {add = true}
    %dma_start3A_89 = arith.constant 124 : i32
    %dma_start3A_90 = arith.constant 0 : i32
    %dma_start3A_91 = tpu.memref_slice %arg8[%dma_start3A_89, %dma_start3A_90] : memref<128x80xi32, #tpu.memory_space<vmem>> -> memref<1x80xi32, #tpu.memory_space<vmem>>
    %dma_start3A_92 = tpu.memref_squeeze %dma_start3A_91 : memref<1x80xi32, #tpu.memory_space<vmem>> -> memref<80xi32, #tpu.memory_space<vmem>>
    %dma_start3A_93 = arith.constant 0 : i32
    %dma_start3A_94 = tpu.memref_slice %arg11[%dma_start3A_93] : memref<10240xf32, #tpu.memory_space<vmem_shared>> -> memref<10240xf32, #tpu.memory_space<vmem_shared>>
    tpu.enqueue_indirect_dma source(%arg9 : memref<80xf32, #tpu.memory_space<vmem>>) target(%dma_start3A_94 : memref<10240xf32, #tpu.memory_space<vmem_shared>>) offsets(%dma_start3A_92 : memref<80xi32, #tpu.memory_space<vmem>>) semaphore(%arg12 : memref<!tpu.dma_semaphore, #tpu.memory_space<semaphore_mem>>) {add = true}
    %dma_wait3A = arith.constant 120 : i32
    %dma_wait3A_95 = arith.constant 0 : i32
    %dma_wait3A_96 = tpu.memref_slice %arg7[%dma_wait3A, %dma_wait3A_95] : memref<128x80xi32, #tpu.memory_space<vmem>> -> memref<1x80xi32, #tpu.memory_space<vmem>>
    %dma_wait3A_97 = tpu.memref_squeeze %dma_wait3A_96 : memref<1x80xi32, #tpu.memory_space<vmem>> -> memref<80xi32, #tpu.memory_space<vmem>>
    %dma_wait3A_98 = arith.constant 0 : i32
    %dma_wait3A_99 = tpu.memref_slice %arg10[%dma_wait3A_98] : memref<10240xf32, #tpu.memory_space<vmem_shared>> -> memref<10240xf32, #tpu.memory_space<vmem_shared>>
    tpu.wait_indirect_dma semaphore(%arg12 : memref<!tpu.dma_semaphore, #tpu.memory_space<semaphore_mem>>) src(%arg9 : memref<80xf32, #tpu.memory_space<vmem>>) dst(%dma_wait3A_99 : memref<10240xf32, #tpu.memory_space<vmem_shared>>)
    %dma_wait3A_100 = arith.constant 120 : i32
    %dma_wait3A_101 = arith.constant 0 : i32
    %dma_wait3A_102 = tpu.memref_slice %arg8[%dma_wait3A_100, %dma_wait3A_101] : memref<128x80xi32, #tpu.memory_space<vmem>> -> memref<1x80xi32, #tpu.memory_space<vmem>>
    %dma_wait3A_103 = tpu.memref_squeeze %dma_wait3A_102 : memref<1x80xi32, #tpu.memory_space<vmem>> -> memref<80xi32, #tpu.memory_space<vmem>>
    %dma_wait3A_104 = arith.constant 0 : i32
    %dma_wait3A_105 = tpu.memref_slice %arg11[%dma_wait3A_104] : memref<10240xf32, #tpu.memory_space<vmem_shared>> -> memref<10240xf32, #tpu.memory_space<vmem_shared>>
    tpu.wait_indirect_dma semaphore(%arg12 : memref<!tpu.dma_semaphore, #tpu.memory_space<semaphore_mem>>) src(%arg9 : memref<80xf32, #tpu.memory_space<vmem>>) dst(%dma_wait3A_105 : memref<10240xf32, #tpu.memory_space<vmem_shared>>)
    %dma_wait3A_106 = arith.constant 121 : i32
    %dma_wait3A_107 = arith.constant 0 : i32
    %dma_wait3A_108 = tpu.memref_slice %arg7[%dma_wait3A_106, %dma_wait3A_107] : memref<128x80xi32, #tpu.memory_space<vmem>> -> memref<1x80xi32, #tpu.memory_space<vmem>>
    %dma_wait3A_109 = tpu.memref_squeeze %dma_wait3A_108 : memref<1x80xi32, #tpu.memory_space<vmem>> -> memref<80xi32, #tpu.memory_space<vmem>>
    %dma_wait3A_110 = arith.constant 0 : i32
    %dma_wait3A_111 = tpu.memref_slice %arg10[%dma_wait3A_110] : memref<10240xf32, #tpu.memory_space<vmem_shared>> -> memref<10240xf32, #tpu.memory_space<vmem_shared>>
    tpu.wait_indirect_dma semaphore(%arg12 : memref<!tpu.dma_semaphore, #tpu.memory_space<semaphore_mem>>) src(%arg9 : memref<80xf32, #tpu.memory_space<vmem>>) dst(%dma_wait3A_111 : memref<10240xf32, #tpu.memory_space<vmem_shared>>)
    %dma_wait3A_112 = arith.constant 121 : i32
    %dma_wait3A_113 = arith.constant 0 : i32
    %dma_wait3A_114 = tpu.memref_slice %arg8[%dma_wait3A_112, %dma_wait3A_113] : memref<128x80xi32, #tpu.memory_space<vmem>> -> memref<1x80xi32, #tpu.memory_space<vmem>>
    %dma_wait3A_115 = tpu.memref_squeeze %dma_wait3A_114 : memref<1x80xi32, #tpu.memory_space<vmem>> -> memref<80xi32, #tpu.memory_space<vmem>>
    %dma_wait3A_116 = arith.constant 0 : i32
    %dma_wait3A_117 = tpu.memref_slice %arg11[%dma_wait3A_116] : memref<10240xf32, #tpu.memory_space<vmem_shared>> -> memref<10240xf32, #tpu.memory_space<vmem_shared>>
    tpu.wait_indirect_dma semaphore(%arg12 : memref<!tpu.dma_semaphore, #tpu.memory_space<semaphore_mem>>) src(%arg9 : memref<80xf32, #tpu.memory_space<vmem>>) dst(%dma_wait3A_117 : memref<10240xf32, #tpu.memory_space<vmem_shared>>)
    %dma_wait3A_118 = arith.constant 122 : i32
    %dma_wait3A_119 = arith.constant 0 : i32
    %dma_wait3A_120 = tpu.memref_slice %arg7[%dma_wait3A_118, %dma_wait3A_119] : memref<128x80xi32, #tpu.memory_space<vmem>> -> memref<1x80xi32, #tpu.memory_space<vmem>>
    %dma_wait3A_121 = tpu.memref_squeeze %dma_wait3A_120 : memref<1x80xi32, #tpu.memory_space<vmem>> -> memref<80xi32, #tpu.memory_space<vmem>>
    %dma_wait3A_122 = arith.constant 0 : i32
    %dma_wait3A_123 = tpu.memref_slice %arg10[%dma_wait3A_122] : memref<10240xf32, #tpu.memory_space<vmem_shared>> -> memref<10240xf32, #tpu.memory_space<vmem_shared>>
    tpu.wait_indirect_dma semaphore(%arg12 : memref<!tpu.dma_semaphore, #tpu.memory_space<semaphore_mem>>) src(%arg9 : memref<80xf32, #tpu.memory_space<vmem>>) dst(%dma_wait3A_123 : memref<10240xf32, #tpu.memory_space<vmem_shared>>)
    %dma_wait3A_124 = arith.constant 122 : i32
    %dma_wait3A_125 = arith.constant 0 : i32
    %dma_wait3A_126 = tpu.memref_slice %arg8[%dma_wait3A_124, %dma_wait3A_125] : memref<128x80xi32, #tpu.memory_space<vmem>> -> memref<1x80xi32, #tpu.memory_space<vmem>>
    %dma_wait3A_127 = tpu.memref_squeeze %dma_wait3A_126 : memref<1x80xi32, #tpu.memory_space<vmem>> -> memref<80xi32, #tpu.memory_space<vmem>>
    %dma_wait3A_128 = arith.constant 0 : i32
    %dma_wait3A_129 = tpu.memref_slice %arg11[%dma_wait3A_128] : memref<10240xf32, #tpu.memory_space<vmem_shared>> -> memref<10240xf32, #tpu.memory_space<vmem_shared>>
    tpu.wait_indirect_dma semaphore(%arg12 : memref<!tpu.dma_semaphore, #tpu.memory_space<semaphore_mem>>) src(%arg9 : memref<80xf32, #tpu.memory_space<vmem>>) dst(%dma_wait3A_129 : memref<10240xf32, #tpu.memory_space<vmem_shared>>)
    %dma_wait3A_130 = arith.constant 123 : i32
    %dma_wait3A_131 = arith.constant 0 : i32
    %dma_wait3A_132 = tpu.memref_slice %arg7[%dma_wait3A_130, %dma_wait3A_131] : memref<128x80xi32, #tpu.memory_space<vmem>> -> memref<1x80xi32, #tpu.memory_space<vmem>>
    %dma_wait3A_133 = tpu.memref_squeeze %dma_wait3A_132 : memref<1x80xi32, #tpu.memory_space<vmem>> -> memref<80xi32, #tpu.memory_space<vmem>>
    %dma_wait3A_134 = arith.constant 0 : i32
    %dma_wait3A_135 = tpu.memref_slice %arg10[%dma_wait3A_134] : memref<10240xf32, #tpu.memory_space<vmem_shared>> -> memref<10240xf32, #tpu.memory_space<vmem_shared>>
    tpu.wait_indirect_dma semaphore(%arg12 : memref<!tpu.dma_semaphore, #tpu.memory_space<semaphore_mem>>) src(%arg9 : memref<80xf32, #tpu.memory_space<vmem>>) dst(%dma_wait3A_135 : memref<10240xf32, #tpu.memory_space<vmem_shared>>)
    %dma_wait3A_136 = arith.constant 123 : i32
    %dma_wait3A_137 = arith.constant 0 : i32
    %dma_wait3A_138 = tpu.memref_slice %arg8[%dma_wait3A_136, %dma_wait3A_137] : memref<128x80xi32, #tpu.memory_space<vmem>> -> memref<1x80xi32, #tpu.memory_space<vmem>>
    %dma_wait3A_139 = tpu.memref_squeeze %dma_wait3A_138 : memref<1x80xi32, #tpu.memory_space<vmem>> -> memref<80xi32, #tpu.memory_space<vmem>>
    %dma_wait3A_140 = arith.constant 0 : i32
    %dma_wait3A_141 = tpu.memref_slice %arg11[%dma_wait3A_140] : memref<10240xf32, #tpu.memory_space<vmem_shared>> -> memref<10240xf32, #tpu.memory_space<vmem_shared>>
    tpu.wait_indirect_dma semaphore(%arg12 : memref<!tpu.dma_semaphore, #tpu.memory_space<semaphore_mem>>) src(%arg9 : memref<80xf32, #tpu.memory_space<vmem>>) dst(%dma_wait3A_141 : memref<10240xf32, #tpu.memory_space<vmem_shared>>)
    %dma_wait3A_142 = arith.constant 124 : i32
    %dma_wait3A_143 = arith.constant 0 : i32
    %dma_wait3A_144 = tpu.memref_slice %arg7[%dma_wait3A_142, %dma_wait3A_143] : memref<128x80xi32, #tpu.memory_space<vmem>> -> memref<1x80xi32, #tpu.memory_space<vmem>>
    %dma_wait3A_145 = tpu.memref_squeeze %dma_wait3A_144 : memref<1x80xi32, #tpu.memory_space<vmem>> -> memref<80xi32, #tpu.memory_space<vmem>>
    %dma_wait3A_146 = arith.constant 0 : i32
    %dma_wait3A_147 = tpu.memref_slice %arg10[%dma_wait3A_146] : memref<10240xf32, #tpu.memory_space<vmem_shared>> -> memref<10240xf32, #tpu.memory_space<vmem_shared>>
    tpu.wait_indirect_dma semaphore(%arg12 : memref<!tpu.dma_semaphore, #tpu.memory_space<semaphore_mem>>) src(%arg9 : memref<80xf32, #tpu.memory_space<vmem>>) dst(%dma_wait3A_147 : memref<10240xf32, #tpu.memory_space<vmem_shared>>)
    %dma_wait3A_148 = arith.constant 124 : i32
    %dma_wait3A_149 = arith.constant 0 : i32
    %dma_wait3A_150 = tpu.memref_slice %arg8[%dma_wait3A_148, %dma_wait3A_149] : memref<128x80xi32, #tpu.memory_space<vmem>> -> memref<1x80xi32, #tpu.memory_space<vmem>>
    %dma_wait3A_151 = tpu.memref_squeeze %dma_wait3A_150 : memref<1x80xi32, #tpu.memory_space<vmem>> -> memref<80xi32, #tpu.memory_space<vmem>>
    %dma_wait3A_152 = arith.constant 0 : i32
    %dma_wait3A_153 = tpu.memref_slice %arg11[%dma_wait3A_152] : memref<10240xf32, #tpu.memory_space<vmem_shared>> -> memref<10240xf32, #tpu.memory_space<vmem_shared>>
    tpu.wait_indirect_dma semaphore(%arg12 : memref<!tpu.dma_semaphore, #tpu.memory_space<semaphore_mem>>) src(%arg9 : memref<80xf32, #tpu.memory_space<vmem>>) dst(%dma_wait3A_153 : memref<10240xf32, #tpu.memory_space<vmem_shared>>)
    %barrier3A_154 = arith.constant 0 : index
    tpu.barrier barrier_id(%barrier3A_154)
    "tpu.region"() ({
      %run_scoped3A = tpu.sem_alloc : memref<!tpu.dma_semaphore, #tpu.memory_space<semaphore_mem>>
      %dma_start3A_155 = tpu.memref_slice %arg5[%arg0, %mul3A_2] : memref<2x10240xf32, #tpu.memory_space<hbm>> -> memref<1x640xf32, #tpu.memory_space<hbm>>
      %dma_start3A_156 = tpu.memref_squeeze %dma_start3A_155 : memref<1x640xf32, #tpu.memory_space<hbm>> -> memref<640xf32, #tpu.memory_space<hbm>>
      %dma_start3A_157 = tpu.memref_slice %arg10[%mul3A_2] : memref<10240xf32, #tpu.memory_space<vmem_shared>> -> memref<640xf32, #tpu.memory_space<vmem_shared>>
      tpu.enqueue_dma source(%dma_start3A_157 : memref<640xf32, #tpu.memory_space<vmem_shared>>) target(%dma_start3A_156 : memref<640xf32, #tpu.memory_space<hbm>>) target_semaphore(%run_scoped3A : memref<!tpu.dma_semaphore, #tpu.memory_space<semaphore_mem>>)
      %dma_wait3A_158 = tpu.memref_slice %arg5[%arg0, %mul3A_2] : memref<2x10240xf32, #tpu.memory_space<hbm>> -> memref<1x640xf32, #tpu.memory_space<hbm>>
      %dma_wait3A_159 = tpu.memref_squeeze %dma_wait3A_158 : memref<1x640xf32, #tpu.memory_space<hbm>> -> memref<640xf32, #tpu.memory_space<hbm>>
      %dma_wait3A_160 = tpu.memref_slice %arg10[%mul3A_2] : memref<10240xf32, #tpu.memory_space<vmem_shared>> -> memref<640xf32, #tpu.memory_space<vmem_shared>>
      tpu.wait_dma2 semaphore(%run_scoped3A : memref<!tpu.dma_semaphore, #tpu.memory_space<semaphore_mem>>) src(%dma_wait3A_160 : memref<640xf32, #tpu.memory_space<vmem_shared>>) dst(%dma_wait3A_159 : memref<640xf32, #tpu.memory_space<hbm>>)
      tpu.yield
    }) : () -> ()
    "tpu.region"() ({
      %run_scoped3A = tpu.sem_alloc : memref<!tpu.dma_semaphore, #tpu.memory_space<semaphore_mem>>
      %dma_start3A_155 = tpu.memref_slice %arg6[%arg0, %mul3A_2] : memref<2x10240xf32, #tpu.memory_space<hbm>> -> memref<1x640xf32, #tpu.memory_space<hbm>>
      %dma_start3A_156 = tpu.memref_squeeze %dma_start3A_155 : memref<1x640xf32, #tpu.memory_space<hbm>> -> memref<640xf32, #tpu.memory_space<hbm>>
      %dma_start3A_157 = tpu.memref_slice %arg11[%mul3A_2] : memref<10240xf32, #tpu.memory_space<vmem_shared>> -> memref<640xf32, #tpu.memory_space<vmem_shared>>
      tpu.enqueue_dma source(%dma_start3A_157 : memref<640xf32, #tpu.memory_space<vmem_shared>>) target(%dma_start3A_156 : memref<640xf32, #tpu.memory_space<hbm>>) target_semaphore(%run_scoped3A : memref<!tpu.dma_semaphore, #tpu.memory_space<semaphore_mem>>)
      %dma_wait3A_158 = tpu.memref_slice %arg6[%arg0, %mul3A_2] : memref<2x10240xf32, #tpu.memory_space<hbm>> -> memref<1x640xf32, #tpu.memory_space<hbm>>
      %dma_wait3A_159 = tpu.memref_squeeze %dma_wait3A_158 : memref<1x640xf32, #tpu.memory_space<hbm>> -> memref<640xf32, #tpu.memory_space<hbm>>
      %dma_wait3A_160 = tpu.memref_slice %arg11[%mul3A_2] : memref<10240xf32, #tpu.memory_space<vmem_shared>> -> memref<640xf32, #tpu.memory_space<vmem_shared>>
      tpu.wait_dma2 semaphore(%run_scoped3A : memref<!tpu.dma_semaphore, #tpu.memory_space<semaphore_mem>>) src(%dma_wait3A_160 : memref<640xf32, #tpu.memory_space<vmem_shared>>) dst(%dma_wait3A_159 : memref<640xf32, #tpu.memory_space<hbm>>)
      tpu.yield
    }) : () -> ()
    return
  }
}

#map = affine_map<(d0, d1) -> (0, 0)>
#map1 = affine_map<(d0, d1) -> (0, 0, 0)>
module attributes {stable_mosaic.version = 14 : i64} {
  func.func @_agg_kernel(%arg0: i32, %arg1: i32, %arg2: memref<10000x128xf32, #tpu.memory_space<hbm>>, %arg3: memref<32x288x40xi32, #tpu.memory_space<hbm>>, %arg4: memref<32x288x40xi32, #tpu.memory_space<hbm>>, %arg5: memref<320000x128xf32, #tpu.memory_space<hbm>>, %arg6: memref<2x10240x128xf32, #tpu.memory_space<hbm>>, %arg7: memref<72x40xi32, #tpu.memory_space<vmem>>, %arg8: memref<72x40xi32, #tpu.memory_space<vmem>>, %arg9: memref<40x128xf32, #tpu.memory_space<vmem>>, %arg10: memref<40x128xf32, #tpu.memory_space<vmem>>, %arg11: memref<40x128xf32, #tpu.memory_space<vmem>>, %arg12: memref<40x128xf32, #tpu.memory_space<vmem>>, %arg13: memref<40x128xf32, #tpu.memory_space<vmem>>, %arg14: memref<40x128xf32, #tpu.memory_space<vmem>>, %arg15: memref<10240x128xf32, #tpu.memory_space<vmem_shared>>, %arg16: memref<!tpu.dma_semaphore, #tpu.memory_space<semaphore_mem>>, %arg17: memref<!tpu.dma_semaphore, #tpu.memory_space<semaphore_mem>>, %arg18: memref<!tpu.dma_semaphore, #tpu.memory_space<semaphore_mem>>, %arg19: memref<!tpu.dma_semaphore, #tpu.memory_space<semaphore_mem>>, %arg20: memref<!tpu.dma_semaphore, #tpu.memory_space<semaphore_mem>>, %arg21: memref<!tpu.dma_semaphore, #tpu.memory_space<semaphore_mem>>) attributes {dimension_semantics = [#tpu.dimension_semantics<core_parallel>, #tpu.dimension_semantics<subcore_parallel>], iteration_bounds = array<i64: 2, 16>, scalar_prefetch = 0 : i64, scratch_operands = 15 : i64, tpu.core_type = #tpu.core_type<sc_vector_subcore>, window_params = [{transform_indices = #map}, {transform_indices = #map1}, {transform_indices = #map1}, {transform_indices = #map}, {transform_indices = #map1}]} {
    %mul3A = arith.constant 16 : i32
    %mul3A_0 = arith.muli %arg0, %mul3A : i32
    %add3A = arith.addi %mul3A_0, %arg1 : i32
    %mul3A_1 = arith.constant 640 : i32
    %mul3A_2 = arith.muli %arg1, %mul3A_1 : i32
    %scan3A = arith.constant 0 : i32
    %scan3A_3 = arith.constant 0 : i32
    %scan3A_4 = arith.constant 40 : i32
    %scan3A_5 = arith.addi %scan3A_3, %scan3A_4 : i32
    %scan3A_6 = arith.constant 1 : i32
    scf.for %scan3A_137 = %scan3A_3 to %scan3A_5 step %scan3A_6  : i32 {
      %broadcast_in_dim3A = arith.constant 0.000000e+00 : f32
      %broadcast_in_dim3A_138 = vector.broadcast %broadcast_in_dim3A : f32 to vector<16xf32>
      %swap3A = arith.index_cast %scan3A_137 : i32 to index
      %swap3A_139 = arith.constant 0 : index
      %swap3A_140 = tpu.vector_load %arg9[%swap3A, %swap3A_139] {strides = array<i32>} : memref<40x128xf32, #tpu.memory_space<vmem>>, vector<1x16xf32>,
      %swap3A_141 = vector.shape_cast %swap3A_140 : vector<1x16xf32> to vector<16xf32>
      %swap3A_142 = vector.shape_cast %broadcast_in_dim3A_138 : vector<16xf32> to vector<1x16xf32>
      tpu.vector_store %arg9[%swap3A, %swap3A_139], %swap3A_142 {strides = array<i32>} : memref<40x128xf32, #tpu.memory_space<vmem>>, vector<1x16xf32>,
      %broadcast_in_dim3A_143 = arith.constant 0.000000e+00 : f32
      %broadcast_in_dim3A_144 = vector.broadcast %broadcast_in_dim3A_143 : f32 to vector<16xf32>
      %swap3A_145 = arith.index_cast %scan3A_137 : i32 to index
      %swap3A_146 = arith.constant 16 : index
      %swap3A_147 = tpu.vector_load %arg9[%swap3A_145, %swap3A_146] {strides = array<i32>} : memref<40x128xf32, #tpu.memory_space<vmem>>, vector<1x16xf32>,
      %swap3A_148 = vector.shape_cast %swap3A_147 : vector<1x16xf32> to vector<16xf32>
      %swap3A_149 = vector.shape_cast %broadcast_in_dim3A_144 : vector<16xf32> to vector<1x16xf32>
      tpu.vector_store %arg9[%swap3A_145, %swap3A_146], %swap3A_149 {strides = array<i32>} : memref<40x128xf32, #tpu.memory_space<vmem>>, vector<1x16xf32>,
      %broadcast_in_dim3A_150 = arith.constant 0.000000e+00 : f32
      %broadcast_in_dim3A_151 = vector.broadcast %broadcast_in_dim3A_150 : f32 to vector<16xf32>
      %swap3A_152 = arith.index_cast %scan3A_137 : i32 to index
      %swap3A_153 = arith.constant 32 : index
      %swap3A_154 = tpu.vector_load %arg9[%swap3A_152, %swap3A_153] {strides = array<i32>} : memref<40x128xf32, #tpu.memory_space<vmem>>, vector<1x16xf32>,
      %swap3A_155 = vector.shape_cast %swap3A_154 : vector<1x16xf32> to vector<16xf32>
      %swap3A_156 = vector.shape_cast %broadcast_in_dim3A_151 : vector<16xf32> to vector<1x16xf32>
      tpu.vector_store %arg9[%swap3A_152, %swap3A_153], %swap3A_156 {strides = array<i32>} : memref<40x128xf32, #tpu.memory_space<vmem>>, vector<1x16xf32>,
      %broadcast_in_dim3A_157 = arith.constant 0.000000e+00 : f32
      %broadcast_in_dim3A_158 = vector.broadcast %broadcast_in_dim3A_157 : f32 to vector<16xf32>
      %swap3A_159 = arith.index_cast %scan3A_137 : i32 to index
      %swap3A_160 = arith.constant 48 : index
      %swap3A_161 = tpu.vector_load %arg9[%swap3A_159, %swap3A_160] {strides = array<i32>} : memref<40x128xf32, #tpu.memory_space<vmem>>, vector<1x16xf32>,
      %swap3A_162 = vector.shape_cast %swap3A_161 : vector<1x16xf32> to vector<16xf32>
      %swap3A_163 = vector.shape_cast %broadcast_in_dim3A_158 : vector<16xf32> to vector<1x16xf32>
      tpu.vector_store %arg9[%swap3A_159, %swap3A_160], %swap3A_163 {strides = array<i32>} : memref<40x128xf32, #tpu.memory_space<vmem>>, vector<1x16xf32>,
      %broadcast_in_dim3A_164 = arith.constant 0.000000e+00 : f32
      %broadcast_in_dim3A_165 = vector.broadcast %broadcast_in_dim3A_164 : f32 to vector<16xf32>
      %swap3A_166 = arith.index_cast %scan3A_137 : i32 to index
      %swap3A_167 = arith.constant 64 : index
      %swap3A_168 = tpu.vector_load %arg9[%swap3A_166, %swap3A_167] {strides = array<i32>} : memref<40x128xf32, #tpu.memory_space<vmem>>, vector<1x16xf32>,
      %swap3A_169 = vector.shape_cast %swap3A_168 : vector<1x16xf32> to vector<16xf32>
      %swap3A_170 = vector.shape_cast %broadcast_in_dim3A_165 : vector<16xf32> to vector<1x16xf32>
      tpu.vector_store %arg9[%swap3A_166, %swap3A_167], %swap3A_170 {strides = array<i32>} : memref<40x128xf32, #tpu.memory_space<vmem>>, vector<1x16xf32>,
      %broadcast_in_dim3A_171 = arith.constant 0.000000e+00 : f32
      %broadcast_in_dim3A_172 = vector.broadcast %broadcast_in_dim3A_171 : f32 to vector<16xf32>
      %swap3A_173 = arith.index_cast %scan3A_137 : i32 to index
      %swap3A_174 = arith.constant 80 : index
      %swap3A_175 = tpu.vector_load %arg9[%swap3A_173, %swap3A_174] {strides = array<i32>} : memref<40x128xf32, #tpu.memory_space<vmem>>, vector<1x16xf32>,
      %swap3A_176 = vector.shape_cast %swap3A_175 : vector<1x16xf32> to vector<16xf32>
      %swap3A_177 = vector.shape_cast %broadcast_in_dim3A_172 : vector<16xf32> to vector<1x16xf32>
      tpu.vector_store %arg9[%swap3A_173, %swap3A_174], %swap3A_177 {strides = array<i32>} : memref<40x128xf32, #tpu.memory_space<vmem>>, vector<1x16xf32>,
      %broadcast_in_dim3A_178 = arith.constant 0.000000e+00 : f32
      %broadcast_in_dim3A_179 = vector.broadcast %broadcast_in_dim3A_178 : f32 to vector<16xf32>
      %swap3A_180 = arith.index_cast %scan3A_137 : i32 to index
      %swap3A_181 = arith.constant 96 : index
      %swap3A_182 = tpu.vector_load %arg9[%swap3A_180, %swap3A_181] {strides = array<i32>} : memref<40x128xf32, #tpu.memory_space<vmem>>, vector<1x16xf32>,
      %swap3A_183 = vector.shape_cast %swap3A_182 : vector<1x16xf32> to vector<16xf32>
      %swap3A_184 = vector.shape_cast %broadcast_in_dim3A_179 : vector<16xf32> to vector<1x16xf32>
      tpu.vector_store %arg9[%swap3A_180, %swap3A_181], %swap3A_184 {strides = array<i32>} : memref<40x128xf32, #tpu.memory_space<vmem>>, vector<1x16xf32>,
      %broadcast_in_dim3A_185 = arith.constant 0.000000e+00 : f32
      %broadcast_in_dim3A_186 = vector.broadcast %broadcast_in_dim3A_185 : f32 to vector<16xf32>
      %swap3A_187 = arith.index_cast %scan3A_137 : i32 to index
      %swap3A_188 = arith.constant 112 : index
      %swap3A_189 = tpu.vector_load %arg9[%swap3A_187, %swap3A_188] {strides = array<i32>} : memref<40x128xf32, #tpu.memory_space<vmem>>, vector<1x16xf32>,
      %swap3A_190 = vector.shape_cast %swap3A_189 : vector<1x16xf32> to vector<16xf32>
      %swap3A_191 = vector.shape_cast %broadcast_in_dim3A_186 : vector<16xf32> to vector<1x16xf32>
      tpu.vector_store %arg9[%swap3A_187, %swap3A_188], %swap3A_191 {strides = array<i32>} : memref<40x128xf32, #tpu.memory_space<vmem>>, vector<1x16xf32>,
    }
    %scan3A_7 = arith.constant 40 : i32
    %add3A_8 = arith.constant 0 : i32
    %add3A_9 = arith.addi %mul3A_2, %add3A_8 : i32
    "tpu.region"() ({
      %run_scoped3A = tpu.sem_alloc : memref<!tpu.dma_semaphore, #tpu.memory_space<semaphore_mem>>
      %dma_start3A_137 = arith.constant 0 : i32
      %dma_start3A_138 = tpu.memref_slice %arg15[%add3A_9, %dma_start3A_137] : memref<10240x128xf32, #tpu.memory_space<vmem_shared>> -> memref<40x128xf32, #tpu.memory_space<vmem_shared>>
      %dma_start3A_139 = arith.constant 0 : i32
      %dma_start3A_140 = tpu.memref_slice %arg15[%add3A_9, %dma_start3A_139] : memref<10240x128xf32, #tpu.memory_space<vmem_shared>> -> memref<40x128xf32, #tpu.memory_space<vmem_shared>>
      tpu.enqueue_dma source(%arg9 : memref<40x128xf32, #tpu.memory_space<vmem>>) target(%dma_start3A_140 : memref<40x128xf32, #tpu.memory_space<vmem_shared>>) target_semaphore(%run_scoped3A : memref<!tpu.dma_semaphore, #tpu.memory_space<semaphore_mem>>)
      %dma_wait3A_141 = arith.constant 0 : i32
      %dma_wait3A_142 = tpu.memref_slice %arg15[%add3A_9, %dma_wait3A_141] : memref<10240x128xf32, #tpu.memory_space<vmem_shared>> -> memref<40x128xf32, #tpu.memory_space<vmem_shared>>
      %dma_wait3A_143 = arith.constant 0 : i32
      %dma_wait3A_144 = tpu.memref_slice %arg15[%add3A_9, %dma_wait3A_143] : memref<10240x128xf32, #tpu.memory_space<vmem_shared>> -> memref<40x128xf32, #tpu.memory_space<vmem_shared>>
      tpu.wait_dma2 semaphore(%run_scoped3A : memref<!tpu.dma_semaphore, #tpu.memory_space<semaphore_mem>>) src(%arg9 : memref<40x128xf32, #tpu.memory_space<vmem>>) dst(%dma_wait3A_144 : memref<40x128xf32, #tpu.memory_space<vmem_shared>>)
      tpu.yield
    }) : () -> ()
    %add3A_10 = arith.constant 40 : i32
    %add3A_11 = arith.addi %mul3A_2, %add3A_10 : i32
    "tpu.region"() ({
      %run_scoped3A = tpu.sem_alloc : memref<!tpu.dma_semaphore, #tpu.memory_space<semaphore_mem>>
      %dma_start3A_137 = arith.constant 0 : i32
      %dma_start3A_138 = tpu.memref_slice %arg15[%add3A_11, %dma_start3A_137] : memref<10240x128xf32, #tpu.memory_space<vmem_shared>> -> memref<40x128xf32, #tpu.memory_space<vmem_shared>>
      %dma_start3A_139 = arith.constant 0 : i32
      %dma_start3A_140 = tpu.memref_slice %arg15[%add3A_11, %dma_start3A_139] : memref<10240x128xf32, #tpu.memory_space<vmem_shared>> -> memref<40x128xf32, #tpu.memory_space<vmem_shared>>
      tpu.enqueue_dma source(%arg9 : memref<40x128xf32, #tpu.memory_space<vmem>>) target(%dma_start3A_140 : memref<40x128xf32, #tpu.memory_space<vmem_shared>>) target_semaphore(%run_scoped3A : memref<!tpu.dma_semaphore, #tpu.memory_space<semaphore_mem>>)
      %dma_wait3A_141 = arith.constant 0 : i32
      %dma_wait3A_142 = tpu.memref_slice %arg15[%add3A_11, %dma_wait3A_141] : memref<10240x128xf32, #tpu.memory_space<vmem_shared>> -> memref<40x128xf32, #tpu.memory_space<vmem_shared>>
      %dma_wait3A_143 = arith.constant 0 : i32
      %dma_wait3A_144 = tpu.memref_slice %arg15[%add3A_11, %dma_wait3A_143] : memref<10240x128xf32, #tpu.memory_space<vmem_shared>> -> memref<40x128xf32, #tpu.memory_space<vmem_shared>>
      tpu.wait_dma2 semaphore(%run_scoped3A : memref<!tpu.dma_semaphore, #tpu.memory_space<semaphore_mem>>) src(%arg9 : memref<40x128xf32, #tpu.memory_space<vmem>>) dst(%dma_wait3A_144 : memref<40x128xf32, #tpu.memory_space<vmem_shared>>)
      tpu.yield
    }) : () -> ()
    %add3A_12 = arith.constant 80 : i32
    %add3A_13 = arith.addi %mul3A_2, %add3A_12 : i32
    "tpu.region"() ({
      %run_scoped3A = tpu.sem_alloc : memref<!tpu.dma_semaphore, #tpu.memory_space<semaphore_mem>>
      %dma_start3A_137 = arith.constant 0 : i32
      %dma_start3A_138 = tpu.memref_slice %arg15[%add3A_13, %dma_start3A_137] : memref<10240x128xf32, #tpu.memory_space<vmem_shared>> -> memref<40x128xf32, #tpu.memory_space<vmem_shared>>
      %dma_start3A_139 = arith.constant 0 : i32
      %dma_start3A_140 = tpu.memref_slice %arg15[%add3A_13, %dma_start3A_139] : memref<10240x128xf32, #tpu.memory_space<vmem_shared>> -> memref<40x128xf32, #tpu.memory_space<vmem_shared>>
      tpu.enqueue_dma source(%arg9 : memref<40x128xf32, #tpu.memory_space<vmem>>) target(%dma_start3A_140 : memref<40x128xf32, #tpu.memory_space<vmem_shared>>) target_semaphore(%run_scoped3A : memref<!tpu.dma_semaphore, #tpu.memory_space<semaphore_mem>>)
      %dma_wait3A_141 = arith.constant 0 : i32
      %dma_wait3A_142 = tpu.memref_slice %arg15[%add3A_13, %dma_wait3A_141] : memref<10240x128xf32, #tpu.memory_space<vmem_shared>> -> memref<40x128xf32, #tpu.memory_space<vmem_shared>>
      %dma_wait3A_143 = arith.constant 0 : i32
      %dma_wait3A_144 = tpu.memref_slice %arg15[%add3A_13, %dma_wait3A_143] : memref<10240x128xf32, #tpu.memory_space<vmem_shared>> -> memref<40x128xf32, #tpu.memory_space<vmem_shared>>
      tpu.wait_dma2 semaphore(%run_scoped3A : memref<!tpu.dma_semaphore, #tpu.memory_space<semaphore_mem>>) src(%arg9 : memref<40x128xf32, #tpu.memory_space<vmem>>) dst(%dma_wait3A_144 : memref<40x128xf32, #tpu.memory_space<vmem_shared>>)
      tpu.yield
    }) : () -> ()
    %add3A_14 = arith.constant 120 : i32
    %add3A_15 = arith.addi %mul3A_2, %add3A_14 : i32
    "tpu.region"() ({
      %run_scoped3A = tpu.sem_alloc : memref<!tpu.dma_semaphore, #tpu.memory_space<semaphore_mem>>
      %dma_start3A_137 = arith.constant 0 : i32
      %dma_start3A_138 = tpu.memref_slice %arg15[%add3A_15, %dma_start3A_137] : memref<10240x128xf32, #tpu.memory_space<vmem_shared>> -> memref<40x128xf32, #tpu.memory_space<vmem_shared>>
      %dma_start3A_139 = arith.constant 0 : i32
      %dma_start3A_140 = tpu.memref_slice %arg15[%add3A_15, %dma_start3A_139] : memref<10240x128xf32, #tpu.memory_space<vmem_shared>> -> memref<40x128xf32, #tpu.memory_space<vmem_shared>>
      tpu.enqueue_dma source(%arg9 : memref<40x128xf32, #tpu.memory_space<vmem>>) target(%dma_start3A_140 : memref<40x128xf32, #tpu.memory_space<vmem_shared>>) target_semaphore(%run_scoped3A : memref<!tpu.dma_semaphore, #tpu.memory_space<semaphore_mem>>)
      %dma_wait3A_141 = arith.constant 0 : i32
      %dma_wait3A_142 = tpu.memref_slice %arg15[%add3A_15, %dma_wait3A_141] : memref<10240x128xf32, #tpu.memory_space<vmem_shared>> -> memref<40x128xf32, #tpu.memory_space<vmem_shared>>
      %dma_wait3A_143 = arith.constant 0 : i32
      %dma_wait3A_144 = tpu.memref_slice %arg15[%add3A_15, %dma_wait3A_143] : memref<10240x128xf32, #tpu.memory_space<vmem_shared>> -> memref<40x128xf32, #tpu.memory_space<vmem_shared>>
      tpu.wait_dma2 semaphore(%run_scoped3A : memref<!tpu.dma_semaphore, #tpu.memory_space<semaphore_mem>>) src(%arg9 : memref<40x128xf32, #tpu.memory_space<vmem>>) dst(%dma_wait3A_144 : memref<40x128xf32, #tpu.memory_space<vmem_shared>>)
      tpu.yield
    }) : () -> ()
    %add3A_16 = arith.constant 160 : i32
    %add3A_17 = arith.addi %mul3A_2, %add3A_16 : i32
    "tpu.region"() ({
      %run_scoped3A = tpu.sem_alloc : memref<!tpu.dma_semaphore, #tpu.memory_space<semaphore_mem>>
      %dma_start3A_137 = arith.constant 0 : i32
      %dma_start3A_138 = tpu.memref_slice %arg15[%add3A_17, %dma_start3A_137] : memref<10240x128xf32, #tpu.memory_space<vmem_shared>> -> memref<40x128xf32, #tpu.memory_space<vmem_shared>>
      %dma_start3A_139 = arith.constant 0 : i32
      %dma_start3A_140 = tpu.memref_slice %arg15[%add3A_17, %dma_start3A_139] : memref<10240x128xf32, #tpu.memory_space<vmem_shared>> -> memref<40x128xf32, #tpu.memory_space<vmem_shared>>
      tpu.enqueue_dma source(%arg9 : memref<40x128xf32, #tpu.memory_space<vmem>>) target(%dma_start3A_140 : memref<40x128xf32, #tpu.memory_space<vmem_shared>>) target_semaphore(%run_scoped3A : memref<!tpu.dma_semaphore, #tpu.memory_space<semaphore_mem>>)
      %dma_wait3A_141 = arith.constant 0 : i32
      %dma_wait3A_142 = tpu.memref_slice %arg15[%add3A_17, %dma_wait3A_141] : memref<10240x128xf32, #tpu.memory_space<vmem_shared>> -> memref<40x128xf32, #tpu.memory_space<vmem_shared>>
      %dma_wait3A_143 = arith.constant 0 : i32
      %dma_wait3A_144 = tpu.memref_slice %arg15[%add3A_17, %dma_wait3A_143] : memref<10240x128xf32, #tpu.memory_space<vmem_shared>> -> memref<40x128xf32, #tpu.memory_space<vmem_shared>>
      tpu.wait_dma2 semaphore(%run_scoped3A : memref<!tpu.dma_semaphore, #tpu.memory_space<semaphore_mem>>) src(%arg9 : memref<40x128xf32, #tpu.memory_space<vmem>>) dst(%dma_wait3A_144 : memref<40x128xf32, #tpu.memory_space<vmem_shared>>)
      tpu.yield
    }) : () -> ()
    %add3A_18 = arith.constant 200 : i32
    %add3A_19 = arith.addi %mul3A_2, %add3A_18 : i32
    "tpu.region"() ({
      %run_scoped3A = tpu.sem_alloc : memref<!tpu.dma_semaphore, #tpu.memory_space<semaphore_mem>>
      %dma_start3A_137 = arith.constant 0 : i32
      %dma_start3A_138 = tpu.memref_slice %arg15[%add3A_19, %dma_start3A_137] : memref<10240x128xf32, #tpu.memory_space<vmem_shared>> -> memref<40x128xf32, #tpu.memory_space<vmem_shared>>
      %dma_start3A_139 = arith.constant 0 : i32
      %dma_start3A_140 = tpu.memref_slice %arg15[%add3A_19, %dma_start3A_139] : memref<10240x128xf32, #tpu.memory_space<vmem_shared>> -> memref<40x128xf32, #tpu.memory_space<vmem_shared>>
      tpu.enqueue_dma source(%arg9 : memref<40x128xf32, #tpu.memory_space<vmem>>) target(%dma_start3A_140 : memref<40x128xf32, #tpu.memory_space<vmem_shared>>) target_semaphore(%run_scoped3A : memref<!tpu.dma_semaphore, #tpu.memory_space<semaphore_mem>>)
      %dma_wait3A_141 = arith.constant 0 : i32
      %dma_wait3A_142 = tpu.memref_slice %arg15[%add3A_19, %dma_wait3A_141] : memref<10240x128xf32, #tpu.memory_space<vmem_shared>> -> memref<40x128xf32, #tpu.memory_space<vmem_shared>>
      %dma_wait3A_143 = arith.constant 0 : i32
      %dma_wait3A_144 = tpu.memref_slice %arg15[%add3A_19, %dma_wait3A_143] : memref<10240x128xf32, #tpu.memory_space<vmem_shared>> -> memref<40x128xf32, #tpu.memory_space<vmem_shared>>
      tpu.wait_dma2 semaphore(%run_scoped3A : memref<!tpu.dma_semaphore, #tpu.memory_space<semaphore_mem>>) src(%arg9 : memref<40x128xf32, #tpu.memory_space<vmem>>) dst(%dma_wait3A_144 : memref<40x128xf32, #tpu.memory_space<vmem_shared>>)
      tpu.yield
    }) : () -> ()
    %add3A_20 = arith.constant 240 : i32
    %add3A_21 = arith.addi %mul3A_2, %add3A_20 : i32
    "tpu.region"() ({
      %run_scoped3A = tpu.sem_alloc : memref<!tpu.dma_semaphore, #tpu.memory_space<semaphore_mem>>
      %dma_start3A_137 = arith.constant 0 : i32
      %dma_start3A_138 = tpu.memref_slice %arg15[%add3A_21, %dma_start3A_137] : memref<10240x128xf32, #tpu.memory_space<vmem_shared>> -> memref<40x128xf32, #tpu.memory_space<vmem_shared>>
      %dma_start3A_139 = arith.constant 0 : i32
      %dma_start3A_140 = tpu.memref_slice %arg15[%add3A_21, %dma_start3A_139] : memref<10240x128xf32, #tpu.memory_space<vmem_shared>> -> memref<40x128xf32, #tpu.memory_space<vmem_shared>>
      tpu.enqueue_dma source(%arg9 : memref<40x128xf32, #tpu.memory_space<vmem>>) target(%dma_start3A_140 : memref<40x128xf32, #tpu.memory_space<vmem_shared>>) target_semaphore(%run_scoped3A : memref<!tpu.dma_semaphore, #tpu.memory_space<semaphore_mem>>)
      %dma_wait3A_141 = arith.constant 0 : i32
      %dma_wait3A_142 = tpu.memref_slice %arg15[%add3A_21, %dma_wait3A_141] : memref<10240x128xf32, #tpu.memory_space<vmem_shared>> -> memref<40x128xf32, #tpu.memory_space<vmem_shared>>
      %dma_wait3A_143 = arith.constant 0 : i32
      %dma_wait3A_144 = tpu.memref_slice %arg15[%add3A_21, %dma_wait3A_143] : memref<10240x128xf32, #tpu.memory_space<vmem_shared>> -> memref<40x128xf32, #tpu.memory_space<vmem_shared>>
      tpu.wait_dma2 semaphore(%run_scoped3A : memref<!tpu.dma_semaphore, #tpu.memory_space<semaphore_mem>>) src(%arg9 : memref<40x128xf32, #tpu.memory_space<vmem>>) dst(%dma_wait3A_144 : memref<40x128xf32, #tpu.memory_space<vmem_shared>>)
      tpu.yield
    }) : () -> ()
    %add3A_22 = arith.constant 280 : i32
    %add3A_23 = arith.addi %mul3A_2, %add3A_22 : i32
    "tpu.region"() ({
      %run_scoped3A = tpu.sem_alloc : memref<!tpu.dma_semaphore, #tpu.memory_space<semaphore_mem>>
      %dma_start3A_137 = arith.constant 0 : i32
      %dma_start3A_138 = tpu.memref_slice %arg15[%add3A_23, %dma_start3A_137] : memref<10240x128xf32, #tpu.memory_space<vmem_shared>> -> memref<40x128xf32, #tpu.memory_space<vmem_shared>>
      %dma_start3A_139 = arith.constant 0 : i32
      %dma_start3A_140 = tpu.memref_slice %arg15[%add3A_23, %dma_start3A_139] : memref<10240x128xf32, #tpu.memory_space<vmem_shared>> -> memref<40x128xf32, #tpu.memory_space<vmem_shared>>
      tpu.enqueue_dma source(%arg9 : memref<40x128xf32, #tpu.memory_space<vmem>>) target(%dma_start3A_140 : memref<40x128xf32, #tpu.memory_space<vmem_shared>>) target_semaphore(%run_scoped3A : memref<!tpu.dma_semaphore, #tpu.memory_space<semaphore_mem>>)
      %dma_wait3A_141 = arith.constant 0 : i32
      %dma_wait3A_142 = tpu.memref_slice %arg15[%add3A_23, %dma_wait3A_141] : memref<10240x128xf32, #tpu.memory_space<vmem_shared>> -> memref<40x128xf32, #tpu.memory_space<vmem_shared>>
      %dma_wait3A_143 = arith.constant 0 : i32
      %dma_wait3A_144 = tpu.memref_slice %arg15[%add3A_23, %dma_wait3A_143] : memref<10240x128xf32, #tpu.memory_space<vmem_shared>> -> memref<40x128xf32, #tpu.memory_space<vmem_shared>>
      tpu.wait_dma2 semaphore(%run_scoped3A : memref<!tpu.dma_semaphore, #tpu.memory_space<semaphore_mem>>) src(%arg9 : memref<40x128xf32, #tpu.memory_space<vmem>>) dst(%dma_wait3A_144 : memref<40x128xf32, #tpu.memory_space<vmem_shared>>)
      tpu.yield
    }) : () -> ()
    %add3A_24 = arith.constant 320 : i32
    %add3A_25 = arith.addi %mul3A_2, %add3A_24 : i32
    "tpu.region"() ({
      %run_scoped3A = tpu.sem_alloc : memref<!tpu.dma_semaphore, #tpu.memory_space<semaphore_mem>>
      %dma_start3A_137 = arith.constant 0 : i32
      %dma_start3A_138 = tpu.memref_slice %arg15[%add3A_25, %dma_start3A_137] : memref<10240x128xf32, #tpu.memory_space<vmem_shared>> -> memref<40x128xf32, #tpu.memory_space<vmem_shared>>
      %dma_start3A_139 = arith.constant 0 : i32
      %dma_start3A_140 = tpu.memref_slice %arg15[%add3A_25, %dma_start3A_139] : memref<10240x128xf32, #tpu.memory_space<vmem_shared>> -> memref<40x128xf32, #tpu.memory_space<vmem_shared>>
      tpu.enqueue_dma source(%arg9 : memref<40x128xf32, #tpu.memory_space<vmem>>) target(%dma_start3A_140 : memref<40x128xf32, #tpu.memory_space<vmem_shared>>) target_semaphore(%run_scoped3A : memref<!tpu.dma_semaphore, #tpu.memory_space<semaphore_mem>>)
      %dma_wait3A_141 = arith.constant 0 : i32
      %dma_wait3A_142 = tpu.memref_slice %arg15[%add3A_25, %dma_wait3A_141] : memref<10240x128xf32, #tpu.memory_space<vmem_shared>> -> memref<40x128xf32, #tpu.memory_space<vmem_shared>>
      %dma_wait3A_143 = arith.constant 0 : i32
      %dma_wait3A_144 = tpu.memref_slice %arg15[%add3A_25, %dma_wait3A_143] : memref<10240x128xf32, #tpu.memory_space<vmem_shared>> -> memref<40x128xf32, #tpu.memory_space<vmem_shared>>
      tpu.wait_dma2 semaphore(%run_scoped3A : memref<!tpu.dma_semaphore, #tpu.memory_space<semaphore_mem>>) src(%arg9 : memref<40x128xf32, #tpu.memory_space<vmem>>) dst(%dma_wait3A_144 : memref<40x128xf32, #tpu.memory_space<vmem_shared>>)
      tpu.yield
    }) : () -> ()
    %add3A_26 = arith.constant 360 : i32
    %add3A_27 = arith.addi %mul3A_2, %add3A_26 : i32
    "tpu.region"() ({
      %run_scoped3A = tpu.sem_alloc : memref<!tpu.dma_semaphore, #tpu.memory_space<semaphore_mem>>
      %dma_start3A_137 = arith.constant 0 : i32
      %dma_start3A_138 = tpu.memref_slice %arg15[%add3A_27, %dma_start3A_137] : memref<10240x128xf32, #tpu.memory_space<vmem_shared>> -> memref<40x128xf32, #tpu.memory_space<vmem_shared>>
      %dma_start3A_139 = arith.constant 0 : i32
      %dma_start3A_140 = tpu.memref_slice %arg15[%add3A_27, %dma_start3A_139] : memref<10240x128xf32, #tpu.memory_space<vmem_shared>> -> memref<40x128xf32, #tpu.memory_space<vmem_shared>>
      tpu.enqueue_dma source(%arg9 : memref<40x128xf32, #tpu.memory_space<vmem>>) target(%dma_start3A_140 : memref<40x128xf32, #tpu.memory_space<vmem_shared>>) target_semaphore(%run_scoped3A : memref<!tpu.dma_semaphore, #tpu.memory_space<semaphore_mem>>)
      %dma_wait3A_141 = arith.constant 0 : i32
      %dma_wait3A_142 = tpu.memref_slice %arg15[%add3A_27, %dma_wait3A_141] : memref<10240x128xf32, #tpu.memory_space<vmem_shared>> -> memref<40x128xf32, #tpu.memory_space<vmem_shared>>
      %dma_wait3A_143 = arith.constant 0 : i32
      %dma_wait3A_144 = tpu.memref_slice %arg15[%add3A_27, %dma_wait3A_143] : memref<10240x128xf32, #tpu.memory_space<vmem_shared>> -> memref<40x128xf32, #tpu.memory_space<vmem_shared>>
      tpu.wait_dma2 semaphore(%run_scoped3A : memref<!tpu.dma_semaphore, #tpu.memory_space<semaphore_mem>>) src(%arg9 : memref<40x128xf32, #tpu.memory_space<vmem>>) dst(%dma_wait3A_144 : memref<40x128xf32, #tpu.memory_space<vmem_shared>>)
      tpu.yield
    }) : () -> ()
    %add3A_28 = arith.constant 400 : i32
    %add3A_29 = arith.addi %mul3A_2, %add3A_28 : i32
    "tpu.region"() ({
      %run_scoped3A = tpu.sem_alloc : memref<!tpu.dma_semaphore, #tpu.memory_space<semaphore_mem>>
      %dma_start3A_137 = arith.constant 0 : i32
      %dma_start3A_138 = tpu.memref_slice %arg15[%add3A_29, %dma_start3A_137] : memref<10240x128xf32, #tpu.memory_space<vmem_shared>> -> memref<40x128xf32, #tpu.memory_space<vmem_shared>>
      %dma_start3A_139 = arith.constant 0 : i32
      %dma_start3A_140 = tpu.memref_slice %arg15[%add3A_29, %dma_start3A_139] : memref<10240x128xf32, #tpu.memory_space<vmem_shared>> -> memref<40x128xf32, #tpu.memory_space<vmem_shared>>
      tpu.enqueue_dma source(%arg9 : memref<40x128xf32, #tpu.memory_space<vmem>>) target(%dma_start3A_140 : memref<40x128xf32, #tpu.memory_space<vmem_shared>>) target_semaphore(%run_scoped3A : memref<!tpu.dma_semaphore, #tpu.memory_space<semaphore_mem>>)
      %dma_wait3A_141 = arith.constant 0 : i32
      %dma_wait3A_142 = tpu.memref_slice %arg15[%add3A_29, %dma_wait3A_141] : memref<10240x128xf32, #tpu.memory_space<vmem_shared>> -> memref<40x128xf32, #tpu.memory_space<vmem_shared>>
      %dma_wait3A_143 = arith.constant 0 : i32
      %dma_wait3A_144 = tpu.memref_slice %arg15[%add3A_29, %dma_wait3A_143] : memref<10240x128xf32, #tpu.memory_space<vmem_shared>> -> memref<40x128xf32, #tpu.memory_space<vmem_shared>>
      tpu.wait_dma2 semaphore(%run_scoped3A : memref<!tpu.dma_semaphore, #tpu.memory_space<semaphore_mem>>) src(%arg9 : memref<40x128xf32, #tpu.memory_space<vmem>>) dst(%dma_wait3A_144 : memref<40x128xf32, #tpu.memory_space<vmem_shared>>)
      tpu.yield
    }) : () -> ()
    %add3A_30 = arith.constant 440 : i32
    %add3A_31 = arith.addi %mul3A_2, %add3A_30 : i32
    "tpu.region"() ({
      %run_scoped3A = tpu.sem_alloc : memref<!tpu.dma_semaphore, #tpu.memory_space<semaphore_mem>>
      %dma_start3A_137 = arith.constant 0 : i32
      %dma_start3A_138 = tpu.memref_slice %arg15[%add3A_31, %dma_start3A_137] : memref<10240x128xf32, #tpu.memory_space<vmem_shared>> -> memref<40x128xf32, #tpu.memory_space<vmem_shared>>
      %dma_start3A_139 = arith.constant 0 : i32
      %dma_start3A_140 = tpu.memref_slice %arg15[%add3A_31, %dma_start3A_139] : memref<10240x128xf32, #tpu.memory_space<vmem_shared>> -> memref<40x128xf32, #tpu.memory_space<vmem_shared>>
      tpu.enqueue_dma source(%arg9 : memref<40x128xf32, #tpu.memory_space<vmem>>) target(%dma_start3A_140 : memref<40x128xf32, #tpu.memory_space<vmem_shared>>) target_semaphore(%run_scoped3A : memref<!tpu.dma_semaphore, #tpu.memory_space<semaphore_mem>>)
      %dma_wait3A_141 = arith.constant 0 : i32
      %dma_wait3A_142 = tpu.memref_slice %arg15[%add3A_31, %dma_wait3A_141] : memref<10240x128xf32, #tpu.memory_space<vmem_shared>> -> memref<40x128xf32, #tpu.memory_space<vmem_shared>>
      %dma_wait3A_143 = arith.constant 0 : i32
      %dma_wait3A_144 = tpu.memref_slice %arg15[%add3A_31, %dma_wait3A_143] : memref<10240x128xf32, #tpu.memory_space<vmem_shared>> -> memref<40x128xf32, #tpu.memory_space<vmem_shared>>
      tpu.wait_dma2 semaphore(%run_scoped3A : memref<!tpu.dma_semaphore, #tpu.memory_space<semaphore_mem>>) src(%arg9 : memref<40x128xf32, #tpu.memory_space<vmem>>) dst(%dma_wait3A_144 : memref<40x128xf32, #tpu.memory_space<vmem_shared>>)
      tpu.yield
    }) : () -> ()
    %add3A_32 = arith.constant 480 : i32
    %add3A_33 = arith.addi %mul3A_2, %add3A_32 : i32
    "tpu.region"() ({
      %run_scoped3A = tpu.sem_alloc : memref<!tpu.dma_semaphore, #tpu.memory_space<semaphore_mem>>
      %dma_start3A_137 = arith.constant 0 : i32
      %dma_start3A_138 = tpu.memref_slice %arg15[%add3A_33, %dma_start3A_137] : memref<10240x128xf32, #tpu.memory_space<vmem_shared>> -> memref<40x128xf32, #tpu.memory_space<vmem_shared>>
      %dma_start3A_139 = arith.constant 0 : i32
      %dma_start3A_140 = tpu.memref_slice %arg15[%add3A_33, %dma_start3A_139] : memref<10240x128xf32, #tpu.memory_space<vmem_shared>> -> memref<40x128xf32, #tpu.memory_space<vmem_shared>>
      tpu.enqueue_dma source(%arg9 : memref<40x128xf32, #tpu.memory_space<vmem>>) target(%dma_start3A_140 : memref<40x128xf32, #tpu.memory_space<vmem_shared>>) target_semaphore(%run_scoped3A : memref<!tpu.dma_semaphore, #tpu.memory_space<semaphore_mem>>)
      %dma_wait3A_141 = arith.constant 0 : i32
      %dma_wait3A_142 = tpu.memref_slice %arg15[%add3A_33, %dma_wait3A_141] : memref<10240x128xf32, #tpu.memory_space<vmem_shared>> -> memref<40x128xf32, #tpu.memory_space<vmem_shared>>
      %dma_wait3A_143 = arith.constant 0 : i32
      %dma_wait3A_144 = tpu.memref_slice %arg15[%add3A_33, %dma_wait3A_143] : memref<10240x128xf32, #tpu.memory_space<vmem_shared>> -> memref<40x128xf32, #tpu.memory_space<vmem_shared>>
      tpu.wait_dma2 semaphore(%run_scoped3A : memref<!tpu.dma_semaphore, #tpu.memory_space<semaphore_mem>>) src(%arg9 : memref<40x128xf32, #tpu.memory_space<vmem>>) dst(%dma_wait3A_144 : memref<40x128xf32, #tpu.memory_space<vmem_shared>>)
      tpu.yield
    }) : () -> ()
    %add3A_34 = arith.constant 520 : i32
    %add3A_35 = arith.addi %mul3A_2, %add3A_34 : i32
    "tpu.region"() ({
      %run_scoped3A = tpu.sem_alloc : memref<!tpu.dma_semaphore, #tpu.memory_space<semaphore_mem>>
      %dma_start3A_137 = arith.constant 0 : i32
      %dma_start3A_138 = tpu.memref_slice %arg15[%add3A_35, %dma_start3A_137] : memref<10240x128xf32, #tpu.memory_space<vmem_shared>> -> memref<40x128xf32, #tpu.memory_space<vmem_shared>>
      %dma_start3A_139 = arith.constant 0 : i32
      %dma_start3A_140 = tpu.memref_slice %arg15[%add3A_35, %dma_start3A_139] : memref<10240x128xf32, #tpu.memory_space<vmem_shared>> -> memref<40x128xf32, #tpu.memory_space<vmem_shared>>
      tpu.enqueue_dma source(%arg9 : memref<40x128xf32, #tpu.memory_space<vmem>>) target(%dma_start3A_140 : memref<40x128xf32, #tpu.memory_space<vmem_shared>>) target_semaphore(%run_scoped3A : memref<!tpu.dma_semaphore, #tpu.memory_space<semaphore_mem>>)
      %dma_wait3A_141 = arith.constant 0 : i32
      %dma_wait3A_142 = tpu.memref_slice %arg15[%add3A_35, %dma_wait3A_141] : memref<10240x128xf32, #tpu.memory_space<vmem_shared>> -> memref<40x128xf32, #tpu.memory_space<vmem_shared>>
      %dma_wait3A_143 = arith.constant 0 : i32
      %dma_wait3A_144 = tpu.memref_slice %arg15[%add3A_35, %dma_wait3A_143] : memref<10240x128xf32, #tpu.memory_space<vmem_shared>> -> memref<40x128xf32, #tpu.memory_space<vmem_shared>>
      tpu.wait_dma2 semaphore(%run_scoped3A : memref<!tpu.dma_semaphore, #tpu.memory_space<semaphore_mem>>) src(%arg9 : memref<40x128xf32, #tpu.memory_space<vmem>>) dst(%dma_wait3A_144 : memref<40x128xf32, #tpu.memory_space<vmem_shared>>)
      tpu.yield
    }) : () -> ()
    %add3A_36 = arith.constant 560 : i32
    %add3A_37 = arith.addi %mul3A_2, %add3A_36 : i32
    "tpu.region"() ({
      %run_scoped3A = tpu.sem_alloc : memref<!tpu.dma_semaphore, #tpu.memory_space<semaphore_mem>>
      %dma_start3A_137 = arith.constant 0 : i32
      %dma_start3A_138 = tpu.memref_slice %arg15[%add3A_37, %dma_start3A_137] : memref<10240x128xf32, #tpu.memory_space<vmem_shared>> -> memref<40x128xf32, #tpu.memory_space<vmem_shared>>
      %dma_start3A_139 = arith.constant 0 : i32
      %dma_start3A_140 = tpu.memref_slice %arg15[%add3A_37, %dma_start3A_139] : memref<10240x128xf32, #tpu.memory_space<vmem_shared>> -> memref<40x128xf32, #tpu.memory_space<vmem_shared>>
      tpu.enqueue_dma source(%arg9 : memref<40x128xf32, #tpu.memory_space<vmem>>) target(%dma_start3A_140 : memref<40x128xf32, #tpu.memory_space<vmem_shared>>) target_semaphore(%run_scoped3A : memref<!tpu.dma_semaphore, #tpu.memory_space<semaphore_mem>>)
      %dma_wait3A_141 = arith.constant 0 : i32
      %dma_wait3A_142 = tpu.memref_slice %arg15[%add3A_37, %dma_wait3A_141] : memref<10240x128xf32, #tpu.memory_space<vmem_shared>> -> memref<40x128xf32, #tpu.memory_space<vmem_shared>>
      %dma_wait3A_143 = arith.constant 0 : i32
      %dma_wait3A_144 = tpu.memref_slice %arg15[%add3A_37, %dma_wait3A_143] : memref<10240x128xf32, #tpu.memory_space<vmem_shared>> -> memref<40x128xf32, #tpu.memory_space<vmem_shared>>
      tpu.wait_dma2 semaphore(%run_scoped3A : memref<!tpu.dma_semaphore, #tpu.memory_space<semaphore_mem>>) src(%arg9 : memref<40x128xf32, #tpu.memory_space<vmem>>) dst(%dma_wait3A_144 : memref<40x128xf32, #tpu.memory_space<vmem_shared>>)
      tpu.yield
    }) : () -> ()
    %add3A_38 = arith.constant 600 : i32
    %add3A_39 = arith.addi %mul3A_2, %add3A_38 : i32
    "tpu.region"() ({
      %run_scoped3A = tpu.sem_alloc : memref<!tpu.dma_semaphore, #tpu.memory_space<semaphore_mem>>
      %dma_start3A_137 = arith.constant 0 : i32
      %dma_start3A_138 = tpu.memref_slice %arg15[%add3A_39, %dma_start3A_137] : memref<10240x128xf32, #tpu.memory_space<vmem_shared>> -> memref<40x128xf32, #tpu.memory_space<vmem_shared>>
      %dma_start3A_139 = arith.constant 0 : i32
      %dma_start3A_140 = tpu.memref_slice %arg15[%add3A_39, %dma_start3A_139] : memref<10240x128xf32, #tpu.memory_space<vmem_shared>> -> memref<40x128xf32, #tpu.memory_space<vmem_shared>>
      tpu.enqueue_dma source(%arg9 : memref<40x128xf32, #tpu.memory_space<vmem>>) target(%dma_start3A_140 : memref<40x128xf32, #tpu.memory_space<vmem_shared>>) target_semaphore(%run_scoped3A : memref<!tpu.dma_semaphore, #tpu.memory_space<semaphore_mem>>)
      %dma_wait3A_141 = arith.constant 0 : i32
      %dma_wait3A_142 = tpu.memref_slice %arg15[%add3A_39, %dma_wait3A_141] : memref<10240x128xf32, #tpu.memory_space<vmem_shared>> -> memref<40x128xf32, #tpu.memory_space<vmem_shared>>
      %dma_wait3A_143 = arith.constant 0 : i32
      %dma_wait3A_144 = tpu.memref_slice %arg15[%add3A_39, %dma_wait3A_143] : memref<10240x128xf32, #tpu.memory_space<vmem_shared>> -> memref<40x128xf32, #tpu.memory_space<vmem_shared>>
      tpu.wait_dma2 semaphore(%run_scoped3A : memref<!tpu.dma_semaphore, #tpu.memory_space<semaphore_mem>>) src(%arg9 : memref<40x128xf32, #tpu.memory_space<vmem>>) dst(%dma_wait3A_144 : memref<40x128xf32, #tpu.memory_space<vmem_shared>>)
      tpu.yield
    }) : () -> ()
    %barrier3A = arith.constant 0 : index
    tpu.barrier barrier_id(%barrier3A)
    "tpu.region"() ({
      %run_scoped3A = tpu.sem_alloc : memref<!tpu.dma_semaphore, #tpu.memory_space<semaphore_mem>>
      %dma_start3A_137 = arith.constant 0 : i32
      %dma_start3A_138 = arith.constant 0 : i32
      %dma_start3A_139 = tpu.memref_slice %arg3[%add3A, %dma_start3A_137, %dma_start3A_138] : memref<32x288x40xi32, #tpu.memory_space<hbm>> -> memref<1x72x40xi32, #tpu.memory_space<hbm>>
      %dma_start3A_140 = tpu.memref_squeeze %dma_start3A_139 : memref<1x72x40xi32, #tpu.memory_space<hbm>> -> memref<72x40xi32, #tpu.memory_space<hbm>>
      %dma_start3A_141 = arith.constant 0 : i32
      %dma_start3A_142 = arith.constant 0 : i32
      %dma_start3A_143 = tpu.memref_slice %arg3[%add3A, %dma_start3A_141, %dma_start3A_142] : memref<32x288x40xi32, #tpu.memory_space<hbm>> -> memref<1x72x40xi32, #tpu.memory_space<hbm>>
      %dma_start3A_144 = tpu.memref_squeeze %dma_start3A_143 : memref<1x72x40xi32, #tpu.memory_space<hbm>> -> memref<72x40xi32, #tpu.memory_space<hbm>>
      tpu.enqueue_dma source(%dma_start3A_144 : memref<72x40xi32, #tpu.memory_space<hbm>>) target(%arg7 : memref<72x40xi32, #tpu.memory_space<vmem>>) target_semaphore(%run_scoped3A : memref<!tpu.dma_semaphore, #tpu.memory_space<semaphore_mem>>)
      %dma_wait3A_145 = arith.constant 0 : i32
      %dma_wait3A_146 = arith.constant 0 : i32
      %dma_wait3A_147 = tpu.memref_slice %arg3[%add3A, %dma_wait3A_145, %dma_wait3A_146] : memref<32x288x40xi32, #tpu.memory_space<hbm>> -> memref<1x72x40xi32, #tpu.memory_space<hbm>>
      %dma_wait3A_148 = tpu.memref_squeeze %dma_wait3A_147 : memref<1x72x40xi32, #tpu.memory_space<hbm>> -> memref<72x40xi32, #tpu.memory_space<hbm>>
      %dma_wait3A_149 = arith.constant 0 : i32
      %dma_wait3A_150 = arith.constant 0 : i32
      %dma_wait3A_151 = tpu.memref_slice %arg3[%add3A, %dma_wait3A_149, %dma_wait3A_150] : memref<32x288x40xi32, #tpu.memory_space<hbm>> -> memref<1x72x40xi32, #tpu.memory_space<hbm>>
      %dma_wait3A_152 = tpu.memref_squeeze %dma_wait3A_151 : memref<1x72x40xi32, #tpu.memory_space<hbm>> -> memref<72x40xi32, #tpu.memory_space<hbm>>
      tpu.wait_dma2 semaphore(%run_scoped3A : memref<!tpu.dma_semaphore, #tpu.memory_space<semaphore_mem>>) src(%dma_wait3A_152 : memref<72x40xi32, #tpu.memory_space<hbm>>) dst(%arg7 : memref<72x40xi32, #tpu.memory_space<vmem>>)
      tpu.yield
    }) : () -> ()
    "tpu.region"() ({
      %run_scoped3A = tpu.sem_alloc : memref<!tpu.dma_semaphore, #tpu.memory_space<semaphore_mem>>
      %dma_start3A_137 = arith.constant 0 : i32
      %dma_start3A_138 = arith.constant 0 : i32
      %dma_start3A_139 = tpu.memref_slice %arg4[%add3A, %dma_start3A_137, %dma_start3A_138] : memref<32x288x40xi32, #tpu.memory_space<hbm>> -> memref<1x72x40xi32, #tpu.memory_space<hbm>>
      %dma_start3A_140 = tpu.memref_squeeze %dma_start3A_139 : memref<1x72x40xi32, #tpu.memory_space<hbm>> -> memref<72x40xi32, #tpu.memory_space<hbm>>
      %dma_start3A_141 = arith.constant 0 : i32
      %dma_start3A_142 = arith.constant 0 : i32
      %dma_start3A_143 = tpu.memref_slice %arg4[%add3A, %dma_start3A_141, %dma_start3A_142] : memref<32x288x40xi32, #tpu.memory_space<hbm>> -> memref<1x72x40xi32, #tpu.memory_space<hbm>>
      %dma_start3A_144 = tpu.memref_squeeze %dma_start3A_143 : memref<1x72x40xi32, #tpu.memory_space<hbm>> -> memref<72x40xi32, #tpu.memory_space<hbm>>
      tpu.enqueue_dma source(%dma_start3A_144 : memref<72x40xi32, #tpu.memory_space<hbm>>) target(%arg8 : memref<72x40xi32, #tpu.memory_space<vmem>>) target_semaphore(%run_scoped3A : memref<!tpu.dma_semaphore, #tpu.memory_space<semaphore_mem>>)
      %dma_wait3A_145 = arith.constant 0 : i32
      %dma_wait3A_146 = arith.constant 0 : i32
      %dma_wait3A_147 = tpu.memref_slice %arg4[%add3A, %dma_wait3A_145, %dma_wait3A_146] : memref<32x288x40xi32, #tpu.memory_space<hbm>> -> memref<1x72x40xi32, #tpu.memory_space<hbm>>
      %dma_wait3A_148 = tpu.memref_squeeze %dma_wait3A_147 : memref<1x72x40xi32, #tpu.memory_space<hbm>> -> memref<72x40xi32, #tpu.memory_space<hbm>>
      %dma_wait3A_149 = arith.constant 0 : i32
      %dma_wait3A_150 = arith.constant 0 : i32
      %dma_wait3A_151 = tpu.memref_slice %arg4[%add3A, %dma_wait3A_149, %dma_wait3A_150] : memref<32x288x40xi32, #tpu.memory_space<hbm>> -> memref<1x72x40xi32, #tpu.memory_space<hbm>>
      %dma_wait3A_152 = tpu.memref_squeeze %dma_wait3A_151 : memref<1x72x40xi32, #tpu.memory_space<hbm>> -> memref<72x40xi32, #tpu.memory_space<hbm>>
      tpu.wait_dma2 semaphore(%run_scoped3A : memref<!tpu.dma_semaphore, #tpu.memory_space<semaphore_mem>>) src(%dma_wait3A_152 : memref<72x40xi32, #tpu.memory_space<hbm>>) dst(%arg8 : memref<72x40xi32, #tpu.memory_space<vmem>>)
      tpu.yield
    }) : () -> ()
    %rem3A = arith.constant 0 : i32
    %rem3A_40 = arith.constant 72 : i32
    %rem3A_41 = arith.remsi %rem3A, %rem3A_40 : i32
    %dma_start3A = arith.constant 0 : i32
    %dma_start3A_42 = tpu.memref_slice %arg7[%rem3A_41, %dma_start3A] : memref<72x40xi32, #tpu.memory_space<vmem>> -> memref<1x40xi32, #tpu.memory_space<vmem>>
    %dma_start3A_43 = tpu.memref_squeeze %dma_start3A_42 : memref<1x40xi32, #tpu.memory_space<vmem>> -> memref<40xi32, #tpu.memory_space<vmem>>
    %dma_start3A_44 = arith.constant 0 : i32
    %dma_start3A_45 = arith.constant 0 : i32
    %dma_start3A_46 = tpu.memref_slice %arg2[%dma_start3A_44, %dma_start3A_45] : memref<10000x128xf32, #tpu.memory_space<hbm>> -> memref<10000x128xf32, #tpu.memory_space<hbm>>
    tpu.enqueue_indirect_dma source(%dma_start3A_46 : memref<10000x128xf32, #tpu.memory_space<hbm>>) target(%arg9 : memref<40x128xf32, #tpu.memory_space<vmem>>) offsets(%dma_start3A_43 : memref<40xi32, #tpu.memory_space<vmem>>) semaphore(%arg16 : memref<!tpu.dma_semaphore, #tpu.memory_space<semaphore_mem>>)
    %mul3A_47 = arith.constant 10000 : i32
    %mul3A_48 = arith.muli %add3A, %mul3A_47 : i32
    %add3A_49 = arith.constant 0 : i32
    %add3A_50 = arith.addi %mul3A_48, %add3A_49 : i32
    %dma_start3A_51 = arith.constant 0 : i32
    %dma_start3A_52 = tpu.memref_slice %arg5[%add3A_50, %dma_start3A_51] : memref<320000x128xf32, #tpu.memory_space<hbm>> -> memref<40x128xf32, #tpu.memory_space<hbm>>
    %dma_start3A_53 = arith.constant 0 : i32
    %dma_start3A_54 = tpu.memref_slice %arg5[%add3A_50, %dma_start3A_53] : memref<320000x128xf32, #tpu.memory_space<hbm>> -> memref<40x128xf32, #tpu.memory_space<hbm>>
    tpu.enqueue_dma source(%dma_start3A_54 : memref<40x128xf32, #tpu.memory_space<hbm>>) target(%arg12 : memref<40x128xf32, #tpu.memory_space<vmem>>) target_semaphore(%arg16 : memref<!tpu.dma_semaphore, #tpu.memory_space<semaphore_mem>>)
    %rem3A_55 = arith.constant 1 : i32
    %rem3A_56 = arith.constant 72 : i32
    %rem3A_57 = arith.remsi %rem3A_55, %rem3A_56 : i32
    %dma_start3A_58 = arith.constant 0 : i32
    %dma_start3A_59 = tpu.memref_slice %arg7[%rem3A_57, %dma_start3A_58] : memref<72x40xi32, #tpu.memory_space<vmem>> -> memref<1x40xi32, #tpu.memory_space<vmem>>
    %dma_start3A_60 = tpu.memref_squeeze %dma_start3A_59 : memref<1x40xi32, #tpu.memory_space<vmem>> -> memref<40xi32, #tpu.memory_space<vmem>>
    %dma_start3A_61 = arith.constant 0 : i32
    %dma_start3A_62 = arith.constant 0 : i32
    %dma_start3A_63 = tpu.memref_slice %arg2[%dma_start3A_61, %dma_start3A_62] : memref<10000x128xf32, #tpu.memory_space<hbm>> -> memref<10000x128xf32, #tpu.memory_space<hbm>>
    tpu.enqueue_indirect_dma source(%dma_start3A_63 : memref<10000x128xf32, #tpu.memory_space<hbm>>) target(%arg10 : memref<40x128xf32, #tpu.memory_space<vmem>>) offsets(%dma_start3A_60 : memref<40xi32, #tpu.memory_space<vmem>>) semaphore(%arg17 : memref<!tpu.dma_semaphore, #tpu.memory_space<semaphore_mem>>)
    %mul3A_64 = arith.constant 10000 : i32
    %mul3A_65 = arith.muli %add3A, %mul3A_64 : i32
    %add3A_66 = arith.constant 40 : i32
    %add3A_67 = arith.addi %mul3A_65, %add3A_66 : i32
    %dma_start3A_68 = arith.constant 0 : i32
    %dma_start3A_69 = tpu.memref_slice %arg5[%add3A_67, %dma_start3A_68] : memref<320000x128xf32, #tpu.memory_space<hbm>> -> memref<40x128xf32, #tpu.memory_space<hbm>>
    %dma_start3A_70 = arith.constant 0 : i32
    %dma_start3A_71 = tpu.memref_slice %arg5[%add3A_67, %dma_start3A_70] : memref<320000x128xf32, #tpu.memory_space<hbm>> -> memref<40x128xf32, #tpu.memory_space<hbm>>
    tpu.enqueue_dma source(%dma_start3A_71 : memref<40x128xf32, #tpu.memory_space<hbm>>) target(%arg13 : memref<40x128xf32, #tpu.memory_space<vmem>>) target_semaphore(%arg17 : memref<!tpu.dma_semaphore, #tpu.memory_space<semaphore_mem>>)
    %scan3A_72 = arith.constant 0 : i32
    %scan3A_73 = arith.constant 0 : i32
    %scan3A_74 = arith.constant 83 : i32
    %scan3A_75 = arith.addi %scan3A_73, %scan3A_74 : i32
    %scan3A_76 = arith.constant 1 : i32
    scf.for %scan3A_137 = %scan3A_73 to %scan3A_75 step %scan3A_76  : i32 {
      %rem3A_138 = arith.constant 24 : i32
      %rem3A_139 = arith.remsi %scan3A_137, %rem3A_138 : i32
      %eq3A = arith.constant 23 : i32
      %eq3A_140 = arith.cmpi eq, %rem3A_139, %eq3A : i32
      %dma_wait3A_141 = arith.constant 0 : i32
      %dma_wait3A_142 = arith.constant 0 : i32
      %dma_wait3A_143 = tpu.memref_slice %arg7[%dma_wait3A_141, %dma_wait3A_142] : memref<72x40xi32, #tpu.memory_space<vmem>> -> memref<1x40xi32, #tpu.memory_space<vmem>>
      %dma_wait3A_144 = tpu.memref_squeeze %dma_wait3A_143 : memref<1x40xi32, #tpu.memory_space<vmem>> -> memref<40xi32, #tpu.memory_space<vmem>>
      %dma_wait3A_145 = arith.constant 0 : i32
      %dma_wait3A_146 = arith.constant 0 : i32
      %dma_wait3A_147 = tpu.memref_slice %arg2[%dma_wait3A_145, %dma_wait3A_146] : memref<10000x128xf32, #tpu.memory_space<hbm>> -> memref<10000x128xf32, #tpu.memory_space<hbm>>
      tpu.wait_indirect_dma semaphore(%arg16 : memref<!tpu.dma_semaphore, #tpu.memory_space<semaphore_mem>>) src(%dma_wait3A_147 : memref<10000x128xf32, #tpu.memory_space<hbm>>) dst(%arg9 : memref<40x128xf32, #tpu.memory_space<vmem>>)
      %dma_wait3A_148 = arith.constant 0 : i32
      %dma_wait3A_149 = arith.constant 0 : i32
      %dma_wait3A_150 = tpu.memref_slice %arg5[%dma_wait3A_148, %dma_wait3A_149] : memref<320000x128xf32, #tpu.memory_space<hbm>> -> memref<40x128xf32, #tpu.memory_space<hbm>>
      %dma_wait3A_151 = arith.constant 0 : i32
      %dma_wait3A_152 = arith.constant 0 : i32
      %dma_wait3A_153 = tpu.memref_slice %arg5[%dma_wait3A_151, %dma_wait3A_152] : memref<320000x128xf32, #tpu.memory_space<hbm>> -> memref<40x128xf32, #tpu.memory_space<hbm>>
      tpu.wait_dma2 semaphore(%arg16 : memref<!tpu.dma_semaphore, #tpu.memory_space<semaphore_mem>>) src(%dma_wait3A_153 : memref<40x128xf32, #tpu.memory_space<hbm>>) dst(%arg12 : memref<40x128xf32, #tpu.memory_space<vmem>>)
      %mul3A_154 = arith.constant 3 : i32
      %mul3A_155 = arith.muli %mul3A_154, %scan3A_137 : i32
      %rem3A_156 = arith.constant 72 : i32
      %rem3A_157 = arith.remsi %mul3A_155, %rem3A_156 : i32
      %dma_start3A_158 = arith.constant 0 : i32
      %dma_start3A_159 = tpu.memref_slice %arg8[%rem3A_157, %dma_start3A_158] : memref<72x40xi32, #tpu.memory_space<vmem>> -> memref<1x40xi32, #tpu.memory_space<vmem>>
      %dma_start3A_160 = tpu.memref_squeeze %dma_start3A_159 : memref<1x40xi32, #tpu.memory_space<vmem>> -> memref<40xi32, #tpu.memory_space<vmem>>
      %dma_start3A_161 = arith.constant 0 : i32
      %dma_start3A_162 = arith.constant 0 : i32
      %dma_start3A_163 = tpu.memref_slice %arg15[%dma_start3A_161, %dma_start3A_162] : memref<10240x128xf32, #tpu.memory_space<vmem_shared>> -> memref<10240x128xf32, #tpu.memory_space<vmem_shared>>
      tpu.enqueue_indirect_dma source(%arg9 : memref<40x128xf32, #tpu.memory_space<vmem>>) target(%dma_start3A_163 : memref<10240x128xf32, #tpu.memory_space<vmem_shared>>) offsets(%dma_start3A_160 : memref<40xi32, #tpu.memory_space<vmem>>) semaphore(%arg19 : memref<!tpu.dma_semaphore, #tpu.memory_space<semaphore_mem>>) {add = true}
      %rem3A_164 = arith.constant 72 : i32
      %rem3A_165 = arith.remsi %mul3A_155, %rem3A_164 : i32
      %dma_start3A_166 = arith.constant 0 : i32
      %dma_start3A_167 = tpu.memref_slice %arg8[%rem3A_165, %dma_start3A_166] : memref<72x40xi32, #tpu.memory_space<vmem>> -> memref<1x40xi32, #tpu.memory_space<vmem>>
      %dma_start3A_168 = tpu.memref_squeeze %dma_start3A_167 : memref<1x40xi32, #tpu.memory_space<vmem>> -> memref<40xi32, #tpu.memory_space<vmem>>
      %dma_start3A_169 = arith.constant 0 : i32
      %dma_start3A_170 = arith.constant 0 : i32
      %dma_start3A_171 = tpu.memref_slice %arg15[%dma_start3A_169, %dma_start3A_170] : memref<10240x128xf32, #tpu.memory_space<vmem_shared>> -> memref<10240x128xf32, #tpu.memory_space<vmem_shared>>
      tpu.enqueue_indirect_dma source(%arg12 : memref<40x128xf32, #tpu.memory_space<vmem>>) target(%dma_start3A_171 : memref<10240x128xf32, #tpu.memory_space<vmem_shared>>) offsets(%dma_start3A_168 : memref<40xi32, #tpu.memory_space<vmem>>) semaphore(%arg19 : memref<!tpu.dma_semaphore, #tpu.memory_space<semaphore_mem>>) {add = true}
      %rem3A_172 = arith.constant 24 : i32
      %rem3A_173 = arith.remsi %scan3A_137, %rem3A_172 : i32
      %ne3A = arith.constant 0 : i32
      %ne3A_174 = arith.cmpi ne, %rem3A_173, %ne3A : i32
      %convert_element_type3A = arith.extui %ne3A_174 : i1 to i32
      %cond3A = arith.constant 0 : i32
      %cond3A_175 = arith.cmpi ne, %convert_element_type3A, %cond3A : i32
      scf.if %cond3A_175 {
        %dma_wait3A_249 = arith.constant 0 : i32
        %dma_wait3A_250 = arith.constant 0 : i32
        %dma_wait3A_251 = tpu.memref_slice %arg8[%dma_wait3A_249, %dma_wait3A_250] : memref<72x40xi32, #tpu.memory_space<vmem>> -> memref<1x40xi32, #tpu.memory_space<vmem>>
        %dma_wait3A_252 = tpu.memref_squeeze %dma_wait3A_251 : memref<1x40xi32, #tpu.memory_space<vmem>> -> memref<40xi32, #tpu.memory_space<vmem>>
        %dma_wait3A_253 = arith.constant 0 : i32
        %dma_wait3A_254 = arith.constant 0 : i32
        %dma_wait3A_255 = tpu.memref_slice %arg15[%dma_wait3A_253, %dma_wait3A_254] : memref<10240x128xf32, #tpu.memory_space<vmem_shared>> -> memref<10240x128xf32, #tpu.memory_space<vmem_shared>>
        tpu.wait_indirect_dma semaphore(%arg21 : memref<!tpu.dma_semaphore, #tpu.memory_space<semaphore_mem>>) src(%arg11 : memref<40x128xf32, #tpu.memory_space<vmem>>) dst(%dma_wait3A_255 : memref<10240x128xf32, #tpu.memory_space<vmem_shared>>)
        %dma_wait3A_256 = arith.constant 0 : i32
        %dma_wait3A_257 = arith.constant 0 : i32
        %dma_wait3A_258 = tpu.memref_slice %arg8[%dma_wait3A_256, %dma_wait3A_257] : memref<72x40xi32, #tpu.memory_space<vmem>> -> memref<1x40xi32, #tpu.memory_space<vmem>>
        %dma_wait3A_259 = tpu.memref_squeeze %dma_wait3A_258 : memref<1x40xi32, #tpu.memory_space<vmem>> -> memref<40xi32, #tpu.memory_space<vmem>>
        %dma_wait3A_260 = arith.constant 0 : i32
        %dma_wait3A_261 = arith.constant 0 : i32
        %dma_wait3A_262 = tpu.memref_slice %arg15[%dma_wait3A_260, %dma_wait3A_261] : memref<10240x128xf32, #tpu.memory_space<vmem_shared>> -> memref<10240x128xf32, #tpu.memory_space<vmem_shared>>
        tpu.wait_indirect_dma semaphore(%arg21 : memref<!tpu.dma_semaphore, #tpu.memory_space<semaphore_mem>>) src(%arg14 : memref<40x128xf32, #tpu.memory_space<vmem>>) dst(%dma_wait3A_262 : memref<10240x128xf32, #tpu.memory_space<vmem_shared>>)
      } else {
      }
      %mul3A_176 = arith.constant 3 : i32
      %mul3A_177 = arith.muli %mul3A_176, %scan3A_137 : i32
      %add3A_178 = arith.constant 2 : i32
      %add3A_179 = arith.addi %mul3A_177, %add3A_178 : i32
      %rem3A_180 = arith.constant 72 : i32
      %rem3A_181 = arith.remsi %add3A_179, %rem3A_180 : i32
      %dma_start3A_182 = arith.constant 0 : i32
      %dma_start3A_183 = tpu.memref_slice %arg7[%rem3A_181, %dma_start3A_182] : memref<72x40xi32, #tpu.memory_space<vmem>> -> memref<1x40xi32, #tpu.memory_space<vmem>>
      %dma_start3A_184 = tpu.memref_squeeze %dma_start3A_183 : memref<1x40xi32, #tpu.memory_space<vmem>> -> memref<40xi32, #tpu.memory_space<vmem>>
      %dma_start3A_185 = arith.constant 0 : i32
      %dma_start3A_186 = arith.constant 0 : i32
      %dma_start3A_187 = tpu.memref_slice %arg2[%dma_start3A_185, %dma_start3A_186] : memref<10000x128xf32, #tpu.memory_space<hbm>> -> memref<10000x128xf32, #tpu.memory_space<hbm>>
      tpu.enqueue_indirect_dma source(%dma_start3A_187 : memref<10000x128xf32, #tpu.memory_space<hbm>>) target(%arg11 : memref<40x128xf32, #tpu.memory_space<vmem>>) offsets(%dma_start3A_184 : memref<40xi32, #tpu.memory_space<vmem>>) semaphore(%arg18 : memref<!tpu.dma_semaphore, #tpu.memory_space<semaphore_mem>>)
      %mul3A_188 = arith.constant 10000 : i32
      %mul3A_189 = arith.muli %add3A, %mul3A_188 : i32
      %mul3A_190 = arith.constant 40 : i32
      %mul3A_191 = arith.muli %add3A_179, %mul3A_190 : i32
      %add3A_192 = arith.addi %mul3A_189, %mul3A_191 : i32
      %dma_start3A_193 = arith.constant 0 : i32
      %dma_start3A_194 = tpu.memref_slice %arg5[%add3A_192, %dma_start3A_193] : memref<320000x128xf32, #tpu.memory_space<hbm>> -> memref<40x128xf32, #tpu.memory_space<hbm>>
      %dma_start3A_195 = arith.constant 0 : i32
      %dma_start3A_196 = tpu.memref_slice %arg5[%add3A_192, %dma_start3A_195] : memref<320000x128xf32, #tpu.memory_space<hbm>> -> memref<40x128xf32, #tpu.memory_space<hbm>>
      tpu.enqueue_dma source(%dma_start3A_196 : memref<40x128xf32, #tpu.memory_space<hbm>>) target(%arg14 : memref<40x128xf32, #tpu.memory_space<vmem>>) target_semaphore(%arg18 : memref<!tpu.dma_semaphore, #tpu.memory_space<semaphore_mem>>)
      %dma_wait3A_197 = arith.constant 0 : i32
      %dma_wait3A_198 = arith.constant 0 : i32
      %dma_wait3A_199 = tpu.memref_slice %arg7[%dma_wait3A_197, %dma_wait3A_198] : memref<72x40xi32, #tpu.memory_space<vmem>> -> memref<1x40xi32, #tpu.memory_space<vmem>>
      %dma_wait3A_200 = tpu.memref_squeeze %dma_wait3A_199 : memref<1x40xi32, #tpu.memory_space<vmem>> -> memref<40xi32, #tpu.memory_space<vmem>>
      %dma_wait3A_201 = arith.constant 0 : i32
      %dma_wait3A_202 = arith.constant 0 : i32
      %dma_wait3A_203 = tpu.memref_slice %arg2[%dma_wait3A_201, %dma_wait3A_202] : memref<10000x128xf32, #tpu.memory_space<hbm>> -> memref<10000x128xf32, #tpu.memory_space<hbm>>
      tpu.wait_indirect_dma semaphore(%arg17 : memref<!tpu.dma_semaphore, #tpu.memory_space<semaphore_mem>>) src(%dma_wait3A_203 : memref<10000x128xf32, #tpu.memory_space<hbm>>) dst(%arg10 : memref<40x128xf32, #tpu.memory_space<vmem>>)
      %dma_wait3A_204 = arith.constant 0 : i32
      %dma_wait3A_205 = arith.constant 0 : i32
      %dma_wait3A_206 = tpu.memref_slice %arg5[%dma_wait3A_204, %dma_wait3A_205] : memref<320000x128xf32, #tpu.memory_space<hbm>> -> memref<40x128xf32, #tpu.memory_space<hbm>>
      %dma_wait3A_207 = arith.constant 0 : i32
      %dma_wait3A_208 = arith.constant 0 : i32
      %dma_wait3A_209 = tpu.memref_slice %arg5[%dma_wait3A_207, %dma_wait3A_208] : memref<320000x128xf32, #tpu.memory_space<hbm>> -> memref<40x128xf32, #tpu.memory_space<hbm>>
      tpu.wait_dma2 semaphore(%arg17 : memref<!tpu.dma_semaphore, #tpu.memory_space<semaphore_mem>>) src(%dma_wait3A_209 : memref<40x128xf32, #tpu.memory_space<hbm>>) dst(%arg13 : memref<40x128xf32, #tpu.memory_space<vmem>>)
      %mul3A_210 = arith.constant 3 : i32
      %mul3A_211 = arith.muli %mul3A_210, %scan3A_137 : i32
      %add3A_212 = arith.constant 1 : i32
      %add3A_213 = arith.addi %mul3A_211, %add3A_212 : i32
      %rem3A_214 = arith.constant 72 : i32
      %rem3A_215 = arith.remsi %add3A_213, %rem3A_214 : i32
      %dma_start3A_216 = arith.constant 0 : i32
      %dma_start3A_217 = tpu.memref_slice %arg8[%rem3A_215, %dma_start3A_216] : memref<72x40xi32, #tpu.memory_space<vmem>> -> memref<1x40xi32, #tpu.memory_space<vmem>>
      %dma_start3A_218 = tpu.memref_squeeze %dma_start3A_217 : memref<1x40xi32, #tpu.memory_space<vmem>> -> memref<40xi32, #tpu.memory_space<vmem>>
      %dma_start3A_219 = arith.constant 0 : i32
      %dma_start3A_220 = arith.constant 0 : i32
      %dma_start3A_221 = tpu.memref_slice %arg15[%dma_start3A_219, %dma_start3A_220] : memref<10240x128xf32, #tpu.memory_space<vmem_shared>> -> memref<10240x128xf32, #tpu.memory_space<vmem_shared>>
      tpu.enqueue_indirect_dma source(%arg10 : memref<40x128xf32, #tpu.memory_space<vmem>>) target(%dma_start3A_221 : memref<10240x128xf32, #tpu.memory_space<vmem_shared>>) offsets(%dma_start3A_218 : memref<40xi32, #tpu.memory_space<vmem>>) semaphore(%arg20 : memref<!tpu.dma_semaphore, #tpu.memory_space<semaphore_mem>>) {add = true}
      %rem3A_222 = arith.constant 72 : i32
      %rem3A_223 = arith.remsi %add3A_213, %rem3A_222 : i32
      %dma_start3A_224 = arith.constant 0 : i32
      %dma_start3A_225 = tpu.memref_slice %arg8[%rem3A_223, %dma_start3A_224] : memref<72x40xi32, #tpu.memory_space<vmem>> -> memref<1x40xi32, #tpu.memory_space<vmem>>
      %dma_start3A_226 = tpu.memref_squeeze %dma_start3A_225 : memref<1x40xi32, #tpu.memory_space<vmem>> -> memref<40xi32, #tpu.memory_space<vmem>>
      %dma_start3A_227 = arith.constant 0 : i32
      %dma_start3A_228 = arith.constant 0 : i32
      %dma_start3A_229 = tpu.memref_slice %arg15[%dma_start3A_227, %dma_start3A_228] : memref<10240x128xf32, #tpu.memory_space<vmem_shared>> -> memref<10240x128xf32, #tpu.memory_space<vmem_shared>>
      tpu.enqueue_indirect_dma source(%arg13 : memref<40x128xf32, #tpu.memory_space<vmem>>) target(%dma_start3A_229 : memref<10240x128xf32, #tpu.memory_space<vmem_shared>>) offsets(%dma_start3A_226 : memref<40xi32, #tpu.memory_space<vmem>>) semaphore(%arg20 : memref<!tpu.dma_semaphore, #tpu.memory_space<semaphore_mem>>) {add = true}
      %not3A = arith.constant true
      %not3A_230 = arith.xori %eq3A_140, %not3A : i1
      %convert_element_type3A_231 = arith.extui %not3A_230 : i1 to i32
      %cond3A_232 = arith.constant 0 : i32
      %cond3A_233 = arith.cmpi ne, %convert_element_type3A_231, %cond3A_232 : i32
      scf.if %cond3A_233 {
        %dma_wait3A_249 = arith.constant 0 : i32
        %dma_wait3A_250 = arith.constant 0 : i32
        %dma_wait3A_251 = tpu.memref_slice %arg8[%dma_wait3A_249, %dma_wait3A_250] : memref<72x40xi32, #tpu.memory_space<vmem>> -> memref<1x40xi32, #tpu.memory_space<vmem>>
        %dma_wait3A_252 = tpu.memref_squeeze %dma_wait3A_251 : memref<1x40xi32, #tpu.memory_space<vmem>> -> memref<40xi32, #tpu.memory_space<vmem>>
        %dma_wait3A_253 = arith.constant 0 : i32
        %dma_wait3A_254 = arith.constant 0 : i32
        %dma_wait3A_255 = tpu.memref_slice %arg15[%dma_wait3A_253, %dma_wait3A_254] : memref<10240x128xf32, #tpu.memory_space<vmem_shared>> -> memref<10240x128xf32, #tpu.memory_space<vmem_shared>>
        tpu.wait_indirect_dma semaphore(%arg19 : memref<!tpu.dma_semaphore, #tpu.memory_space<semaphore_mem>>) src(%arg9 : memref<40x128xf32, #tpu.memory_space<vmem>>) dst(%dma_wait3A_255 : memref<10240x128xf32, #tpu.memory_space<vmem_shared>>)
        %dma_wait3A_256 = arith.constant 0 : i32
        %dma_wait3A_257 = arith.constant 0 : i32
        %dma_wait3A_258 = tpu.memref_slice %arg8[%dma_wait3A_256, %dma_wait3A_257] : memref<72x40xi32, #tpu.memory_space<vmem>> -> memref<1x40xi32, #tpu.memory_space<vmem>>
        %dma_wait3A_259 = tpu.memref_squeeze %dma_wait3A_258 : memref<1x40xi32, #tpu.memory_space<vmem>> -> memref<40xi32, #tpu.memory_space<vmem>>
        %dma_wait3A_260 = arith.constant 0 : i32
        %dma_wait3A_261 = arith.constant 0 : i32
        %dma_wait3A_262 = tpu.memref_slice %arg15[%dma_wait3A_260, %dma_wait3A_261] : memref<10240x128xf32, #tpu.memory_space<vmem_shared>> -> memref<10240x128xf32, #tpu.memory_space<vmem_shared>>
        tpu.wait_indirect_dma semaphore(%arg19 : memref<!tpu.dma_semaphore, #tpu.memory_space<semaphore_mem>>) src(%arg12 : memref<40x128xf32, #tpu.memory_space<vmem>>) dst(%dma_wait3A_262 : memref<10240x128xf32, #tpu.memory_space<vmem_shared>>)
        %mul3A_263 = arith.constant 3 : i32
        %mul3A_264 = arith.muli %mul3A_263, %scan3A_137 : i32
        %add3A_265 = arith.constant 3 : i32
        %add3A_266 = arith.addi %mul3A_264, %add3A_265 : i32
        %rem3A_267 = arith.constant 72 : i32
        %rem3A_268 = arith.remsi %add3A_266, %rem3A_267 : i32
        %dma_start3A_269 = arith.constant 0 : i32
        %dma_start3A_270 = tpu.memref_slice %arg7[%rem3A_268, %dma_start3A_269] : memref<72x40xi32, #tpu.memory_space<vmem>> -> memref<1x40xi32, #tpu.memory_space<vmem>>
        %dma_start3A_271 = tpu.memref_squeeze %dma_start3A_270 : memref<1x40xi32, #tpu.memory_space<vmem>> -> memref<40xi32, #tpu.memory_space<vmem>>
        %dma_start3A_272 = arith.constant 0 : i32
        %dma_start3A_273 = arith.constant 0 : i32
        %dma_start3A_274 = tpu.memref_slice %arg2[%dma_start3A_272, %dma_start3A_273] : memref<10000x128xf32, #tpu.memory_space<hbm>> -> memref<10000x128xf32, #tpu.memory_space<hbm>>
        tpu.enqueue_indirect_dma source(%dma_start3A_274 : memref<10000x128xf32, #tpu.memory_space<hbm>>) target(%arg9 : memref<40x128xf32, #tpu.memory_space<vmem>>) offsets(%dma_start3A_271 : memref<40xi32, #tpu.memory_space<vmem>>) semaphore(%arg16 : memref<!tpu.dma_semaphore, #tpu.memory_space<semaphore_mem>>)
        %mul3A_275 = arith.constant 10000 : i32
        %mul3A_276 = arith.muli %add3A, %mul3A_275 : i32
        %mul3A_277 = arith.constant 40 : i32
        %mul3A_278 = arith.muli %add3A_266, %mul3A_277 : i32
        %add3A_279 = arith.addi %mul3A_276, %mul3A_278 : i32
        %dma_start3A_280 = arith.constant 0 : i32
        %dma_start3A_281 = tpu.memref_slice %arg5[%add3A_279, %dma_start3A_280] : memref<320000x128xf32, #tpu.memory_space<hbm>> -> memref<40x128xf32, #tpu.memory_space<hbm>>
        %dma_start3A_282 = arith.constant 0 : i32
        %dma_start3A_283 = tpu.memref_slice %arg5[%add3A_279, %dma_start3A_282] : memref<320000x128xf32, #tpu.memory_space<hbm>> -> memref<40x128xf32, #tpu.memory_space<hbm>>
        tpu.enqueue_dma source(%dma_start3A_283 : memref<40x128xf32, #tpu.memory_space<hbm>>) target(%arg12 : memref<40x128xf32, #tpu.memory_space<vmem>>) target_semaphore(%arg16 : memref<!tpu.dma_semaphore, #tpu.memory_space<semaphore_mem>>)
      } else {
      }
      %convert_element_type3A_234 = arith.extui %eq3A_140 : i1 to i32
      %cond3A_235 = arith.constant 0 : i32
      %cond3A_236 = arith.cmpi ne, %convert_element_type3A_234, %cond3A_235 : i32
      scf.if %cond3A_236 {
        %dma_wait3A_249 = arith.constant 0 : i32
        %dma_wait3A_250 = arith.constant 0 : i32
        %dma_wait3A_251 = tpu.memref_slice %arg8[%dma_wait3A_249, %dma_wait3A_250] : memref<72x40xi32, #tpu.memory_space<vmem>> -> memref<1x40xi32, #tpu.memory_space<vmem>>
        %dma_wait3A_252 = tpu.memref_squeeze %dma_wait3A_251 : memref<1x40xi32, #tpu.memory_space<vmem>> -> memref<40xi32, #tpu.memory_space<vmem>>
        %dma_wait3A_253 = arith.constant 0 : i32
        %dma_wait3A_254 = arith.constant 0 : i32
        %dma_wait3A_255 = tpu.memref_slice %arg15[%dma_wait3A_253, %dma_wait3A_254] : memref<10240x128xf32, #tpu.memory_space<vmem_shared>> -> memref<10240x128xf32, #tpu.memory_space<vmem_shared>>
        tpu.wait_indirect_dma semaphore(%arg19 : memref<!tpu.dma_semaphore, #tpu.memory_space<semaphore_mem>>) src(%arg9 : memref<40x128xf32, #tpu.memory_space<vmem>>) dst(%dma_wait3A_255 : memref<10240x128xf32, #tpu.memory_space<vmem_shared>>)
        %dma_wait3A_256 = arith.constant 0 : i32
        %dma_wait3A_257 = arith.constant 0 : i32
        %dma_wait3A_258 = tpu.memref_slice %arg8[%dma_wait3A_256, %dma_wait3A_257] : memref<72x40xi32, #tpu.memory_space<vmem>> -> memref<1x40xi32, #tpu.memory_space<vmem>>
        %dma_wait3A_259 = tpu.memref_squeeze %dma_wait3A_258 : memref<1x40xi32, #tpu.memory_space<vmem>> -> memref<40xi32, #tpu.memory_space<vmem>>
        %dma_wait3A_260 = arith.constant 0 : i32
        %dma_wait3A_261 = arith.constant 0 : i32
        %dma_wait3A_262 = tpu.memref_slice %arg15[%dma_wait3A_260, %dma_wait3A_261] : memref<10240x128xf32, #tpu.memory_space<vmem_shared>> -> memref<10240x128xf32, #tpu.memory_space<vmem_shared>>
        tpu.wait_indirect_dma semaphore(%arg19 : memref<!tpu.dma_semaphore, #tpu.memory_space<semaphore_mem>>) src(%arg12 : memref<40x128xf32, #tpu.memory_space<vmem>>) dst(%dma_wait3A_262 : memref<10240x128xf32, #tpu.memory_space<vmem_shared>>)
        %dma_wait3A_263 = arith.constant 0 : i32
        %dma_wait3A_264 = arith.constant 0 : i32
        %dma_wait3A_265 = tpu.memref_slice %arg7[%dma_wait3A_263, %dma_wait3A_264] : memref<72x40xi32, #tpu.memory_space<vmem>> -> memref<1x40xi32, #tpu.memory_space<vmem>>
        %dma_wait3A_266 = tpu.memref_squeeze %dma_wait3A_265 : memref<1x40xi32, #tpu.memory_space<vmem>> -> memref<40xi32, #tpu.memory_space<vmem>>
        %dma_wait3A_267 = arith.constant 0 : i32
        %dma_wait3A_268 = arith.constant 0 : i32
        %dma_wait3A_269 = tpu.memref_slice %arg2[%dma_wait3A_267, %dma_wait3A_268] : memref<10000x128xf32, #tpu.memory_space<hbm>> -> memref<10000x128xf32, #tpu.memory_space<hbm>>
        tpu.wait_indirect_dma semaphore(%arg18 : memref<!tpu.dma_semaphore, #tpu.memory_space<semaphore_mem>>) src(%dma_wait3A_269 : memref<10000x128xf32, #tpu.memory_space<hbm>>) dst(%arg11 : memref<40x128xf32, #tpu.memory_space<vmem>>)
        %dma_wait3A_270 = arith.constant 0 : i32
        %dma_wait3A_271 = arith.constant 0 : i32
        %dma_wait3A_272 = tpu.memref_slice %arg5[%dma_wait3A_270, %dma_wait3A_271] : memref<320000x128xf32, #tpu.memory_space<hbm>> -> memref<40x128xf32, #tpu.memory_space<hbm>>
        %dma_wait3A_273 = arith.constant 0 : i32
        %dma_wait3A_274 = arith.constant 0 : i32
        %dma_wait3A_275 = tpu.memref_slice %arg5[%dma_wait3A_273, %dma_wait3A_274] : memref<320000x128xf32, #tpu.memory_space<hbm>> -> memref<40x128xf32, #tpu.memory_space<hbm>>
        tpu.wait_dma2 semaphore(%arg18 : memref<!tpu.dma_semaphore, #tpu.memory_space<semaphore_mem>>) src(%dma_wait3A_275 : memref<40x128xf32, #tpu.memory_space<hbm>>) dst(%arg14 : memref<40x128xf32, #tpu.memory_space<vmem>>)
        %mul3A_276 = arith.constant 3 : i32
        %mul3A_277 = arith.muli %mul3A_276, %scan3A_137 : i32
        %add3A_278 = arith.constant 2 : i32
        %add3A_279 = arith.addi %mul3A_277, %add3A_278 : i32
        %rem3A_280 = arith.constant 72 : i32
        %rem3A_281 = arith.remsi %add3A_279, %rem3A_280 : i32
        %dma_start3A_282 = arith.constant 0 : i32
        %dma_start3A_283 = tpu.memref_slice %arg8[%rem3A_281, %dma_start3A_282] : memref<72x40xi32, #tpu.memory_space<vmem>> -> memref<1x40xi32, #tpu.memory_space<vmem>>
        %dma_start3A_284 = tpu.memref_squeeze %dma_start3A_283 : memref<1x40xi32, #tpu.memory_space<vmem>> -> memref<40xi32, #tpu.memory_space<vmem>>
        %dma_start3A_285 = arith.constant 0 : i32
        %dma_start3A_286 = arith.constant 0 : i32
        %dma_start3A_287 = tpu.memref_slice %arg15[%dma_start3A_285, %dma_start3A_286] : memref<10240x128xf32, #tpu.memory_space<vmem_shared>> -> memref<10240x128xf32, #tpu.memory_space<vmem_shared>>
        tpu.enqueue_indirect_dma source(%arg11 : memref<40x128xf32, #tpu.memory_space<vmem>>) target(%dma_start3A_287 : memref<10240x128xf32, #tpu.memory_space<vmem_shared>>) offsets(%dma_start3A_284 : memref<40xi32, #tpu.memory_space<vmem>>) semaphore(%arg21 : memref<!tpu.dma_semaphore, #tpu.memory_space<semaphore_mem>>) {add = true}
        %rem3A_288 = arith.constant 72 : i32
        %rem3A_289 = arith.remsi %add3A_279, %rem3A_288 : i32
        %dma_start3A_290 = arith.constant 0 : i32
        %dma_start3A_291 = tpu.memref_slice %arg8[%rem3A_289, %dma_start3A_290] : memref<72x40xi32, #tpu.memory_space<vmem>> -> memref<1x40xi32, #tpu.memory_space<vmem>>
        %dma_start3A_292 = tpu.memref_squeeze %dma_start3A_291 : memref<1x40xi32, #tpu.memory_space<vmem>> -> memref<40xi32, #tpu.memory_space<vmem>>
        %dma_start3A_293 = arith.constant 0 : i32
        %dma_start3A_294 = arith.constant 0 : i32
        %dma_start3A_295 = tpu.memref_slice %arg15[%dma_start3A_293, %dma_start3A_294] : memref<10240x128xf32, #tpu.memory_space<vmem_shared>> -> memref<10240x128xf32, #tpu.memory_space<vmem_shared>>
        tpu.enqueue_indirect_dma source(%arg14 : memref<40x128xf32, #tpu.memory_space<vmem>>) target(%dma_start3A_295 : memref<10240x128xf32, #tpu.memory_space<vmem_shared>>) offsets(%dma_start3A_292 : memref<40xi32, #tpu.memory_space<vmem>>) semaphore(%arg21 : memref<!tpu.dma_semaphore, #tpu.memory_space<semaphore_mem>>) {add = true}
        %dma_wait3A_296 = arith.constant 0 : i32
        %dma_wait3A_297 = arith.constant 0 : i32
        %dma_wait3A_298 = tpu.memref_slice %arg8[%dma_wait3A_296, %dma_wait3A_297] : memref<72x40xi32, #tpu.memory_space<vmem>> -> memref<1x40xi32, #tpu.memory_space<vmem>>
        %dma_wait3A_299 = tpu.memref_squeeze %dma_wait3A_298 : memref<1x40xi32, #tpu.memory_space<vmem>> -> memref<40xi32, #tpu.memory_space<vmem>>
        %dma_wait3A_300 = arith.constant 0 : i32
        %dma_wait3A_301 = arith.constant 0 : i32
        %dma_wait3A_302 = tpu.memref_slice %arg15[%dma_wait3A_300, %dma_wait3A_301] : memref<10240x128xf32, #tpu.memory_space<vmem_shared>> -> memref<10240x128xf32, #tpu.memory_space<vmem_shared>>
        tpu.wait_indirect_dma semaphore(%arg20 : memref<!tpu.dma_semaphore, #tpu.memory_space<semaphore_mem>>) src(%arg10 : memref<40x128xf32, #tpu.memory_space<vmem>>) dst(%dma_wait3A_302 : memref<10240x128xf32, #tpu.memory_space<vmem_shared>>)
        %dma_wait3A_303 = arith.constant 0 : i32
        %dma_wait3A_304 = arith.constant 0 : i32
        %dma_wait3A_305 = tpu.memref_slice %arg8[%dma_wait3A_303, %dma_wait3A_304] : memref<72x40xi32, #tpu.memory_space<vmem>> -> memref<1x40xi32, #tpu.memory_space<vmem>>
        %dma_wait3A_306 = tpu.memref_squeeze %dma_wait3A_305 : memref<1x40xi32, #tpu.memory_space<vmem>> -> memref<40xi32, #tpu.memory_space<vmem>>
        %dma_wait3A_307 = arith.constant 0 : i32
        %dma_wait3A_308 = arith.constant 0 : i32
        %dma_wait3A_309 = tpu.memref_slice %arg15[%dma_wait3A_307, %dma_wait3A_308] : memref<10240x128xf32, #tpu.memory_space<vmem_shared>> -> memref<10240x128xf32, #tpu.memory_space<vmem_shared>>
        tpu.wait_indirect_dma semaphore(%arg20 : memref<!tpu.dma_semaphore, #tpu.memory_space<semaphore_mem>>) src(%arg13 : memref<40x128xf32, #tpu.memory_space<vmem>>) dst(%dma_wait3A_309 : memref<10240x128xf32, #tpu.memory_space<vmem_shared>>)
        %dma_wait3A_310 = arith.constant 0 : i32
        %dma_wait3A_311 = arith.constant 0 : i32
        %dma_wait3A_312 = tpu.memref_slice %arg8[%dma_wait3A_310, %dma_wait3A_311] : memref<72x40xi32, #tpu.memory_space<vmem>> -> memref<1x40xi32, #tpu.memory_space<vmem>>
        %dma_wait3A_313 = tpu.memref_squeeze %dma_wait3A_312 : memref<1x40xi32, #tpu.memory_space<vmem>> -> memref<40xi32, #tpu.memory_space<vmem>>
        %dma_wait3A_314 = arith.constant 0 : i32
        %dma_wait3A_315 = arith.constant 0 : i32
        %dma_wait3A_316 = tpu.memref_slice %arg15[%dma_wait3A_314, %dma_wait3A_315] : memref<10240x128xf32, #tpu.memory_space<vmem_shared>> -> memref<10240x128xf32, #tpu.memory_space<vmem_shared>>
        tpu.wait_indirect_dma semaphore(%arg21 : memref<!tpu.dma_semaphore, #tpu.memory_space<semaphore_mem>>) src(%arg11 : memref<40x128xf32, #tpu.memory_space<vmem>>) dst(%dma_wait3A_316 : memref<10240x128xf32, #tpu.memory_space<vmem_shared>>)
        %dma_wait3A_317 = arith.constant 0 : i32
        %dma_wait3A_318 = arith.constant 0 : i32
        %dma_wait3A_319 = tpu.memref_slice %arg8[%dma_wait3A_317, %dma_wait3A_318] : memref<72x40xi32, #tpu.memory_space<vmem>> -> memref<1x40xi32, #tpu.memory_space<vmem>>
        %dma_wait3A_320 = tpu.memref_squeeze %dma_wait3A_319 : memref<1x40xi32, #tpu.memory_space<vmem>> -> memref<40xi32, #tpu.memory_space<vmem>>
        %dma_wait3A_321 = arith.constant 0 : i32
        %dma_wait3A_322 = arith.constant 0 : i32
        %dma_wait3A_323 = tpu.memref_slice %arg15[%dma_wait3A_321, %dma_wait3A_322] : memref<10240x128xf32, #tpu.memory_space<vmem_shared>> -> memref<10240x128xf32, #tpu.memory_space<vmem_shared>>
        tpu.wait_indirect_dma semaphore(%arg21 : memref<!tpu.dma_semaphore, #tpu.memory_space<semaphore_mem>>) src(%arg14 : memref<40x128xf32, #tpu.memory_space<vmem>>) dst(%dma_wait3A_323 : memref<10240x128xf32, #tpu.memory_space<vmem_shared>>)
        %div3A = arith.constant 24 : i32
        %div3A_324 = arith.divsi %scan3A_137, %div3A : i32
        %add3A_325 = arith.constant 1 : i32
        %add3A_326 = arith.addi %div3A_324, %add3A_325 : i32
        %mul3A_327 = arith.constant 72 : i32
        %mul3A_328 = arith.muli %add3A_326, %mul3A_327 : i32
        "tpu.region"() ({
          %run_scoped3A = tpu.sem_alloc : memref<!tpu.dma_semaphore, #tpu.memory_space<semaphore_mem>>
          %dma_start3A_373 = arith.constant 0 : i32
          %dma_start3A_374 = tpu.memref_slice %arg3[%add3A, %mul3A_328, %dma_start3A_373] : memref<32x288x40xi32, #tpu.memory_space<hbm>> -> memref<1x72x40xi32, #tpu.memory_space<hbm>>
          %dma_start3A_375 = tpu.memref_squeeze %dma_start3A_374 : memref<1x72x40xi32, #tpu.memory_space<hbm>> -> memref<72x40xi32, #tpu.memory_space<hbm>>
          %dma_start3A_376 = arith.constant 0 : i32
          %dma_start3A_377 = tpu.memref_slice %arg3[%add3A, %mul3A_328, %dma_start3A_376] : memref<32x288x40xi32, #tpu.memory_space<hbm>> -> memref<1x72x40xi32, #tpu.memory_space<hbm>>
          %dma_start3A_378 = tpu.memref_squeeze %dma_start3A_377 : memref<1x72x40xi32, #tpu.memory_space<hbm>> -> memref<72x40xi32, #tpu.memory_space<hbm>>
          tpu.enqueue_dma source(%dma_start3A_378 : memref<72x40xi32, #tpu.memory_space<hbm>>) target(%arg7 : memref<72x40xi32, #tpu.memory_space<vmem>>) target_semaphore(%run_scoped3A : memref<!tpu.dma_semaphore, #tpu.memory_space<semaphore_mem>>)
          %dma_wait3A_379 = arith.constant 0 : i32
          %dma_wait3A_380 = tpu.memref_slice %arg3[%add3A, %mul3A_328, %dma_wait3A_379] : memref<32x288x40xi32, #tpu.memory_space<hbm>> -> memref<1x72x40xi32, #tpu.memory_space<hbm>>
          %dma_wait3A_381 = tpu.memref_squeeze %dma_wait3A_380 : memref<1x72x40xi32, #tpu.memory_space<hbm>> -> memref<72x40xi32, #tpu.memory_space<hbm>>
          %dma_wait3A_382 = arith.constant 0 : i32
          %dma_wait3A_383 = tpu.memref_slice %arg3[%add3A, %mul3A_328, %dma_wait3A_382] : memref<32x288x40xi32, #tpu.memory_space<hbm>> -> memref<1x72x40xi32, #tpu.memory_space<hbm>>
          %dma_wait3A_384 = tpu.memref_squeeze %dma_wait3A_383 : memref<1x72x40xi32, #tpu.memory_space<hbm>> -> memref<72x40xi32, #tpu.memory_space<hbm>>
          tpu.wait_dma2 semaphore(%run_scoped3A : memref<!tpu.dma_semaphore, #tpu.memory_space<semaphore_mem>>) src(%dma_wait3A_384 : memref<72x40xi32, #tpu.memory_space<hbm>>) dst(%arg7 : memref<72x40xi32, #tpu.memory_space<vmem>>)
          tpu.yield
        }) : () -> ()
        %mul3A_329 = arith.constant 72 : i32
        %mul3A_330 = arith.muli %add3A_326, %mul3A_329 : i32
        "tpu.region"() ({
          %run_scoped3A = tpu.sem_alloc : memref<!tpu.dma_semaphore, #tpu.memory_space<semaphore_mem>>
          %dma_start3A_373 = arith.constant 0 : i32
          %dma_start3A_374 = tpu.memref_slice %arg4[%add3A, %mul3A_330, %dma_start3A_373] : memref<32x288x40xi32, #tpu.memory_space<hbm>> -> memref<1x72x40xi32, #tpu.memory_space<hbm>>
          %dma_start3A_375 = tpu.memref_squeeze %dma_start3A_374 : memref<1x72x40xi32, #tpu.memory_space<hbm>> -> memref<72x40xi32, #tpu.memory_space<hbm>>
          %dma_start3A_376 = arith.constant 0 : i32
          %dma_start3A_377 = tpu.memref_slice %arg4[%add3A, %mul3A_330, %dma_start3A_376] : memref<32x288x40xi32, #tpu.memory_space<hbm>> -> memref<1x72x40xi32, #tpu.memory_space<hbm>>
          %dma_start3A_378 = tpu.memref_squeeze %dma_start3A_377 : memref<1x72x40xi32, #tpu.memory_space<hbm>> -> memref<72x40xi32, #tpu.memory_space<hbm>>
          tpu.enqueue_dma source(%dma_start3A_378 : memref<72x40xi32, #tpu.memory_space<hbm>>) target(%arg8 : memref<72x40xi32, #tpu.memory_space<vmem>>) target_semaphore(%run_scoped3A : memref<!tpu.dma_semaphore, #tpu.memory_space<semaphore_mem>>)
          %dma_wait3A_379 = arith.constant 0 : i32
          %dma_wait3A_380 = tpu.memref_slice %arg4[%add3A, %mul3A_330, %dma_wait3A_379] : memref<32x288x40xi32, #tpu.memory_space<hbm>> -> memref<1x72x40xi32, #tpu.memory_space<hbm>>
          %dma_wait3A_381 = tpu.memref_squeeze %dma_wait3A_380 : memref<1x72x40xi32, #tpu.memory_space<hbm>> -> memref<72x40xi32, #tpu.memory_space<hbm>>
          %dma_wait3A_382 = arith.constant 0 : i32
          %dma_wait3A_383 = tpu.memref_slice %arg4[%add3A, %mul3A_330, %dma_wait3A_382] : memref<32x288x40xi32, #tpu.memory_space<hbm>> -> memref<1x72x40xi32, #tpu.memory_space<hbm>>
          %dma_wait3A_384 = tpu.memref_squeeze %dma_wait3A_383 : memref<1x72x40xi32, #tpu.memory_space<hbm>> -> memref<72x40xi32, #tpu.memory_space<hbm>>
          tpu.wait_dma2 semaphore(%run_scoped3A : memref<!tpu.dma_semaphore, #tpu.memory_space<semaphore_mem>>) src(%dma_wait3A_384 : memref<72x40xi32, #tpu.memory_space<hbm>>) dst(%arg8 : memref<72x40xi32, #tpu.memory_space<vmem>>)
          tpu.yield
        }) : () -> ()
        %mul3A_331 = arith.constant 3 : i32
        %mul3A_332 = arith.muli %mul3A_331, %scan3A_137 : i32
        %add3A_333 = arith.constant 3 : i32
        %add3A_334 = arith.addi %mul3A_332, %add3A_333 : i32
        %rem3A_335 = arith.constant 72 : i32
        %rem3A_336 = arith.remsi %add3A_334, %rem3A_335 : i32
        %dma_start3A_337 = arith.constant 0 : i32
        %dma_start3A_338 = tpu.memref_slice %arg7[%rem3A_336, %dma_start3A_337] : memref<72x40xi32, #tpu.memory_space<vmem>> -> memref<1x40xi32, #tpu.memory_space<vmem>>
        %dma_start3A_339 = tpu.memref_squeeze %dma_start3A_338 : memref<1x40xi32, #tpu.memory_space<vmem>> -> memref<40xi32, #tpu.memory_space<vmem>>
        %dma_start3A_340 = arith.constant 0 : i32
        %dma_start3A_341 = arith.constant 0 : i32
        %dma_start3A_342 = tpu.memref_slice %arg2[%dma_start3A_340, %dma_start3A_341] : memref<10000x128xf32, #tpu.memory_space<hbm>> -> memref<10000x128xf32, #tpu.memory_space<hbm>>
        tpu.enqueue_indirect_dma source(%dma_start3A_342 : memref<10000x128xf32, #tpu.memory_space<hbm>>) target(%arg9 : memref<40x128xf32, #tpu.memory_space<vmem>>) offsets(%dma_start3A_339 : memref<40xi32, #tpu.memory_space<vmem>>) semaphore(%arg16 : memref<!tpu.dma_semaphore, #tpu.memory_space<semaphore_mem>>)
        %mul3A_343 = arith.constant 10000 : i32
        %mul3A_344 = arith.muli %add3A, %mul3A_343 : i32
        %mul3A_345 = arith.constant 40 : i32
        %mul3A_346 = arith.muli %add3A_334, %mul3A_345 : i32
        %add3A_347 = arith.addi %mul3A_344, %mul3A_346 : i32
        %dma_start3A_348 = arith.constant 0 : i32
        %dma_start3A_349 = tpu.memref_slice %arg5[%add3A_347, %dma_start3A_348] : memref<320000x128xf32, #tpu.memory_space<hbm>> -> memref<40x128xf32, #tpu.memory_space<hbm>>
        %dma_start3A_350 = arith.constant 0 : i32
        %dma_start3A_351 = tpu.memref_slice %arg5[%add3A_347, %dma_start3A_350] : memref<320000x128xf32, #tpu.memory_space<hbm>> -> memref<40x128xf32, #tpu.memory_space<hbm>>
        tpu.enqueue_dma source(%dma_start3A_351 : memref<40x128xf32, #tpu.memory_space<hbm>>) target(%arg12 : memref<40x128xf32, #tpu.memory_space<vmem>>) target_semaphore(%arg16 : memref<!tpu.dma_semaphore, #tpu.memory_space<semaphore_mem>>)
        %mul3A_352 = arith.constant 3 : i32
        %mul3A_353 = arith.muli %mul3A_352, %scan3A_137 : i32
        %add3A_354 = arith.constant 4 : i32
        %add3A_355 = arith.addi %mul3A_353, %add3A_354 : i32
        %rem3A_356 = arith.constant 72 : i32
        %rem3A_357 = arith.remsi %add3A_355, %rem3A_356 : i32
        %dma_start3A_358 = arith.constant 0 : i32
        %dma_start3A_359 = tpu.memref_slice %arg7[%rem3A_357, %dma_start3A_358] : memref<72x40xi32, #tpu.memory_space<vmem>> -> memref<1x40xi32, #tpu.memory_space<vmem>>
        %dma_start3A_360 = tpu.memref_squeeze %dma_start3A_359 : memref<1x40xi32, #tpu.memory_space<vmem>> -> memref<40xi32, #tpu.memory_space<vmem>>
        %dma_start3A_361 = arith.constant 0 : i32
        %dma_start3A_362 = arith.constant 0 : i32
        %dma_start3A_363 = tpu.memref_slice %arg2[%dma_start3A_361, %dma_start3A_362] : memref<10000x128xf32, #tpu.memory_space<hbm>> -> memref<10000x128xf32, #tpu.memory_space<hbm>>
        tpu.enqueue_indirect_dma source(%dma_start3A_363 : memref<10000x128xf32, #tpu.memory_space<hbm>>) target(%arg10 : memref<40x128xf32, #tpu.memory_space<vmem>>) offsets(%dma_start3A_360 : memref<40xi32, #tpu.memory_space<vmem>>) semaphore(%arg17 : memref<!tpu.dma_semaphore, #tpu.memory_space<semaphore_mem>>)
        %mul3A_364 = arith.constant 10000 : i32
        %mul3A_365 = arith.muli %add3A, %mul3A_364 : i32
        %mul3A_366 = arith.constant 40 : i32
        %mul3A_367 = arith.muli %add3A_355, %mul3A_366 : i32
        %add3A_368 = arith.addi %mul3A_365, %mul3A_367 : i32
        %dma_start3A_369 = arith.constant 0 : i32
        %dma_start3A_370 = tpu.memref_slice %arg5[%add3A_368, %dma_start3A_369] : memref<320000x128xf32, #tpu.memory_space<hbm>> -> memref<40x128xf32, #tpu.memory_space<hbm>>
        %dma_start3A_371 = arith.constant 0 : i32
        %dma_start3A_372 = tpu.memref_slice %arg5[%add3A_368, %dma_start3A_371] : memref<320000x128xf32, #tpu.memory_space<hbm>> -> memref<40x128xf32, #tpu.memory_space<hbm>>
        tpu.enqueue_dma source(%dma_start3A_372 : memref<40x128xf32, #tpu.memory_space<hbm>>) target(%arg13 : memref<40x128xf32, #tpu.memory_space<vmem>>) target_semaphore(%arg17 : memref<!tpu.dma_semaphore, #tpu.memory_space<semaphore_mem>>)
      } else {
      }
      %not3A_237 = arith.constant true
      %not3A_238 = arith.xori %eq3A_140, %not3A_237 : i1
      %convert_element_type3A_239 = arith.extui %not3A_238 : i1 to i32
      %cond3A_240 = arith.constant 0 : i32
      %cond3A_241 = arith.cmpi ne, %convert_element_type3A_239, %cond3A_240 : i32
      scf.if %cond3A_241 {
        %dma_wait3A_249 = arith.constant 0 : i32
        %dma_wait3A_250 = arith.constant 0 : i32
        %dma_wait3A_251 = tpu.memref_slice %arg7[%dma_wait3A_249, %dma_wait3A_250] : memref<72x40xi32, #tpu.memory_space<vmem>> -> memref<1x40xi32, #tpu.memory_space<vmem>>
        %dma_wait3A_252 = tpu.memref_squeeze %dma_wait3A_251 : memref<1x40xi32, #tpu.memory_space<vmem>> -> memref<40xi32, #tpu.memory_space<vmem>>
        %dma_wait3A_253 = arith.constant 0 : i32
        %dma_wait3A_254 = arith.constant 0 : i32
        %dma_wait3A_255 = tpu.memref_slice %arg2[%dma_wait3A_253, %dma_wait3A_254] : memref<10000x128xf32, #tpu.memory_space<hbm>> -> memref<10000x128xf32, #tpu.memory_space<hbm>>
        tpu.wait_indirect_dma semaphore(%arg18 : memref<!tpu.dma_semaphore, #tpu.memory_space<semaphore_mem>>) src(%dma_wait3A_255 : memref<10000x128xf32, #tpu.memory_space<hbm>>) dst(%arg11 : memref<40x128xf32, #tpu.memory_space<vmem>>)
        %dma_wait3A_256 = arith.constant 0 : i32
        %dma_wait3A_257 = arith.constant 0 : i32
        %dma_wait3A_258 = tpu.memref_slice %arg5[%dma_wait3A_256, %dma_wait3A_257] : memref<320000x128xf32, #tpu.memory_space<hbm>> -> memref<40x128xf32, #tpu.memory_space<hbm>>
        %dma_wait3A_259 = arith.constant 0 : i32
        %dma_wait3A_260 = arith.constant 0 : i32
        %dma_wait3A_261 = tpu.memref_slice %arg5[%dma_wait3A_259, %dma_wait3A_260] : memref<320000x128xf32, #tpu.memory_space<hbm>> -> memref<40x128xf32, #tpu.memory_space<hbm>>
        tpu.wait_dma2 semaphore(%arg18 : memref<!tpu.dma_semaphore, #tpu.memory_space<semaphore_mem>>) src(%dma_wait3A_261 : memref<40x128xf32, #tpu.memory_space<hbm>>) dst(%arg14 : memref<40x128xf32, #tpu.memory_space<vmem>>)
        %mul3A_262 = arith.constant 3 : i32
        %mul3A_263 = arith.muli %mul3A_262, %scan3A_137 : i32
        %add3A_264 = arith.constant 2 : i32
        %add3A_265 = arith.addi %mul3A_263, %add3A_264 : i32
        %rem3A_266 = arith.constant 72 : i32
        %rem3A_267 = arith.remsi %add3A_265, %rem3A_266 : i32
        %dma_start3A_268 = arith.constant 0 : i32
        %dma_start3A_269 = tpu.memref_slice %arg8[%rem3A_267, %dma_start3A_268] : memref<72x40xi32, #tpu.memory_space<vmem>> -> memref<1x40xi32, #tpu.memory_space<vmem>>
        %dma_start3A_270 = tpu.memref_squeeze %dma_start3A_269 : memref<1x40xi32, #tpu.memory_space<vmem>> -> memref<40xi32, #tpu.memory_space<vmem>>
        %dma_start3A_271 = arith.constant 0 : i32
        %dma_start3A_272 = arith.constant 0 : i32
        %dma_start3A_273 = tpu.memref_slice %arg15[%dma_start3A_271, %dma_start3A_272] : memref<10240x128xf32, #tpu.memory_space<vmem_shared>> -> memref<10240x128xf32, #tpu.memory_space<vmem_shared>>
        tpu.enqueue_indirect_dma source(%arg11 : memref<40x128xf32, #tpu.memory_space<vmem>>) target(%dma_start3A_273 : memref<10240x128xf32, #tpu.memory_space<vmem_shared>>) offsets(%dma_start3A_270 : memref<40xi32, #tpu.memory_space<vmem>>) semaphore(%arg21 : memref<!tpu.dma_semaphore, #tpu.memory_space<semaphore_mem>>) {add = true}
        %rem3A_274 = arith.constant 72 : i32
        %rem3A_275 = arith.remsi %add3A_265, %rem3A_274 : i32
        %dma_start3A_276 = arith.constant 0 : i32
        %dma_start3A_277 = tpu.memref_slice %arg8[%rem3A_275, %dma_start3A_276] : memref<72x40xi32, #tpu.memory_space<vmem>> -> memref<1x40xi32, #tpu.memory_space<vmem>>
        %dma_start3A_278 = tpu.memref_squeeze %dma_start3A_277 : memref<1x40xi32, #tpu.memory_space<vmem>> -> memref<40xi32, #tpu.memory_space<vmem>>
        %dma_start3A_279 = arith.constant 0 : i32
        %dma_start3A_280 = arith.constant 0 : i32
        %dma_start3A_281 = tpu.memref_slice %arg15[%dma_start3A_279, %dma_start3A_280] : memref<10240x128xf32, #tpu.memory_space<vmem_shared>> -> memref<10240x128xf32, #tpu.memory_space<vmem_shared>>
        tpu.enqueue_indirect_dma source(%arg14 : memref<40x128xf32, #tpu.memory_space<vmem>>) target(%dma_start3A_281 : memref<10240x128xf32, #tpu.memory_space<vmem_shared>>) offsets(%dma_start3A_278 : memref<40xi32, #tpu.memory_space<vmem>>) semaphore(%arg21 : memref<!tpu.dma_semaphore, #tpu.memory_space<semaphore_mem>>) {add = true}
        %dma_wait3A_282 = arith.constant 0 : i32
        %dma_wait3A_283 = arith.constant 0 : i32
        %dma_wait3A_284 = tpu.memref_slice %arg8[%dma_wait3A_282, %dma_wait3A_283] : memref<72x40xi32, #tpu.memory_space<vmem>> -> memref<1x40xi32, #tpu.memory_space<vmem>>
        %dma_wait3A_285 = tpu.memref_squeeze %dma_wait3A_284 : memref<1x40xi32, #tpu.memory_space<vmem>> -> memref<40xi32, #tpu.memory_space<vmem>>
        %dma_wait3A_286 = arith.constant 0 : i32
        %dma_wait3A_287 = arith.constant 0 : i32
        %dma_wait3A_288 = tpu.memref_slice %arg15[%dma_wait3A_286, %dma_wait3A_287] : memref<10240x128xf32, #tpu.memory_space<vmem_shared>> -> memref<10240x128xf32, #tpu.memory_space<vmem_shared>>
        tpu.wait_indirect_dma semaphore(%arg20 : memref<!tpu.dma_semaphore, #tpu.memory_space<semaphore_mem>>) src(%arg10 : memref<40x128xf32, #tpu.memory_space<vmem>>) dst(%dma_wait3A_288 : memref<10240x128xf32, #tpu.memory_space<vmem_shared>>)
        %dma_wait3A_289 = arith.constant 0 : i32
        %dma_wait3A_290 = arith.constant 0 : i32
        %dma_wait3A_291 = tpu.memref_slice %arg8[%dma_wait3A_289, %dma_wait3A_290] : memref<72x40xi32, #tpu.memory_space<vmem>> -> memref<1x40xi32, #tpu.memory_space<vmem>>
        %dma_wait3A_292 = tpu.memref_squeeze %dma_wait3A_291 : memref<1x40xi32, #tpu.memory_space<vmem>> -> memref<40xi32, #tpu.memory_space<vmem>>
        %dma_wait3A_293 = arith.constant 0 : i32
        %dma_wait3A_294 = arith.constant 0 : i32
        %dma_wait3A_295 = tpu.memref_slice %arg15[%dma_wait3A_293, %dma_wait3A_294] : memref<10240x128xf32, #tpu.memory_space<vmem_shared>> -> memref<10240x128xf32, #tpu.memory_space<vmem_shared>>
        tpu.wait_indirect_dma semaphore(%arg20 : memref<!tpu.dma_semaphore, #tpu.memory_space<semaphore_mem>>) src(%arg13 : memref<40x128xf32, #tpu.memory_space<vmem>>) dst(%dma_wait3A_295 : memref<10240x128xf32, #tpu.memory_space<vmem_shared>>)
      } else {
      }
      %not3A_242 = arith.constant true
      %not3A_243 = arith.xori %eq3A_140, %not3A_242 : i1
      %ne3A_244 = arith.constant 82 : i32
      %ne3A_245 = arith.cmpi ne, %scan3A_137, %ne3A_244 : i32
      %and3A = arith.andi %not3A_243, %ne3A_245 : i1
      %convert_element_type3A_246 = arith.extui %and3A : i1 to i32
      %cond3A_247 = arith.constant 0 : i32
      %cond3A_248 = arith.cmpi ne, %convert_element_type3A_246, %cond3A_247 : i32
      scf.if %cond3A_248 {
        %mul3A_249 = arith.constant 3 : i32
        %mul3A_250 = arith.muli %mul3A_249, %scan3A_137 : i32
        %add3A_251 = arith.constant 4 : i32
        %add3A_252 = arith.addi %mul3A_250, %add3A_251 : i32
        %rem3A_253 = arith.constant 72 : i32
        %rem3A_254 = arith.remsi %add3A_252, %rem3A_253 : i32
        %dma_start3A_255 = arith.constant 0 : i32
        %dma_start3A_256 = tpu.memref_slice %arg7[%rem3A_254, %dma_start3A_255] : memref<72x40xi32, #tpu.memory_space<vmem>> -> memref<1x40xi32, #tpu.memory_space<vmem>>
        %dma_start3A_257 = tpu.memref_squeeze %dma_start3A_256 : memref<1x40xi32, #tpu.memory_space<vmem>> -> memref<40xi32, #tpu.memory_space<vmem>>
        %dma_start3A_258 = arith.constant 0 : i32
        %dma_start3A_259 = arith.constant 0 : i32
        %dma_start3A_260 = tpu.memref_slice %arg2[%dma_start3A_258, %dma_start3A_259] : memref<10000x128xf32, #tpu.memory_space<hbm>> -> memref<10000x128xf32, #tpu.memory_space<hbm>>
        tpu.enqueue_indirect_dma source(%dma_start3A_260 : memref<10000x128xf32, #tpu.memory_space<hbm>>) target(%arg10 : memref<40x128xf32, #tpu.memory_space<vmem>>) offsets(%dma_start3A_257 : memref<40xi32, #tpu.memory_space<vmem>>) semaphore(%arg17 : memref<!tpu.dma_semaphore, #tpu.memory_space<semaphore_mem>>)
        %mul3A_261 = arith.constant 10000 : i32
        %mul3A_262 = arith.muli %add3A, %mul3A_261 : i32
        %mul3A_263 = arith.constant 40 : i32
        %mul3A_264 = arith.muli %add3A_252, %mul3A_263 : i32
        %add3A_265 = arith.addi %mul3A_262, %mul3A_264 : i32
        %dma_start3A_266 = arith.constant 0 : i32
        %dma_start3A_267 = tpu.memref_slice %arg5[%add3A_265, %dma_start3A_266] : memref<320000x128xf32, #tpu.memory_space<hbm>> -> memref<40x128xf32, #tpu.memory_space<hbm>>
        %dma_start3A_268 = arith.constant 0 : i32
        %dma_start3A_269 = tpu.memref_slice %arg5[%add3A_265, %dma_start3A_268] : memref<320000x128xf32, #tpu.memory_space<hbm>> -> memref<40x128xf32, #tpu.memory_space<hbm>>
        tpu.enqueue_dma source(%dma_start3A_269 : memref<40x128xf32, #tpu.memory_space<hbm>>) target(%arg13 : memref<40x128xf32, #tpu.memory_space<vmem>>) target_semaphore(%arg17 : memref<!tpu.dma_semaphore, #tpu.memory_space<semaphore_mem>>)
      } else {
      }
    }
    %scan3A_77 = arith.constant 83 : i32
    %dma_wait3A = arith.constant 0 : i32
    %dma_wait3A_78 = arith.constant 0 : i32
    %dma_wait3A_79 = tpu.memref_slice %arg7[%dma_wait3A, %dma_wait3A_78] : memref<72x40xi32, #tpu.memory_space<vmem>> -> memref<1x40xi32, #tpu.memory_space<vmem>>
    %dma_wait3A_80 = tpu.memref_squeeze %dma_wait3A_79 : memref<1x40xi32, #tpu.memory_space<vmem>> -> memref<40xi32, #tpu.memory_space<vmem>>
    %dma_wait3A_81 = arith.constant 0 : i32
    %dma_wait3A_82 = arith.constant 0 : i32
    %dma_wait3A_83 = tpu.memref_slice %arg2[%dma_wait3A_81, %dma_wait3A_82] : memref<10000x128xf32, #tpu.memory_space<hbm>> -> memref<10000x128xf32, #tpu.memory_space<hbm>>
    tpu.wait_indirect_dma semaphore(%arg16 : memref<!tpu.dma_semaphore, #tpu.memory_space<semaphore_mem>>) src(%dma_wait3A_83 : memref<10000x128xf32, #tpu.memory_space<hbm>>) dst(%arg9 : memref<40x128xf32, #tpu.memory_space<vmem>>)
    %dma_wait3A_84 = arith.constant 0 : i32
    %dma_wait3A_85 = arith.constant 0 : i32
    %dma_wait3A_86 = tpu.memref_slice %arg5[%dma_wait3A_84, %dma_wait3A_85] : memref<320000x128xf32, #tpu.memory_space<hbm>> -> memref<40x128xf32, #tpu.memory_space<hbm>>
    %dma_wait3A_87 = arith.constant 0 : i32
    %dma_wait3A_88 = arith.constant 0 : i32
    %dma_wait3A_89 = tpu.memref_slice %arg5[%dma_wait3A_87, %dma_wait3A_88] : memref<320000x128xf32, #tpu.memory_space<hbm>> -> memref<40x128xf32, #tpu.memory_space<hbm>>
    tpu.wait_dma2 semaphore(%arg16 : memref<!tpu.dma_semaphore, #tpu.memory_space<semaphore_mem>>) src(%dma_wait3A_89 : memref<40x128xf32, #tpu.memory_space<hbm>>) dst(%arg12 : memref<40x128xf32, #tpu.memory_space<vmem>>)
    %rem3A_90 = arith.constant 249 : i32
    %rem3A_91 = arith.constant 72 : i32
    %rem3A_92 = arith.remsi %rem3A_90, %rem3A_91 : i32
    %dma_start3A_93 = arith.constant 0 : i32
    %dma_start3A_94 = tpu.memref_slice %arg8[%rem3A_92, %dma_start3A_93] : memref<72x40xi32, #tpu.memory_space<vmem>> -> memref<1x40xi32, #tpu.memory_space<vmem>>
    %dma_start3A_95 = tpu.memref_squeeze %dma_start3A_94 : memref<1x40xi32, #tpu.memory_space<vmem>> -> memref<40xi32, #tpu.memory_space<vmem>>
    %dma_start3A_96 = arith.constant 0 : i32
    %dma_start3A_97 = arith.constant 0 : i32
    %dma_start3A_98 = tpu.memref_slice %arg15[%dma_start3A_96, %dma_start3A_97] : memref<10240x128xf32, #tpu.memory_space<vmem_shared>> -> memref<10240x128xf32, #tpu.memory_space<vmem_shared>>
    tpu.enqueue_indirect_dma source(%arg9 : memref<40x128xf32, #tpu.memory_space<vmem>>) target(%dma_start3A_98 : memref<10240x128xf32, #tpu.memory_space<vmem_shared>>) offsets(%dma_start3A_95 : memref<40xi32, #tpu.memory_space<vmem>>) semaphore(%arg19 : memref<!tpu.dma_semaphore, #tpu.memory_space<semaphore_mem>>) {add = true}
    %rem3A_99 = arith.constant 249 : i32
    %rem3A_100 = arith.constant 72 : i32
    %rem3A_101 = arith.remsi %rem3A_99, %rem3A_100 : i32
    %dma_start3A_102 = arith.constant 0 : i32
    %dma_start3A_103 = tpu.memref_slice %arg8[%rem3A_101, %dma_start3A_102] : memref<72x40xi32, #tpu.memory_space<vmem>> -> memref<1x40xi32, #tpu.memory_space<vmem>>
    %dma_start3A_104 = tpu.memref_squeeze %dma_start3A_103 : memref<1x40xi32, #tpu.memory_space<vmem>> -> memref<40xi32, #tpu.memory_space<vmem>>
    %dma_start3A_105 = arith.constant 0 : i32
    %dma_start3A_106 = arith.constant 0 : i32
    %dma_start3A_107 = tpu.memref_slice %arg15[%dma_start3A_105, %dma_start3A_106] : memref<10240x128xf32, #tpu.memory_space<vmem_shared>> -> memref<10240x128xf32, #tpu.memory_space<vmem_shared>>
    tpu.enqueue_indirect_dma source(%arg12 : memref<40x128xf32, #tpu.memory_space<vmem>>) target(%dma_start3A_107 : memref<10240x128xf32, #tpu.memory_space<vmem_shared>>) offsets(%dma_start3A_104 : memref<40xi32, #tpu.memory_space<vmem>>) semaphore(%arg19 : memref<!tpu.dma_semaphore, #tpu.memory_space<semaphore_mem>>) {add = true}
    %dma_wait3A_108 = arith.constant 0 : i32
    %dma_wait3A_109 = arith.constant 0 : i32
    %dma_wait3A_110 = tpu.memref_slice %arg8[%dma_wait3A_108, %dma_wait3A_109] : memref<72x40xi32, #tpu.memory_space<vmem>> -> memref<1x40xi32, #tpu.memory_space<vmem>>
    %dma_wait3A_111 = tpu.memref_squeeze %dma_wait3A_110 : memref<1x40xi32, #tpu.memory_space<vmem>> -> memref<40xi32, #tpu.memory_space<vmem>>
    %dma_wait3A_112 = arith.constant 0 : i32
    %dma_wait3A_113 = arith.constant 0 : i32
    %dma_wait3A_114 = tpu.memref_slice %arg15[%dma_wait3A_112, %dma_wait3A_113] : memref<10240x128xf32, #tpu.memory_space<vmem_shared>> -> memref<10240x128xf32, #tpu.memory_space<vmem_shared>>
    tpu.wait_indirect_dma semaphore(%arg21 : memref<!tpu.dma_semaphore, #tpu.memory_space<semaphore_mem>>) src(%arg11 : memref<40x128xf32, #tpu.memory_space<vmem>>) dst(%dma_wait3A_114 : memref<10240x128xf32, #tpu.memory_space<vmem_shared>>)
    %dma_wait3A_115 = arith.constant 0 : i32
    %dma_wait3A_116 = arith.constant 0 : i32
    %dma_wait3A_117 = tpu.memref_slice %arg8[%dma_wait3A_115, %dma_wait3A_116] : memref<72x40xi32, #tpu.memory_space<vmem>> -> memref<1x40xi32, #tpu.memory_space<vmem>>
    %dma_wait3A_118 = tpu.memref_squeeze %dma_wait3A_117 : memref<1x40xi32, #tpu.memory_space<vmem>> -> memref<40xi32, #tpu.memory_space<vmem>>
    %dma_wait3A_119 = arith.constant 0 : i32
    %dma_wait3A_120 = arith.constant 0 : i32
    %dma_wait3A_121 = tpu.memref_slice %arg15[%dma_wait3A_119, %dma_wait3A_120] : memref<10240x128xf32, #tpu.memory_space<vmem_shared>> -> memref<10240x128xf32, #tpu.memory_space<vmem_shared>>
    tpu.wait_indirect_dma semaphore(%arg21 : memref<!tpu.dma_semaphore, #tpu.memory_space<semaphore_mem>>) src(%arg14 : memref<40x128xf32, #tpu.memory_space<vmem>>) dst(%dma_wait3A_121 : memref<10240x128xf32, #tpu.memory_space<vmem_shared>>)
    %dma_wait3A_122 = arith.constant 0 : i32
    %dma_wait3A_123 = arith.constant 0 : i32
    %dma_wait3A_124 = tpu.memref_slice %arg8[%dma_wait3A_122, %dma_wait3A_123] : memref<72x40xi32, #tpu.memory_space<vmem>> -> memref<1x40xi32, #tpu.memory_space<vmem>>
    %dma_wait3A_125 = tpu.memref_squeeze %dma_wait3A_124 : memref<1x40xi32, #tpu.memory_space<vmem>> -> memref<40xi32, #tpu.memory_space<vmem>>
    %dma_wait3A_126 = arith.constant 0 : i32
    %dma_wait3A_127 = arith.constant 0 : i32
    %dma_wait3A_128 = tpu.memref_slice %arg15[%dma_wait3A_126, %dma_wait3A_127] : memref<10240x128xf32, #tpu.memory_space<vmem_shared>> -> memref<10240x128xf32, #tpu.memory_space<vmem_shared>>
    tpu.wait_indirect_dma semaphore(%arg19 : memref<!tpu.dma_semaphore, #tpu.memory_space<semaphore_mem>>) src(%arg9 : memref<40x128xf32, #tpu.memory_space<vmem>>) dst(%dma_wait3A_128 : memref<10240x128xf32, #tpu.memory_space<vmem_shared>>)
    %dma_wait3A_129 = arith.constant 0 : i32
    %dma_wait3A_130 = arith.constant 0 : i32
    %dma_wait3A_131 = tpu.memref_slice %arg8[%dma_wait3A_129, %dma_wait3A_130] : memref<72x40xi32, #tpu.memory_space<vmem>> -> memref<1x40xi32, #tpu.memory_space<vmem>>
    %dma_wait3A_132 = tpu.memref_squeeze %dma_wait3A_131 : memref<1x40xi32, #tpu.memory_space<vmem>> -> memref<40xi32, #tpu.memory_space<vmem>>
    %dma_wait3A_133 = arith.constant 0 : i32
    %dma_wait3A_134 = arith.constant 0 : i32
    %dma_wait3A_135 = tpu.memref_slice %arg15[%dma_wait3A_133, %dma_wait3A_134] : memref<10240x128xf32, #tpu.memory_space<vmem_shared>> -> memref<10240x128xf32, #tpu.memory_space<vmem_shared>>
    tpu.wait_indirect_dma semaphore(%arg19 : memref<!tpu.dma_semaphore, #tpu.memory_space<semaphore_mem>>) src(%arg12 : memref<40x128xf32, #tpu.memory_space<vmem>>) dst(%dma_wait3A_135 : memref<10240x128xf32, #tpu.memory_space<vmem_shared>>)
    %barrier3A_136 = arith.constant 0 : index
    tpu.barrier barrier_id(%barrier3A_136)
    "tpu.region"() ({
      %run_scoped3A = tpu.sem_alloc : memref<!tpu.dma_semaphore, #tpu.memory_space<semaphore_mem>>
      %dma_start3A_137 = arith.constant 0 : i32
      %dma_start3A_138 = tpu.memref_slice %arg6[%arg0, %mul3A_2, %dma_start3A_137] : memref<2x10240x128xf32, #tpu.memory_space<hbm>> -> memref<1x640x128xf32, #tpu.memory_space<hbm>>
      %dma_start3A_139 = tpu.memref_squeeze %dma_start3A_138 : memref<1x640x128xf32, #tpu.memory_space<hbm>> -> memref<640x128xf32, #tpu.memory_space<hbm>>
      %dma_start3A_140 = arith.constant 0 : i32
      %dma_start3A_141 = tpu.memref_slice %arg15[%mul3A_2, %dma_start3A_140] : memref<10240x128xf32, #tpu.memory_space<vmem_shared>> -> memref<640x128xf32, #tpu.memory_space<vmem_shared>>
      tpu.enqueue_dma source(%dma_start3A_141 : memref<640x128xf32, #tpu.memory_space<vmem_shared>>) target(%dma_start3A_139 : memref<640x128xf32, #tpu.memory_space<hbm>>) target_semaphore(%run_scoped3A : memref<!tpu.dma_semaphore, #tpu.memory_space<semaphore_mem>>)
      %dma_wait3A_142 = arith.constant 0 : i32
      %dma_wait3A_143 = tpu.memref_slice %arg6[%arg0, %mul3A_2, %dma_wait3A_142] : memref<2x10240x128xf32, #tpu.memory_space<hbm>> -> memref<1x640x128xf32, #tpu.memory_space<hbm>>
      %dma_wait3A_144 = tpu.memref_squeeze %dma_wait3A_143 : memref<1x640x128xf32, #tpu.memory_space<hbm>> -> memref<640x128xf32, #tpu.memory_space<hbm>>
      %dma_wait3A_145 = arith.constant 0 : i32
      %dma_wait3A_146 = tpu.memref_slice %arg15[%mul3A_2, %dma_wait3A_145] : memref<10240x128xf32, #tpu.memory_space<vmem_shared>> -> memref<640x128xf32, #tpu.memory_space<vmem_shared>>
      tpu.wait_dma2 semaphore(%run_scoped3A : memref<!tpu.dma_semaphore, #tpu.memory_space<semaphore_mem>>) src(%dma_wait3A_146 : memref<640x128xf32, #tpu.memory_space<vmem_shared>>) dst(%dma_wait3A_144 : memref<640x128xf32, #tpu.memory_space<hbm>>)
      tpu.yield
    }) : () -> ()
    return
  }
}

module attributes {stable_mosaic.version = 14 : i64} {
  func.func @_prep_body(%arg0: i32, %arg1: memref<1000x2xf32, #tpu.memory_space<vmem>>, %arg2: memref<1000x128xf32, #tpu.memory_space<vmem>>, %arg3: memref<1000x128xf32, #tpu.memory_space<vmem>>) attributes {dimension_semantics = [#tpu.dimension_semantics<arbitrary>], iteration_bounds = array<i64: 10>, scalar_prefetch = 0 : i64, scratch_operands = 0 : i64, tpu.core_type = #tpu.core_type<tc>, window_params = [{transform_indices = @transform_0, window_bounds = array<i64: 1000, 2>}, {transform_indices = @transform_1, window_bounds = array<i64: 1000, 128>}, {transform_indices = @transform_2, window_bounds = array<i64: 1000, 128>}]} {
    %get3A = arith.constant 0 : index
    %get3A_0 = arith.constant 0 : index
    %get3A_1 = vector.load %arg1[%get3A, %get3A_0] : memref<1000x2xf32, #tpu.memory_space<vmem>>, vector<1000x1xf32>
    %get3A_2 = vector.shape_cast %get3A_1 : vector<1000x1xf32> to vector<1000xf32>
    %get3A_3 = arith.constant 0 : index
    %get3A_4 = arith.constant 1 : index
    %get3A_5 = vector.load %arg1[%get3A_3, %get3A_4] : memref<1000x2xf32, #tpu.memory_space<vmem>>, vector<1000x1xf32>
    %get3A_6 = vector.shape_cast %get3A_5 : vector<1000x1xf32> to vector<1000xf32>
    %add3A = arith.addf %get3A_2, %get3A_6 : vector<1000xf32>
    %max3A = arith.constant 1.000000e+00 : f32
    %max3A_7 = vector.broadcast %max3A : f32 to vector<1000xf32>
    %max3A_8 = arith.maximumf %add3A, %max3A_7 : vector<1000xf32>
    %rsqrt3A = math.rsqrt %max3A_8 : vector<1000xf32>
    %get3A_9 = arith.constant 0 : index
    %get3A_10 = arith.constant 0 : index
    %get3A_11 = vector.load %arg2[%get3A_9, %get3A_10] : memref<1000x128xf32, #tpu.memory_space<vmem>>, vector<1000x128xf32>
    %broadcast_in_dim3A = vector.shape_cast %rsqrt3A : vector<1000xf32> to vector<1000x1xf32>
    %mul3A = vector.broadcast %broadcast_in_dim3A : vector<1000x1xf32> to vector<1000x128xf32>
    %mul3A_12 = arith.mulf %get3A_11, %mul3A : vector<1000x128xf32>
    %swap3A = arith.constant 0 : index
    %swap3A_13 = arith.constant 0 : index
    %swap3A_14 = vector.load %arg3[%swap3A, %swap3A_13] : memref<1000x128xf32, #tpu.memory_space<vmem>>, vector<1000x128xf32>
    tpu.vector_store %arg3[%swap3A, %swap3A_13], %mul3A_12 {strides = array<i32>} : memref<1000x128xf32, #tpu.memory_space<vmem>>, vector<1000x128xf32>,
    return
  }
  func.func @transform_0(%arg0: i32) -> (i32, i32) {
    %c0_i32 = arith.constant 0 : i32
    %c0_i32_0 = arith.constant 0 : i32
    return %arg0, %c0_i32 : i32, i32
  }
  func.func @transform_1(%arg0: i32) -> (i32, i32) {
    %c0_i32 = arith.constant 0 : i32
    %c0_i32_0 = arith.constant 0 : i32
    return %arg0, %c0_i32 : i32, i32
  }
  func.func @transform_2(%arg0: i32) -> (i32, i32) {
    %c0_i32 = arith.constant 0 : i32
    %c0_i32_0 = arith.constant 0 : i32
    return %arg0, %c0_i32 : i32, i32
  }
}

module attributes {stable_mosaic.version = 14 : i64} {
  func.func @_final_body(%arg0: i32, %arg1: memref<2x400x128xf32, #tpu.memory_space<vmem>>, %arg2: memref<128x128xf32, #tpu.memory_space<vmem>>, %arg3: memref<400x2xf32, #tpu.memory_space<vmem>>, %arg4: memref<1x128xf32, #tpu.memory_space<vmem>>, %arg5: memref<400x128xf32, #tpu.memory_space<vmem>>) attributes {dimension_semantics = [#tpu.dimension_semantics<arbitrary>], iteration_bounds = array<i64: 25>, scalar_prefetch = 0 : i64, scratch_operands = 0 : i64, tpu.core_type = #tpu.core_type<tc>, window_params = [{transform_indices = @transform_0, window_bounds = array<i64: 2, 400, 128>}, {pipeline_mode = #tpu.pipeline_mode<synchronous>, transform_indices = @transform_1, window_bounds = array<i64: 128, 128>}, {transform_indices = @transform_2, window_bounds = array<i64: 400, 2>}, {pipeline_mode = #tpu.pipeline_mode<synchronous>, transform_indices = @transform_3, window_bounds = array<i64: 1, 128>}, {transform_indices = @transform_4, window_bounds = array<i64: 400, 128>}]} {
    %get3A = arith.constant 0 : index
    %get3A_0 = arith.constant 0 : index
    %get3A_1 = arith.constant 0 : index
    %get3A_2 = vector.load %arg1[%get3A, %get3A_0, %get3A_1] : memref<2x400x128xf32, #tpu.memory_space<vmem>>, vector<1x400x128xf32>
    %get3A_3 = vector.shape_cast %get3A_2 : vector<1x400x128xf32> to vector<400x128xf32>
    %get3A_4 = arith.constant 1 : index
    %get3A_5 = arith.constant 0 : index
    %get3A_6 = arith.constant 0 : index
    %get3A_7 = vector.load %arg1[%get3A_4, %get3A_5, %get3A_6] : memref<2x400x128xf32, #tpu.memory_space<vmem>>, vector<1x400x128xf32>
    %get3A_8 = vector.shape_cast %get3A_7 : vector<1x400x128xf32> to vector<400x128xf32>
    %add3A = arith.addf %get3A_3, %get3A_8 : vector<400x128xf32>
    %get3A_9 = arith.constant 0 : index
    %get3A_10 = arith.constant 0 : index
    %get3A_11 = vector.load %arg2[%get3A_9, %get3A_10] : memref<128x128xf32, #tpu.memory_space<vmem>>, vector<128x128xf32>
    %dot_general3A = arith.constant dense<0.000000e+00> : vector<400x128xf32>
    %dot_general3A_12 = tpu.matmul %add3A, %get3A_11, %dot_general3A {dimension_numbers = #tpu.dot_dimension_numbers<[1], [0], [0], [1], [0, 0, 1, 1], [], []>, transpose_lhs_hint = false} : vector<400x128xf32>, vector<128x128xf32>, vector<400x128xf32> -> vector<400x128xf32>
    %get3A_13 = arith.constant 0 : index
    %get3A_14 = arith.constant 0 : index
    %get3A_15 = vector.load %arg3[%get3A_13, %get3A_14] : memref<400x2xf32, #tpu.memory_space<vmem>>, vector<400x1xf32>
    %get3A_16 = vector.shape_cast %get3A_15 : vector<400x1xf32> to vector<400xf32>
    %get3A_17 = arith.constant 0 : index
    %get3A_18 = arith.constant 1 : index
    %get3A_19 = vector.load %arg3[%get3A_17, %get3A_18] : memref<400x2xf32, #tpu.memory_space<vmem>>, vector<400x1xf32>
    %get3A_20 = vector.shape_cast %get3A_19 : vector<400x1xf32> to vector<400xf32>
    %add3A_21 = arith.addf %get3A_16, %get3A_20 : vector<400xf32>
    %max3A = arith.constant 1.000000e+00 : f32
    %max3A_22 = vector.broadcast %max3A : f32 to vector<400xf32>
    %max3A_23 = arith.maximumf %add3A_21, %max3A_22 : vector<400xf32>
    %rsqrt3A = math.rsqrt %max3A_23 : vector<400xf32>
    %broadcast_in_dim3A = vector.shape_cast %rsqrt3A : vector<400xf32> to vector<400x1xf32>
    %mul3A = vector.broadcast %broadcast_in_dim3A : vector<400x1xf32> to vector<400x128xf32>
    %mul3A_24 = arith.mulf %dot_general3A_12, %mul3A : vector<400x128xf32>
    %get3A_25 = arith.constant 0 : index
    %get3A_26 = arith.constant 0 : index
    %get3A_27 = vector.load %arg4[%get3A_25, %get3A_26] : memref<1x128xf32, #tpu.memory_space<vmem>>, vector<1x128xf32>
    %add3A_28 = vector.broadcast %get3A_27 : vector<1x128xf32> to vector<400x128xf32>
    %add3A_29 = arith.addf %mul3A_24, %add3A_28 : vector<400x128xf32>
    %swap3A = arith.constant 0 : index
    %swap3A_30 = arith.constant 0 : index
    %swap3A_31 = vector.load %arg5[%swap3A, %swap3A_30] : memref<400x128xf32, #tpu.memory_space<vmem>>, vector<400x128xf32>
    tpu.vector_store %arg5[%swap3A, %swap3A_30], %add3A_29 {strides = array<i32>} : memref<400x128xf32, #tpu.memory_space<vmem>>, vector<400x128xf32>,
    return
  }
  func.func @transform_0(%arg0: i32) -> (i32, i32, i32) {
    %c0_i32 = arith.constant 0 : i32
    %c0_i32_0 = arith.constant 0 : i32
    %c0_i32_1 = arith.constant 0 : i32
    return %c0_i32, %arg0, %c0_i32_0 : i32, i32, i32
  }
  func.func @transform_1(%arg0: i32) -> (i32, i32) {
    %c0_i32 = arith.constant 0 : i32
    %c0_i32_0 = arith.constant 0 : i32
    %c0_i32_1 = arith.constant 0 : i32
    return %c0_i32, %c0_i32_0 : i32, i32
  }
  func.func @transform_2(%arg0: i32) -> (i32, i32) {
    %c0_i32 = arith.constant 0 : i32
    %c0_i32_0 = arith.constant 0 : i32
    return %arg0, %c0_i32 : i32, i32
  }
  func.func @transform_3(%arg0: i32) -> (i32, i32) {
    %c0_i32 = arith.constant 0 : i32
    %c0_i32_0 = arith.constant 0 : i32
    %c0_i32_1 = arith.constant 0 : i32
    return %c0_i32, %c0_i32_0 : i32, i32
  }
  func.func @transform_4(%arg0: i32) -> (i32, i32) {
    %c0_i32 = arith.constant 0 : i32
    %c0_i32_0 = arith.constant 0 : i32
    return %arg0, %c0_i32 : i32, i32
  }
}

</mosaic_0001>

<sc_bundles>
// kernel: kernel.6.cloned.1.call-start
scs
__scs_entry_jumppad:
0x0: {  	(pc) =	sbr.rel $0x88, $3  }
0x1: {  	(tag) =	ssettag $0x0;
	lr =	simm.s32 $0x1  }
0x2: {  	[smem:$0x3F9C] =	sst lr;
	_ =	strace $0xD0000000  }
0x3: {  	_ = 	snop  }
0x4: {  	_ = 	snop  }
0x5: {  	_ = 	snop  }
0x6: {  	_ = 	snop  }
0x7: {  	_ = 	snop  }
__scs_overlays_trampoline_lowered:
0x8: {  	[smem:$0x3FAB] =	sst s0  }
0x9: {  	[smem:$0x3FAC] =	sst s1  }
0xa: {  	[smem:$0x3FAD] =	sst s2  }
0xb: {  	[smem:$0x3FAE] =	sst s3  }
0xc: {  	[smem:$0x3FAF] =	sst s4  }
0xd: {  	[smem:$0x3FB0] =	sst s5  }
0xe: {  	[smem:$0x3FB1] =	sst s6  }
0xf: {  	[smem:$0x3FB2] =	sst s7  }
0x10: {  	[smem:$0x3FB3] =	sst s8  }
0x11: {  	[smem:$0x3FB4] =	sst s9;
	s0 =	simm.s32 @!p0 $0x0  }
0x12: {  	s1 =	sld [smem:$0x3F9A];
	s0 =	simm.s32 @p0 $0x1  }
0x13: {  	[smem:$0x3FB5] =	sst s0;
	s0 =	simm.s32 @!p1 $0x0  }
0x14: {  	s2 =	sld [smem:$0x3F99];
	s0 =	simm.s32 @p1 $0x1  }
0x15: {  	[smem:$0x3FB6] =	sst s0;
	s0 =	simm.s32 @!p2 $0x0  }
0x16: {  	s3 =	sld [smem:$0x3FDB];
	s0 =	simm.s32 @p2 $0x1  }
0x17: {  	s4 =	simm.s32 $0x1BF5;
	[smem:$0x3FB8] =	sst s0  }
0x18: {  	s0 =	sld [smem:$0x3F9B];
	_ =	swait.ge [sflag:s4], $0x0  }
0x19: {  	s7 =	sld [smem:$0x3F9C]  }
0x1a: {  	s8 =	sadd.s32 $0xFFFFE003, lr  }
0x1b: {  	s9 =	sadd.s32 $0xFFFFFEF7, lr;
	s5 =	simm.s32 $0xFFFFFFFF;
	p2 =	slt.u32 s8, $0xFFFFF086  }
0x1c: {  	p1 =	slt.u32 s9, $0xF7A;
	s5 =	simm.s32 @!p2 $0x0  }
0x1d: {  	s5 =	simm.s32 @p1 $0x1;
	p0 =	seq.s32 s7, s2  }
0x1e: {  	s7 =	smul.u32 @!p0 $0xF7A, s2;
	p2 =	seq.s32 @!p0 s5, $0x0  }
0x1f: {  	s9 =	smul.u32 $0xF7A, s1;
	s8 =	simm.s32 @!p0 $0x1BF5;
	p2 =	por !p2, p0  }
0x20: {  	[sflag:s8] =	ssyncset.s32 @!p0 $0xFFFFF086;
	s6 =	sadd.s32 @!p0 s3, s7;
	s7 =	simm.s32 @!p0 $0x108  }
0x21: {  	s3 =	sadd.s32 s3, s9;
	s6 =	sadd.s32 @!p0 $0x88, s6;
	s7 =	simm.s32 @p2 $0x1082  }
0x22: {  	[simem:s7], [sflag:s8] =	dma.local @!p0 [hbm:s6], $0xF7A  }
0x23: {  	s9 =	sor.u32 $0xD0000000, s2;
	s6 =	simm.s32 $0x108;
	_ =	swait.ge @!p0 [sflag:s8], $0x0  }
0x24: {  	s3 =	sadd.s32 $0x88, s3;
	s6 =	simm.s32 @!p1 $0x1082;
	[sflag:s4] =	ssyncset.s32 $0xFFFFF086  }
0x25: {  	[simem:s6], [sflag:s4] =	dma.local [hbm:s3], $0xF7A  }
0x26: {  	[smem:$0x3F9C] =	sst s1;
	(tag) =	ssettag s2;
	_ =	strace s9  }
0x27: {  	s1 =	sld [smem:$0x3FAC]  }
0x28: {  	s2 =	sld [smem:$0x3FAD]  }
0x29: {  	s4 =	sld [smem:$0x3FAF]  }
0x2a: {  	p0 =	seq.s32 s5, $0x0;
	s5 =	sld [smem:$0x3FB0]  }
0x2b: {  	s6 =	sld [smem:$0x3FB1]  }
0x2c: {  	s7 =	sld [smem:$0x3FB2]  }
0x2d: {  	s3 =	simm.s32 $0x108;
	s8 =	sld [smem:$0x3FB3]  }
0x2e: {  	s3 =	simm.s32 @!p0 $0x1082;
	s9 =	sld [smem:$0x3FB4]  }
0x2f: {  	lr =	sadd.s32 s0, s3;
	s0 =	sld [smem:$0x3FAB]  }
0x30: {  	s3 =	sld [smem:$0x3FAE]  }
0x31: {  	[smem:$0x3FB7] =	sst s10  }
0x32: {  	s10 =	sld [smem:$0x3FB5];
	_ =	sdelay $0x3  }
0x33: {  	p0 =	seq.s32 s10, $0x1;
	s10 =	sld [smem:$0x3FB7];
	_ =	sdelay $0x3  }
0x34: {  	[smem:$0x3FB7] =	sst s10  }
0x35: {  	s10 =	sld [smem:$0x3FB6];
	_ =	sdelay $0x3  }
0x36: {  	p1 =	seq.s32 s10, $0x1;
	s10 =	sld [smem:$0x3FB7];
	_ =	sdelay $0x3  }
0x37: {  	[smem:$0x3FB7] =	sst s10  }
0x38: {  	s10 =	sld [smem:$0x3FB8]  }
0x39: {  	_ = 	snop;
	(pc) =	sbr.ind lr, $3  }
0x3a: {  	_ = 	snop  }
0x3b: {  	_ = 	snop  }
0x3c: {  	p2 =	seq.s32 s10, $0x1;
	s10 =	sld [smem:$0x3FB7]  }
0x3d: {  	_ =	shalt  }
0x3e: {  	_ =	shalt  }
0x3f: {  	_ =	shalt  }
0x40: {  	_ =	shalt  }
0x41: {  	_ =	shalt  }
0x42: {  	_ =	shalt  }
0x43: {  	_ =	shalt  }
0x44: {  	_ =	shalt  }
0x45: {  	_ =	shalt  }
0x46: {  	_ =	shalt  }
0x47: {  	_ =	shalt  }
0x48: {  	_ =	shalt  }
0x49: {  	_ =	shalt  }
0x4a: {  	_ =	shalt  }
0x4b: {  	_ =	shalt  }
0x4c: {  	_ =	shalt  }
0x4d: {  	_ =	shalt  }
0x4e: {  	_ =	shalt  }
0x4f: {  	_ =	shalt  }
0x50: {  	_ =	shalt  }
0x51: {  	_ =	shalt  }
0x52: {  	_ =	shalt  }
0x53: {  	_ =	shalt  }
0x54: {  	_ =	shalt  }
0x55: {  	_ =	shalt  }
0x56: {  	_ =	shalt  }
0x57: {  	_ =	shalt  }
0x58: {  	_ =	shalt  }
0x59: {  	_ =	shalt  }
0x5a: {  	_ =	shalt  }
0x5b: {  	_ =	shalt  }
0x5c: {  	_ =	shalt  }
0x5d: {  	_ =	shalt  }
0x5e: {  	_ =	shalt  }
0x5f: {  	_ =	shalt  }
0x60: {  	_ =	shalt  }
0x61: {  	_ =	shalt  }
0x62: {  	_ =	shalt  }
0x63: {  	_ =	shalt  }
0x64: {  	_ =	shalt  }
0x65: {  	_ =	shalt  }
0x66: {  	_ =	shalt  }
0x67: {  	_ =	shalt  }
0x68: {  	_ =	shalt  }
0x69: {  	_ =	shalt  }
0x6a: {  	_ =	shalt  }
0x6b: {  	_ =	shalt  }
0x6c: {  	_ =	shalt  }
0x6d: {  	_ =	shalt  }
0x6e: {  	_ =	shalt  }
0x6f: {  	_ =	shalt  }
0x70: {  	_ =	shalt  }
0x71: {  	_ =	shalt  }
0x72: {  	_ =	shalt  }
0x73: {  	_ =	shalt  }
0x74: {  	_ =	shalt  }
0x75: {  	_ =	shalt  }
0x76: {  	_ =	shalt  }
0x77: {  	_ =	shalt  }
0x78: {  	_ =	shalt  }
0x79: {  	_ =	shalt  }
0x7a: {  	_ =	shalt  }
0x7b: {  	_ =	shalt  }
0x7c: {  	_ =	shalt  }
0x7d: {  	_ =	shalt  }
0x7e: {  	_ =	shalt  }
0x7f: {  	_ =	shalt  }
0x80: {  	_ =	shalt  }
0x81: {  	_ =	shalt  }
0x82: {  	_ =	shalt  }
0x83: {  	_ =	shalt  }
0x84: {  	_ =	shalt  }
0x85: {  	_ =	shalt  }
0x86: {  	_ =	shalt  }
0x87: {  	_ =	shalt  }
.Lfunc_end0:
.L_simem_size_0:
called_computation_lowered:
.L_overlay_start_0:
0x88: {  	s2 =	sld [smem:$0x3FD9]  }
0x89: {  	s3 =	sld [smem:$0x3FFE];
	_ =	sdelay $0x1  }
0x8a: {  	s1 =	srdreg.scid  }
0x8b: {  	s0 =	sand.u32 $0x1, s1  }
0x8c: {  	s17 =	sshll.u32 s0, $0xA;
	s2 =	sadd.s32 s3, s2  }
0x8d: {  	s2 =	sadd.s32 s2, s17  }
0x8e: {  	[smem:$0x3FC3] =	sst s2  }
0x8f: {  	_ = 	snop  }
0x90: {  	s2 =	sld [smem:$0x3FD0];
	(tm) =	ssettm $0x1  }
0x91: {  	s18 =	sld [smem:$0x3FFB];
	_ =	sdelay $0x3  }
0x92: {  	_ =	strace s18  }
0x93: {  	s3 =	sld [smem:$0x3FFC];
	_ =	sdelay $0x3  }
0x94: {  	_ =	strace s3  }
0x95: {  	s3 =	sld [smem:$0x3FFD];
	_ =	sdelay $0x3  }
0x96: {  	_ =	strace s3  }
0x97: {  	_ =	strace $0x8FFFFFFF  }
0x98: {  	s19 =	sld [smem:$0x3FDB];
	_ =	sdelay $0x1  }
0x99: {  	s4 =	simm.s32 $_scs_section_size  }
0x9a: {  	s5 =	simm.s32 $_size__tile_overlayer_lowered;
	s6 =	simm.s32 $_tile_overlayer_lowered  }
0x9b: {  	s22 =	simm.s32 $0x1BFF;
	s21 =	sshll.u32 s6, $0x1;
	s3 =	sadd.s32 s4, s19  }
0x9c: {  	s7 =	simm.s32 $0x0;
	s20 =	sshll.u32 s5, $0x1;
	s5 =	sadd.s32 s21, s3  }
0x9d: {  	[timem:s7], [sflag:s22] =	dma.local [hbm:s5], s20  }
0x9e: {  	_ =	swait.ge [sflag:s22], s20  }
0x9f: {  	s4 =	ssub.s32 $0x0, s20;
	[sflag:s22] =	ssyncset.done $0x0  }
0xa0: {  	[sflag:s22] =	ssyncadd.s32 s4;
	_ =	sdelay $0x1  }
0xa1: {  	s23 =	simm.s32 $0x1B8B  }
0xa2: {  	_ =	swait.ge [sflag:s23], $0x1  }
0xa3: {  	[sflag:s23] =	ssyncset.done $0x0  }
0xa4: {  	s25 =	simm.s32 $0x1B8E;
	s24 =	sld [smem:$0x3FFE];
	[sflag:s23] =	ssyncadd.s32 $0xFFFFFFFF  }
0xa5: {  	s26 =	simm.s32 $execute0_lowered;
	[smem:$0x3FD2] =	sst s25  }
0xa6: {  	s5 =	sshll.u32 s26, $0x1;
	_ =	strace $0x80000046;
	[dreg:$0x1] =	wrdreg $0xFFFFFFFF  }
0xa7: {  	s28 =	simm.s32 $_size_execute0_lowered;
	s3 =	sadd.s32 s3, s5;
	[dreg:$0x0] =	wrdreg $0x0  }
0xa8: {  	s5 =	sshll.u32 s28, $0x1;
	[dreg:$0x2] =	wrdreg s3  }
0xa9: {  	[dreg:$0x3] =	wrdreg s5  }
0xaa: {  	[dreg:$0x4] =	wrdreg $0xC0  }
0xab: {  	_ =	task [dreg:s7], $0x5FFFF  }
0xac: {  	[dreg:$0x1] =	wrdreg $0xFFFFFFFF  }
0xad: {  	[dreg:$0x0] =	wrdreg $0x60  }
0xae: {  	[dreg:$0x2] =	wrdreg s2  }
0xaf: {  	[dreg:$0x3] =	wrdreg s24  }
0xb0: {  	[dreg:$0x4] =	wrdreg $0x80800  }
0xb1: {  	[dreg:$0x5] =	wrdreg $0x83000  }
0xb2: {  	[dreg:$0x6] =	wrdreg $0x9  }
0xb3: {  	_ =	task.clear_ibuf [dreg:s7], $0x7FFFF;
	_ =	strace $0x90000046  }
0xb4: {  	s29 =	simm.s32 $0x9;
	_ =	strace $0x80000048  }
0xb5: {  	_ =	swait.ge [sflag:s29], $0x1  }
0xb6: {  	[sflag:s29] =	ssyncadd.s32 $0xFFFFFFFF  }
0xb7: {  	_ =	strace $0x90000048  }
0xb8: {  	_ =	sfence  }
0xb9: {  	s30 =	sld [smem:$0x0];
	_ =	sdelay $0x2  }
0xba: {  	s31 =	sshll.u32 s1, $0xD;
	s1 =	sshrl.u32 s1, $0x2  }
0xbb: {  	s3 =	sand.u32 $0x4000, s31;
	s1 =	sadd.s32 s1, s30  }
0xbc: {  	s0 =	sor.u32 s3, s0;
	s1 =	sshll.u32 s1, $0x11  }
0xbd: {  	s0 =	sor.u32 s1, s0  }
0xbe: {  	s0 =	sadd.s32 $0x8F2B, s0  }
0xbf: {  	[sflag:s0] =	ssyncadd.remote.s32 $0x1  }
0xc0: {  	_ =	sfence.sel $0xFFFF  }
0xc1: {  	[dreg:$0x0] =	wrdreg $0xFFFFFFFF;
	(pc) =	sbr.abs _section_cstart, $3  }
0xc2: {  	[dreg:$0x1] =	wrdreg $0xFFFFFFFF  }
0xc3: {  	_ =	task.clear_ibuf [dreg:s7], $0x2FFFF;
	_ =	strace $0x9FFFFFFF  }
0xc4: {  	(tm) =	ssettm $0x7FFFFFFF  }
0xc5: {  	_ =	shalt  }
tec
execute0_lowered:
.L_overlay_start_1:
0x0: {  	(tag) =	ssettag $0x1  }
0x1: {  	s0 =	rddreg [dreg:$0x0]  }
0x2: {  	s5 =	rddreg [dreg:$0x1]  }
0x3: {  	s1 =	srdreg.scid;
	s2 =	rddreg [dreg:$0x2]  }
0x4: {  	s14 =	stileid.u32;
	s3 =	rddreg [dreg:$0x3];
	s16 =	simm.s32 $0x50  }
0x5: {  	s17 =	simm.s32 $0x8000;
	s18 =	simm.s32 $0x1;
	s21 =	simm.s32 $0x3C80  }
0x6: {  	s22 =	simm.s32 $0x7C80;
	s28 =	simm.s32 $0x3E00;
	s29 =	simm.s32 $0x7E00  }
0x7: {  	s30 =	simm.s32 $0x20;
	s31 =	simm.s32 $0x10;
	s23 =	smul.u32 $0x500, s14  }
0x8: {  	s1 =	sand.u32 $0x1, s1;
	s8 =	smul.u32 $0x280, s14;
	s25 =	sshll.u32 s14, $0x6  }
0x9: {  	s4 =	sshll.u32 s1, $0x4;
	s9 =	sshll.u32 s1, $0x7;
	s1 =	ssub.s32 $0x2, s1  }
0xa: {  	s6 =	sor.u32 s14, s4;
	s4 =	simm.s32 $0x0;
	s24 =	sshrl.u32 s8, $0x3  }
0xb: {  	s11 =	sshrl.u32 s1, $0x1;
	s13 =	sadd.s32 s8, s2;
	s26 =	sadd.s32 s8, s3  }
0xc: {  	s7 =	smul.u32 $0x900, s6;
	[smem:$0x7FF] =	sst s4;
	s6 =	sor.u32 s9, s23  }
0xd: {  	s9 =	sadd.s32 s24, s5;
	s1 =	ssub.s32 s1, s11;
	s14 =	sshrl.u32 s26, $0x3  }
0xe: {  	s23 =	simm.s32 $0x3D00;
	s24 =	simm.s32 $0x7D00;
	s26 =	simm.s32 $0x7D80  }
0xf: {  	_ =	strace $0x80000047;
	s6 =	sshrl.u32 s6, $0x3;
	s11 =	smax.u32 s1, $0x1  }
0x10: {  	s1 =	simm.s32 $0x0;
	s10 =	sadd.s32 s7, s5;
	s12 =	sadd.s32 s6, s5  }
0x11: {  	s5 =	sadd.s32 $0x13600, s9;
	s6 =	sor.u32 $0x1C02, s25;
	s7 =	sadd.s32 s0, s7  }
0x12: {  	s25 =	simm.s32 $0x3D80;
	s8 =	sadd.s32 $0x1600, s10;
	s9 =	sadd.s32 $0x13C00, s12  }
0x13: {  	v0 =	vimm.f32 $1.000000000e+00;
	s10 =	sadd.s32 $0x14600, s12;
	s12 =	sshrl.u32 s13, $0x3;
	s13 =	simm.s32 $0x2  }
.LBB2_1:
0x14: {  	[spmem:s12], [sflag:s6] =	dma.local [hbm:s5], $0x50  }
0x15: {  	_ =	swait.ge [sflag:s13], $0x50  }
0x16: {  	[sflag:s13] =	ssyncset.done $0x0  }
0x17: {  	[sflag:s13] =	ssyncadd.s32 $0xFFFFFFB0  }
0x18: {  	[spmem:s14], [sflag:s6] =	dma.local [hbm:s5], $0x50  }
0x19: {  	_ =	swait.ge [sflag:s13], $0x50  }
0x1a: {  	[sflag:s13] =	ssyncset.done $0x0  }
0x1b: {  	[sflag:s13] =	ssyncadd.s32 $0xFFFFFFB0  }
0x1c: {  	[tilespmem:s4], [sflag:$0x2] =	stream.linear.gather [hbm4b:s7+s4], $0x4000, $0x38;
	[tilespmem:$0x8580] =	vst v63  }
0x1d: {  	_ =	swait.ge [sflag:s13], $0x4000  }
0x1e: {  	[sflag:s13] =	ssyncset.done $0x0  }
0x1f: {  	s0 =	simm.s32 $0x4000;
	[sflag:s13] =	ssyncadd.s32 $0xFFFFC000  }
0x20: {  	[tilespmem:s0], [sflag:$0x2] =	stream.linear.gather [hbm4b:s8+s4], $0x4000, $0x38;
	[tilespmem:$0x8580] =	vst v63  }
0x21: {  	_ =	swait.ge [sflag:s13], $0x4000  }
0x22: {  	[sflag:s13] =	ssyncset.done $0x0  }
0x23: {  	[sflag:s13] =	ssyncadd.s32 $0xFFFFC000  }
0x24: {  	[tilespmem:$0x8000] =	vst v0  }
0x25: {  	[tilespmem:$0x8010] =	vst v0  }
0x26: {  	[tilespmem:$0x8020] =	vst v0  }
0x27: {  	[tilespmem:$0x8030] =	vst v0  }
0x28: {  	[tilespmem:$0x8040] =	vst v0  }
0x29: {  	s20 =	simm.s32 $0x0;
	[bflag:$0x0] =	sbarrier.arrive $0xFFFF  }
0x2a: {  	[spmem:s2] =	stream.indirect.scatter.add.f32 [tilespmem:s17], [sflag:$0x1], $0x1, s20, s16, $0xb8;
	[tilespmem:$0x8580] =	vst v63  }
0x2b: {  	s15 =	simm.s32 $0x4000  }
0x2c: {  	[spmem:s3] =	stream.indirect.scatter.add.f32 [tilespmem:s17], [sflag:$0x1], $0x1, s15, s16, $0xb8;
	[tilespmem:$0x8580] =	vst v63  }
0x2d: {  	s19 =	simm.s32 $0x80  }
0x2e: {  	[spmem:s2] =	stream.indirect.scatter.add.f32 [tilespmem:s17], [sflag:$0x1], $0x1, s19, s16, $0xb8;
	[tilespmem:$0x8580] =	vst v63  }
0x2f: {  	s20 =	simm.s32 $0x4080  }
0x30: {  	[spmem:s3] =	stream.indirect.scatter.add.f32 [tilespmem:s17], [sflag:$0x1], $0x1, s20, s16, $0xb8;
	[tilespmem:$0x8580] =	vst v63  }
0x31: {  	s15 =	simm.s32 $0x100  }
0x32: {  	[spmem:s2] =	stream.indirect.scatter.add.f32 [tilespmem:s17], [sflag:$0x1], $0x1, s15, s16, $0xb8;
	[tilespmem:$0x8580] =	vst v63  }
0x33: {  	s19 =	simm.s32 $0x4100  }
0x34: {  	[spmem:s3] =	stream.indirect.scatter.add.f32 [tilespmem:s17], [sflag:$0x1], $0x1, s19, s16, $0xb8;
	[tilespmem:$0x8580] =	vst v63  }
0x35: {  	s20 =	simm.s32 $0x180  }
0x36: {  	[spmem:s2] =	stream.indirect.scatter.add.f32 [tilespmem:s17], [sflag:$0x1], $0x1, s20, s16, $0xb8;
	[tilespmem:$0x8580] =	vst v63  }
0x37: {  	s15 =	simm.s32 $0x4180  }
0x38: {  	[spmem:s3] =	stream.indirect.scatter.add.f32 [tilespmem:s17], [sflag:$0x1], $0x1, s15, s16, $0xb8;
	[tilespmem:$0x8580] =	vst v63  }
0x39: {  	s19 =	simm.s32 $0x200  }
0x3a: {  	[spmem:s2] =	stream.indirect.scatter.add.f32 [tilespmem:s17], [sflag:$0x1], $0x1, s19, s16, $0xb8;
	[tilespmem:$0x8580] =	vst v63  }
0x3b: {  	s20 =	simm.s32 $0x4200  }
0x3c: {  	[spmem:s3] =	stream.indirect.scatter.add.f32 [tilespmem:s17], [sflag:$0x1], $0x1, s20, s16, $0xb8;
	[tilespmem:$0x8580] =	vst v63  }
0x3d: {  	s15 =	simm.s32 $0x280  }
0x3e: {  	[spmem:s2] =	stream.indirect.scatter.add.f32 [tilespmem:s17], [sflag:$0x1], $0x1, s15, s16, $0xb8;
	[tilespmem:$0x8580] =	vst v63  }
0x3f: {  	s19 =	simm.s32 $0x4280  }
0x40: {  	[spmem:s3] =	stream.indirect.scatter.add.f32 [tilespmem:s17], [sflag:$0x1], $0x1, s19, s16, $0xb8;
	[tilespmem:$0x8580] =	vst v63  }
0x41: {  	s20 =	simm.s32 $0x300  }
0x42: {  	[spmem:s2] =	stream.indirect.scatter.add.f32 [tilespmem:s17], [sflag:$0x1], $0x1, s20, s16, $0xb8;
	[tilespmem:$0x8580] =	vst v63  }
0x43: {  	s15 =	simm.s32 $0x4300  }
0x44: {  	[spmem:s3] =	stream.indirect.scatter.add.f32 [tilespmem:s17], [sflag:$0x1], $0x1, s15, s16, $0xb8;
	[tilespmem:$0x8580] =	vst v63  }
0x45: {  	s19 =	simm.s32 $0x380  }
0x46: {  	[spmem:s2] =	stream.indirect.scatter.add.f32 [tilespmem:s17], [sflag:$0x1], $0x1, s19, s16, $0xb8;
	[tilespmem:$0x8580] =	vst v63  }
0x47: {  	s20 =	simm.s32 $0x4380  }
0x48: {  	[spmem:s3] =	stream.indirect.scatter.add.f32 [tilespmem:s17], [sflag:$0x1], $0x1, s20, s16, $0xb8;
	[tilespmem:$0x8580] =	vst v63  }
0x49: {  	_ =	swait.ge [sflag:s18], $0x50  }
0x4a: {  	[sflag:s18] =	ssyncset.done $0x0  }
0x4b: {  	[sflag:s18] =	ssyncadd.s32 $0xFFFFFFB0  }
0x4c: {  	_ =	swait.ge [sflag:s18], $0x50  }
0x4d: {  	[sflag:s18] =	ssyncset.done $0x0  }
0x4e: {  	[sflag:s18] =	ssyncadd.s32 $0xFFFFFFB0  }
0x4f: {  	_ =	swait.ge [sflag:s18], $0x50  }
0x50: {  	[sflag:s18] =	ssyncset.done $0x0  }
0x51: {  	[sflag:s18] =	ssyncadd.s32 $0xFFFFFFB0  }
0x52: {  	_ =	swait.ge [sflag:s18], $0x50  }
0x53: {  	[sflag:s18] =	ssyncset.done $0x0  }
0x54: {  	[sflag:s18] =	ssyncadd.s32 $0xFFFFFFB0  }
0x55: {  	_ =	swait.ge [sflag:s18], $0x50  }
0x56: {  	[sflag:s18] =	ssyncset.done $0x0  }
0x57: {  	[sflag:s18] =	ssyncadd.s32 $0xFFFFFFB0  }
0x58: {  	_ =	swait.ge [sflag:s18], $0x50  }
0x59: {  	[sflag:s18] =	ssyncset.done $0x0  }
0x5a: {  	[sflag:s18] =	ssyncadd.s32 $0xFFFFFFB0  }
0x5b: {  	_ =	swait.ge [sflag:s18], $0x50  }
0x5c: {  	[sflag:s18] =	ssyncset.done $0x0  }
0x5d: {  	[sflag:s18] =	ssyncadd.s32 $0xFFFFFFB0  }
0x5e: {  	_ =	swait.ge [sflag:s18], $0x50  }
0x5f: {  	[sflag:s18] =	ssyncset.done $0x0  }
0x60: {  	[sflag:s18] =	ssyncadd.s32 $0xFFFFFFB0  }
0x61: {  	_ =	swait.ge [sflag:s18], $0x50  }
0x62: {  	[sflag:s18] =	ssyncset.done $0x0  }
0x63: {  	[sflag:s18] =	ssyncadd.s32 $0xFFFFFFB0  }
0x64: {  	_ =	swait.ge [sflag:s18], $0x50  }
0x65: {  	[sflag:s18] =	ssyncset.done $0x0  }
0x66: {  	[sflag:s18] =	ssyncadd.s32 $0xFFFFFFB0  }
0x67: {  	_ =	swait.ge [sflag:s18], $0x50  }
0x68: {  	[sflag:s18] =	ssyncset.done $0x0  }
0x69: {  	[sflag:s18] =	ssyncadd.s32 $0xFFFFFFB0  }
0x6a: {  	_ =	swait.ge [sflag:s18], $0x50  }
0x6b: {  	[sflag:s18] =	ssyncset.done $0x0  }
0x6c: {  	[sflag:s18] =	ssyncadd.s32 $0xFFFFFFB0  }
0x6d: {  	_ =	swait.ge [sflag:s18], $0x50  }
0x6e: {  	[sflag:s18] =	ssyncset.done $0x0  }
0x6f: {  	[sflag:s18] =	ssyncadd.s32 $0xFFFFFFB0  }
0x70: {  	_ =	swait.ge [sflag:s18], $0x50  }
0x71: {  	[sflag:s18] =	ssyncset.done $0x0  }
0x72: {  	[sflag:s18] =	ssyncadd.s32 $0xFFFFFFB0  }
0x73: {  	_ =	swait.ge [sflag:s18], $0x50  }
0x74: {  	[sflag:s18] =	ssyncset.done $0x0  }
0x75: {  	[sflag:s18] =	ssyncadd.s32 $0xFFFFFFB0  }
0x76: {  	_ =	swait.ge [sflag:s18], $0x50  }
0x77: {  	s0 =	simm.s32 $0x1000;
	s15 =	simm.s32 $0x2000;
	[sflag:s18] =	ssyncset.done $0x0  }
.LBB2_2:
0x78: {  	s19 =	sshra.s32 s0, $0x2  }
0x79: {  	[sflag:s18] =	ssyncadd.s32 $0xFFFFFFB0;
	s0 =	smov.u32 s15;
	s20 =	sadd.s32 $0x1000, s15  }
0x7a: {  	[spmem:s2] =	stream.indirect.scatter.add.f32 [tilespmem:s17], [sflag:$0x1], $0x1, s19, s16, $0xb8;
	[tilespmem:$0x8580] =	vst v63  }
0x7b: {  	p0 =	sne.s32 s15, $0xE000;
	s15 =	sadd.s32 $0x4000, s19  }
0x7c: {  	[spmem:s3] =	stream.indirect.scatter.add.f32 [tilespmem:s17], [sflag:$0x1], $0x1, s15, s16, $0xb8;
	[tilespmem:$0x8580] =	vst v63  }
0x7d: {  	s15 =	sadd.s32 $0x80, s19  }
0x7e: {  	[spmem:s2] =	stream.indirect.scatter.add.f32 [tilespmem:s17], [sflag:$0x1], $0x1, s15, s16, $0xb8;
	[tilespmem:$0x8580] =	vst v63  }
0x7f: {  	s15 =	sadd.s32 $0x4080, s19  }
0x80: {  	[spmem:s3] =	stream.indirect.scatter.add.f32 [tilespmem:s17], [sflag:$0x1], $0x1, s15, s16, $0xb8;
	[tilespmem:$0x8580] =	vst v63  }
0x81: {  	s15 =	sadd.s32 $0x100, s19  }
0x82: {  	[spmem:s2] =	stream.indirect.scatter.add.f32 [tilespmem:s17], [sflag:$0x1], $0x1, s15, s16, $0xb8;
	[tilespmem:$0x8580] =	vst v63  }
0x83: {  	s15 =	sadd.s32 $0x4100, s19  }
0x84: {  	[spmem:s3] =	stream.indirect.scatter.add.f32 [tilespmem:s17], [sflag:$0x1], $0x1, s15, s16, $0xb8;
	[tilespmem:$0x8580] =	vst v63  }
0x85: {  	s15 =	sadd.s32 $0x180, s19  }
0x86: {  	[spmem:s2] =	stream.indirect.scatter.add.f32 [tilespmem:s17], [sflag:$0x1], $0x1, s15, s16, $0xb8;
	[tilespmem:$0x8580] =	vst v63  }
0x87: {  	s15 =	sadd.s32 $0x4180, s19  }
0x88: {  	[spmem:s3] =	stream.indirect.scatter.add.f32 [tilespmem:s17], [sflag:$0x1], $0x1, s15, s16, $0xb8;
	[tilespmem:$0x8580] =	vst v63  }
0x89: {  	s15 =	sadd.s32 $0x200, s19  }
0x8a: {  	[spmem:s2] =	stream.indirect.scatter.add.f32 [tilespmem:s17], [sflag:$0x1], $0x1, s15, s16, $0xb8;
	[tilespmem:$0x8580] =	vst v63  }
0x8b: {  	s15 =	sadd.s32 $0x4200, s19  }
0x8c: {  	[spmem:s3] =	stream.indirect.scatter.add.f32 [tilespmem:s17], [sflag:$0x1], $0x1, s15, s16, $0xb8;
	[tilespmem:$0x8580] =	vst v63  }
0x8d: {  	s15 =	sadd.s32 $0x280, s19  }
0x8e: {  	[spmem:s2] =	stream.indirect.scatter.add.f32 [tilespmem:s17], [sflag:$0x1], $0x1, s15, s16, $0xb8;
	[tilespmem:$0x8580] =	vst v63  }
0x8f: {  	s15 =	sadd.s32 $0x4280, s19  }
0x90: {  	[spmem:s3] =	stream.indirect.scatter.add.f32 [tilespmem:s17], [sflag:$0x1], $0x1, s15, s16, $0xb8;
	[tilespmem:$0x8580] =	vst v63  }
0x91: {  	s15 =	sadd.s32 $0x300, s19  }
0x92: {  	[spmem:s2] =	stream.indirect.scatter.add.f32 [tilespmem:s17], [sflag:$0x1], $0x1, s15, s16, $0xb8;
	[tilespmem:$0x8580] =	vst v63  }
0x93: {  	s15 =	sadd.s32 $0x4300, s19  }
0x94: {  	[spmem:s3] =	stream.indirect.scatter.add.f32 [tilespmem:s17], [sflag:$0x1], $0x1, s15, s16, $0xb8;
	[tilespmem:$0x8580] =	vst v63  }
0x95: {  	s15 =	sadd.s32 $0x380, s19  }
0x96: {  	[spmem:s2] =	stream.indirect.scatter.add.f32 [tilespmem:s17], [sflag:$0x1], $0x1, s15, s16, $0xb8;
	[tilespmem:$0x8580] =	vst v63  }
0x97: {  	s15 =	sadd.s32 $0x4380, s19  }
0x98: {  	[spmem:s3] =	stream.indirect.scatter.add.f32 [tilespmem:s17], [sflag:$0x1], $0x1, s15, s16, $0xb8;
	[tilespmem:$0x8580] =	vst v63  }
0x99: {  	_ =	swait.ge [sflag:s18], $0x50  }
0x9a: {  	[sflag:s18] =	ssyncset.done $0x0  }
0x9b: {  	[sflag:s18] =	ssyncadd.s32 $0xFFFFFFB0  }
0x9c: {  	_ =	swait.ge [sflag:s18], $0x50  }
0x9d: {  	[sflag:s18] =	ssyncset.done $0x0  }
0x9e: {  	[sflag:s18] =	ssyncadd.s32 $0xFFFFFFB0  }
0x9f: {  	_ =	swait.ge [sflag:s18], $0x50  }
0xa0: {  	[sflag:s18] =	ssyncset.done $0x0  }
0xa1: {  	[sflag:s18] =	ssyncadd.s32 $0xFFFFFFB0  }
0xa2: {  	_ =	swait.ge [sflag:s18], $0x50  }
0xa3: {  	[sflag:s18] =	ssyncset.done $0x0  }
0xa4: {  	[sflag:s18] =	ssyncadd.s32 $0xFFFFFFB0  }
0xa5: {  	_ =	swait.ge [sflag:s18], $0x50  }
0xa6: {  	[sflag:s18] =	ssyncset.done $0x0  }
0xa7: {  	[sflag:s18] =	ssyncadd.s32 $0xFFFFFFB0  }
0xa8: {  	_ =	swait.ge [sflag:s18], $0x50  }
0xa9: {  	[sflag:s18] =	ssyncset.done $0x0  }
0xaa: {  	[sflag:s18] =	ssyncadd.s32 $0xFFFFFFB0  }
0xab: {  	_ =	swait.ge [sflag:s18], $0x50  }
0xac: {  	[sflag:s18] =	ssyncset.done $0x0  }
0xad: {  	[sflag:s18] =	ssyncadd.s32 $0xFFFFFFB0  }
0xae: {  	_ =	swait.ge [sflag:s18], $0x50  }
0xaf: {  	[sflag:s18] =	ssyncset.done $0x0  }
0xb0: {  	[sflag:s18] =	ssyncadd.s32 $0xFFFFFFB0  }
0xb1: {  	_ =	swait.ge [sflag:s18], $0x50  }
0xb2: {  	[sflag:s18] =	ssyncset.done $0x0  }
0xb3: {  	[sflag:s18] =	ssyncadd.s32 $0xFFFFFFB0  }
0xb4: {  	_ =	swait.ge [sflag:s18], $0x50  }
0xb5: {  	[sflag:s18] =	ssyncset.done $0x0  }
0xb6: {  	[sflag:s18] =	ssyncadd.s32 $0xFFFFFFB0  }
0xb7: {  	_ =	swait.ge [sflag:s18], $0x50  }
0xb8: {  	[sflag:s18] =	ssyncset.done $0x0  }
0xb9: {  	[sflag:s18] =	ssyncadd.s32 $0xFFFFFFB0  }
0xba: {  	_ =	swait.ge [sflag:s18], $0x50  }
0xbb: {  	[sflag:s18] =	ssyncset.done $0x0  }
0xbc: {  	[sflag:s18] =	ssyncadd.s32 $0xFFFFFFB0  }
0xbd: {  	_ =	swait.ge [sflag:s18], $0x50  }
0xbe: {  	[sflag:s18] =	ssyncset.done $0x0  }
0xbf: {  	[sflag:s18] =	ssyncadd.s32 $0xFFFFFFB0  }
0xc0: {  	_ =	swait.ge [sflag:s18], $0x50  }
0xc1: {  	[sflag:s18] =	ssyncset.done $0x0  }
0xc2: {  	[sflag:s18] =	ssyncadd.s32 $0xFFFFFFB0  }
.Ltmp0:
0xc3: {  	_ =	swait.ge [sflag:s18], $0x50;
	(pc) =	sbr.rel @p0 .LBB2_2-.Ltmp0, $4  }
0xc4: {  	[sflag:s18] =	ssyncset.done $0x0  }
0xc5: {  	[sflag:s18] =	ssyncadd.s32 $0xFFFFFFB0  }
0xc6: {  	_ =	swait.ge [sflag:s18], $0x50  }
0xc7: {  	s15 =	smov.u32 s20;
	[sflag:s18] =	ssyncset.done $0x0  }
0xc8: {  	s0 =	sshra.s32 s0, $0x2;
	[sflag:s18] =	ssyncadd.s32 $0xFFFFFFB0  }
0xc9: {  	[spmem:s2] =	stream.indirect.scatter.add.f32 [tilespmem:s17], [sflag:$0x1], $0x1, s0, s16, $0xb8;
	[tilespmem:$0x8580] =	vst v63  }
0xca: {  	s15 =	sadd.s32 $0x4000, s0  }
0xcb: {  	[spmem:s3] =	stream.indirect.scatter.add.f32 [tilespmem:s17], [sflag:$0x1], $0x1, s15, s16, $0xb8;
	[tilespmem:$0x8580] =	vst v63  }
0xcc: {  	s20 =	sadd.s32 $0x80, s0  }
0xcd: {  	[spmem:s2] =	stream.indirect.scatter.add.f32 [tilespmem:s17], [sflag:$0x1], $0x1, s20, s16, $0xb8;
	[tilespmem:$0x8580] =	vst v63  }
0xce: {  	s19 =	sadd.s32 $0x4080, s0  }
0xcf: {  	[spmem:s3] =	stream.indirect.scatter.add.f32 [tilespmem:s17], [sflag:$0x1], $0x1, s19, s16, $0xb8;
	[tilespmem:$0x8580] =	vst v63  }
0xd0: {  	s20 =	sadd.s32 $0x100, s0  }
0xd1: {  	[spmem:s2] =	stream.indirect.scatter.add.f32 [tilespmem:s17], [sflag:$0x1], $0x1, s20, s16, $0xb8;
	[tilespmem:$0x8580] =	vst v63  }
0xd2: {  	s19 =	sadd.s32 $0x4100, s0  }
0xd3: {  	[spmem:s3] =	stream.indirect.scatter.add.f32 [tilespmem:s17], [sflag:$0x1], $0x1, s19, s16, $0xb8;
	[tilespmem:$0x8580] =	vst v63  }
0xd4: {  	s20 =	sadd.s32 $0x180, s0  }
0xd5: {  	[spmem:s2] =	stream.indirect.scatter.add.f32 [tilespmem:s17], [sflag:$0x1], $0x1, s20, s16, $0xb8;
	[tilespmem:$0x8580] =	vst v63  }
0xd6: {  	s19 =	sadd.s32 $0x4180, s0  }
0xd7: {  	[spmem:s3] =	stream.indirect.scatter.add.f32 [tilespmem:s17], [sflag:$0x1], $0x1, s19, s16, $0xb8;
	[tilespmem:$0x8580] =	vst v63  }
0xd8: {  	s20 =	sadd.s32 $0x200, s0  }
0xd9: {  	[spmem:s2] =	stream.indirect.scatter.add.f32 [tilespmem:s17], [sflag:$0x1], $0x1, s20, s16, $0xb8;
	[tilespmem:$0x8580] =	vst v63  }
0xda: {  	s19 =	sadd.s32 $0x4200, s0  }
0xdb: {  	[spmem:s3] =	stream.indirect.scatter.add.f32 [tilespmem:s17], [sflag:$0x1], $0x1, s19, s16, $0xb8;
	[tilespmem:$0x8580] =	vst v63  }
0xdc: {  	s20 =	sadd.s32 $0x280, s0  }
0xdd: {  	[spmem:s2] =	stream.indirect.scatter.add.f32 [tilespmem:s17], [sflag:$0x1], $0x1, s20, s16, $0xb8;
	[tilespmem:$0x8580] =	vst v63  }
0xde: {  	s19 =	sadd.s32 $0x4280, s0  }
0xdf: {  	[spmem:s3] =	stream.indirect.scatter.add.f32 [tilespmem:s17], [sflag:$0x1], $0x1, s19, s16, $0xb8;
	[tilespmem:$0x8580] =	vst v63  }
0xe0: {  	s20 =	sadd.s32 $0x300, s0  }
0xe1: {  	[spmem:s2] =	stream.indirect.scatter.add.f32 [tilespmem:s17], [sflag:$0x1], $0x1, s20, s16, $0xb8;
	[tilespmem:$0x8580] =	vst v63  }
0xe2: {  	s19 =	sadd.s32 $0x4300, s0  }
0xe3: {  	[spmem:s3] =	stream.indirect.scatter.add.f32 [tilespmem:s17], [sflag:$0x1], $0x1, s19, s16, $0xb8;
	[tilespmem:$0x8580] =	vst v63  }
0xe4: {  	s20 =	sadd.s32 $0x380, s0  }
0xe5: {  	[spmem:s2] =	stream.indirect.scatter.add.f32 [tilespmem:s17], [sflag:$0x1], $0x1, s20, s16, $0xb8;
	[tilespmem:$0x8580] =	vst v63  }
0xe6: {  	s0 =	sadd.s32 $0x4380, s0  }
0xe7: {  	[spmem:s3] =	stream.indirect.scatter.add.f32 [tilespmem:s17], [sflag:$0x1], $0x1, s0, s16, $0xb8;
	[tilespmem:$0x8580] =	vst v63  }
0xe8: {  	_ =	swait.ge [sflag:s18], $0x50  }
0xe9: {  	[sflag:s18] =	ssyncset.done $0x0  }
0xea: {  	[sflag:s18] =	ssyncadd.s32 $0xFFFFFFB0  }
0xeb: {  	_ =	swait.ge [sflag:s18], $0x50  }
0xec: {  	[sflag:s18] =	ssyncset.done $0x0  }
0xed: {  	[sflag:s18] =	ssyncadd.s32 $0xFFFFFFB0  }
0xee: {  	_ =	swait.ge [sflag:s18], $0x50  }
0xef: {  	[sflag:s18] =	ssyncset.done $0x0  }
0xf0: {  	[sflag:s18] =	ssyncadd.s32 $0xFFFFFFB0  }
0xf1: {  	_ =	swait.ge [sflag:s18], $0x50  }
0xf2: {  	[sflag:s18] =	ssyncset.done $0x0  }
0xf3: {  	[sflag:s18] =	ssyncadd.s32 $0xFFFFFFB0  }
0xf4: {  	_ =	swait.ge [sflag:s18], $0x50  }
0xf5: {  	[sflag:s18] =	ssyncset.done $0x0  }
0xf6: {  	[sflag:s18] =	ssyncadd.s32 $0xFFFFFFB0  }
0xf7: {  	_ =	swait.ge [sflag:s18], $0x50  }
0xf8: {  	[sflag:s18] =	ssyncset.done $0x0  }
0xf9: {  	[sflag:s18] =	ssyncadd.s32 $0xFFFFFFB0  }
0xfa: {  	_ =	swait.ge [sflag:s18], $0x50  }
0xfb: {  	[sflag:s18] =	ssyncset.done $0x0  }
0xfc: {  	[sflag:s18] =	ssyncadd.s32 $0xFFFFFFB0  }
0xfd: {  	_ =	swait.ge [sflag:s18], $0x50  }
0xfe: {  	[sflag:s18] =	ssyncset.done $0x0  }
0xff: {  	[sflag:s18] =	ssyncadd.s32 $0xFFFFFFB0  }
0x100: {  	_ =	swait.ge [sflag:s18], $0x50  }
0x101: {  	[sflag:s18] =	ssyncset.done $0x0  }
0x102: {  	[sflag:s18] =	ssyncadd.s32 $0xFFFFFFB0  }
0x103: {  	_ =	swait.ge [sflag:s18], $0x50  }
0x104: {  	[sflag:s18] =	ssyncset.done $0x0  }
0x105: {  	[sflag:s18] =	ssyncadd.s32 $0xFFFFFFB0  }
0x106: {  	_ =	swait.ge [sflag:s18], $0x50  }
0x107: {  	[sflag:s18] =	ssyncset.done $0x0  }
0x108: {  	[sflag:s18] =	ssyncadd.s32 $0xFFFFFFB0  }
0x109: {  	_ =	swait.ge [sflag:s18], $0x50  }
0x10a: {  	[sflag:s18] =	ssyncset.done $0x0  }
0x10b: {  	[sflag:s18] =	ssyncadd.s32 $0xFFFFFFB0  }
0x10c: {  	_ =	swait.ge [sflag:s18], $0x50  }
0x10d: {  	[sflag:s18] =	ssyncset.done $0x0  }
0x10e: {  	[sflag:s18] =	ssyncadd.s32 $0xFFFFFFB0  }
0x10f: {  	_ =	swait.ge [sflag:s18], $0x50  }
0x110: {  	[sflag:s18] =	ssyncset.done $0x0  }
0x111: {  	[sflag:s18] =	ssyncadd.s32 $0xFFFFFFB0  }
0x112: {  	_ =	swait.ge [sflag:s18], $0x50  }
0x113: {  	[sflag:s18] =	ssyncset.done $0x0  }
0x114: {  	[sflag:s18] =	ssyncadd.s32 $0xFFFFFFB0  }
0x115: {  	_ =	swait.ge [sflag:s18], $0x50  }
0x116: {  	[sflag:s18] =	ssyncset.done $0x0  }
0x117: {  	s19 =	simm.s32 $0x3C00;
	[sflag:s18] =	ssyncadd.s32 $0xFFFFFFB0  }
0x118: {  	[spmem:s2] =	stream.indirect.scatter.add.f32 [tilespmem:s17], [sflag:$0x1], $0x1, s19, s16, $0xb8;
	[tilespmem:$0x8580] =	vst v63  }
0x119: {  	s20 =	simm.s32 $0x7C00  }
0x11a: {  	[spmem:s3] =	stream.indirect.scatter.add.f32 [tilespmem:s17], [sflag:$0x1], $0x1, s20, s16, $0xb8;
	[tilespmem:$0x8580] =	vst v63  }
0x11b: {  	_ = 	snop  }
0x11c: {  	[spmem:s2] =	stream.indirect.scatter.add.f32 [tilespmem:s17], [sflag:$0x1], $0x1, s21, s16, $0xb8;
	[tilespmem:$0x8580] =	vst v63  }
0x11d: {  	_ = 	snop  }
0x11e: {  	[spmem:s3] =	stream.indirect.scatter.add.f32 [tilespmem:s17], [sflag:$0x1], $0x1, s22, s16, $0xb8;
	[tilespmem:$0x8580] =	vst v63  }
0x11f: {  	_ = 	snop  }
0x120: {  	[spmem:s2] =	stream.indirect.scatter.add.f32 [tilespmem:s17], [sflag:$0x1], $0x1, s23, s16, $0xb8;
	[tilespmem:$0x8580] =	vst v63  }
0x121: {  	_ = 	snop  }
0x122: {  	[spmem:s3] =	stream.indirect.scatter.add.f32 [tilespmem:s17], [sflag:$0x1], $0x1, s24, s16, $0xb8;
	[tilespmem:$0x8580] =	vst v63  }
0x123: {  	_ = 	snop  }
0x124: {  	[spmem:s2] =	stream.indirect.scatter.add.f32 [tilespmem:s17], [sflag:$0x1], $0x1, s25, s16, $0xb8;
	[tilespmem:$0x8580] =	vst v63  }
0x125: {  	_ = 	snop  }
0x126: {  	[spmem:s3] =	stream.indirect.scatter.add.f32 [tilespmem:s17], [sflag:$0x1], $0x1, s26, s16, $0xb8;
	[tilespmem:$0x8580] =	vst v63  }
0x127: {  	_ = 	snop  }
0x128: {  	[spmem:s2] =	stream.indirect.scatter.add.f32 [tilespmem:s17], [sflag:$0x1], $0x1, s28, s16, $0xb8;
	[tilespmem:$0x8580] =	vst v63  }
0x129: {  	_ = 	snop  }
0x12a: {  	[spmem:s3] =	stream.indirect.scatter.add.f32 [tilespmem:s17], [sflag:$0x1], $0x1, s29, s16, $0xb8;
	[tilespmem:$0x8580] =	vst v63  }
0x12b: {  	_ =	swait.ge [sflag:s18], $0x50  }
0x12c: {  	[sflag:s18] =	ssyncset.done $0x0  }
0x12d: {  	[sflag:s18] =	ssyncadd.s32 $0xFFFFFFB0  }
0x12e: {  	_ =	swait.ge [sflag:s18], $0x50  }
0x12f: {  	[sflag:s18] =	ssyncset.done $0x0  }
0x130: {  	[sflag:s18] =	ssyncadd.s32 $0xFFFFFFB0  }
0x131: {  	_ =	swait.ge [sflag:s18], $0x50  }
0x132: {  	[sflag:s18] =	ssyncset.done $0x0  }
0x133: {  	[sflag:s18] =	ssyncadd.s32 $0xFFFFFFB0  }
0x134: {  	_ =	swait.ge [sflag:s18], $0x50  }
0x135: {  	[sflag:s18] =	ssyncset.done $0x0  }
0x136: {  	[sflag:s18] =	ssyncadd.s32 $0xFFFFFFB0  }
0x137: {  	_ =	swait.ge [sflag:s18], $0x50  }
0x138: {  	[sflag:s18] =	ssyncset.done $0x0  }
0x139: {  	[sflag:s18] =	ssyncadd.s32 $0xFFFFFFB0  }
0x13a: {  	_ =	swait.ge [sflag:s18], $0x50  }
0x13b: {  	[sflag:s18] =	ssyncset.done $0x0  }
0x13c: {  	[sflag:s18] =	ssyncadd.s32 $0xFFFFFFB0  }
0x13d: {  	_ =	swait.ge [sflag:s18], $0x50  }
0x13e: {  	[sflag:s18] =	ssyncset.done $0x0  }
0x13f: {  	[sflag:s18] =	ssyncadd.s32 $0xFFFFFFB0  }
0x140: {  	_ =	swait.ge [sflag:s18], $0x50  }
0x141: {  	[sflag:s18] =	ssyncset.done $0x0  }
0x142: {  	[sflag:s18] =	ssyncadd.s32 $0xFFFFFFB0  }
0x143: {  	_ =	swait.ge [sflag:s18], $0x50  }
0x144: {  	[sflag:s18] =	ssyncset.done $0x0  }
0x145: {  	[sflag:s18] =	ssyncadd.s32 $0xFFFFFFB0  }
0x146: {  	_ =	swait.ge [sflag:s18], $0x50  }
0x147: {  	[sflag:s18] =	ssyncset.done $0x0  }
0x148: {  	[sflag:s18] =	ssyncadd.s32 $0xFFFFFFB0  }
0x149: {  	[bflag:$0x0] =	sbarrier.arrive $0xFFFF  }
0x14a: {  	[hbm:s9@s30], [sflag:s6] =	dma.strided [spmem:s12@s31], $0x50, s18, $0x10   }
0x14b: {  	s1 =	sadd.s32 $0x1, s1;
	_ =	swait.ge [sflag:s13], $0x50  }
0x14c: {  	p0 =	sne.s32 s1, s11;
	[sflag:s13] =	ssyncset.done $0x0  }
.Ltmp1:
0x14d: {  	[sflag:s13] =	ssyncadd.s32 $0xFFFFFFB0;
	(pc) =	sbr.rel @p0 .LBB2_1-.Ltmp1, $4  }
0x14e: {  	[hbm:s10@s30], [sflag:s6] =	dma.strided [spmem:s14@s31], $0x50, s18, $0x10   }
0x14f: {  	_ =	swait.ge [sflag:s13], $0x50  }
0x150: {  	[sflag:s13] =	ssyncset.done $0x0  }
0x151: {  	[sflag:s13] =	ssyncadd.s32 $0xFFFFFFB0  }
0x152: {  	_ =	sfence.sel $0x180000  }
0x153: {  	[bflag:$0x0] =	sbarrier.arrive $0xFFFF  }
0x154: {  	_ =	strace $0x90000047  }
0x155: {  	s0 =	stileid.u32;
	[bflag:$0x2] =	sbarrier.arrive $0xFFFF  }
0x156: {  	p0 =	sne.s32 s0, $0x0;
	s0 =	rddreg [dreg:$0x4]  }
0x157: {  	s0 =	sadd.s32 @!p0 $0x100000, s0  }
0x158: {  	[sflag:s0] =	ssyncadd.tile.s32 @!p0 $0x1;
	_ =	shalt  }
.Lfunc_end2:
_tile_overlayer_lowered:
.L_overlay_start_2:
0x159: {  	(tag) =	ssettag $0x2  }
0x15a: {  	s0 =	rddreg [dreg:$0x0];
	s2 =	stileid.u32  }
0x15b: {  	s1 =	rddreg [dreg:$0x1];
	p0 =	sne.s32 s2, $0x0  }
0x15c: {  	s3 =	rddreg [dreg:$0x2];
	[bflag:$0x3] =	sbarrier.arrive $0xFFFF;
	s2 =	simm.s32 @!p0 $0x1C02  }
0x15d: {  	[timem:s3], [sflag:s2] =	dma.local @!p0 [hbm:s0], s1  }
0x15e: {  	s0 =	simm.s32 @!p0 $0x2  }
0x15f: {  	_ =	swait.ge @!p0 [sflag:s0], s1  }
0x160: {  	s1 =	ssub.s32 @!p0 $0x0, s1;
	[sflag:s0] =	ssyncset.done @!p0 $0x0  }
0x161: {  	[sflag:s0] =	ssyncadd.s32 @!p0 s1  }
0x162: {  	[bflag:$0x3] =	sbarrier.arrive $0xFFFF  }
0x163: {  	_ =	shalt  }

// kernel: kernel.9.cloned.1.call-start
scs
__scs_entry_jumppad:
0x0: {  	(pc) =	sbr.rel $0x88, $3  }
0x1: {  	(tag) =	ssettag $0x0;
	lr =	simm.s32 $0x1  }
0x2: {  	[smem:$0x3F9C] =	sst lr;
	_ =	strace $0xD0000000  }
0x3: {  	_ = 	snop  }
0x4: {  	_ = 	snop  }
0x5: {  	_ = 	snop  }
0x6: {  	_ = 	snop  }
0x7: {  	_ = 	snop  }
__scs_overlays_trampoline_lowered:
0x8: {  	[smem:$0x3FAB] =	sst s0  }
0x9: {  	[smem:$0x3FAC] =	sst s1  }
0xa: {  	[smem:$0x3FAD] =	sst s2  }
0xb: {  	[smem:$0x3FAE] =	sst s3  }
0xc: {  	[smem:$0x3FAF] =	sst s4  }
0xd: {  	[smem:$0x3FB0] =	sst s5  }
0xe: {  	[smem:$0x3FB1] =	sst s6  }
0xf: {  	[smem:$0x3FB2] =	sst s7  }
0x10: {  	[smem:$0x3FB3] =	sst s8  }
0x11: {  	[smem:$0x3FB4] =	sst s9;
	s0 =	simm.s32 @!p0 $0x0  }
0x12: {  	s1 =	sld [smem:$0x3F9A];
	s0 =	simm.s32 @p0 $0x1  }
0x13: {  	[smem:$0x3FB5] =	sst s0;
	s0 =	simm.s32 @!p1 $0x0  }
0x14: {  	s2 =	sld [smem:$0x3F99];
	s0 =	simm.s32 @p1 $0x1  }
0x15: {  	[smem:$0x3FB6] =	sst s0;
	s0 =	simm.s32 @!p2 $0x0  }
0x16: {  	s3 =	sld [smem:$0x3FDB];
	s0 =	simm.s32 @p2 $0x1  }
0x17: {  	s4 =	simm.s32 $0x1BF5;
	[smem:$0x3FB8] =	sst s0  }
0x18: {  	s0 =	sld [smem:$0x3F9B];
	_ =	swait.ge [sflag:s4], $0x0  }
0x19: {  	s7 =	sld [smem:$0x3F9C]  }
0x1a: {  	s8 =	sadd.s32 $0xFFFFE003, lr  }
0x1b: {  	s9 =	sadd.s32 $0xFFFFFEF7, lr;
	s5 =	simm.s32 $0xFFFFFFFF;
	p2 =	slt.u32 s8, $0xFFFFF086  }
0x1c: {  	p1 =	slt.u32 s9, $0xF7A;
	s5 =	simm.s32 @!p2 $0x0  }
0x1d: {  	s5 =	simm.s32 @p1 $0x1;
	p0 =	seq.s32 s7, s2  }
0x1e: {  	s7 =	smul.u32 @!p0 $0xF7A, s2;
	p2 =	seq.s32 @!p0 s5, $0x0  }
0x1f: {  	s9 =	smul.u32 $0xF7A, s1;
	s8 =	simm.s32 @!p0 $0x1BF5;
	p2 =	por !p2, p0  }
0x20: {  	[sflag:s8] =	ssyncset.s32 @!p0 $0xFFFFF086;
	s6 =	sadd.s32 @!p0 s3, s7;
	s7 =	simm.s32 @!p0 $0x108  }
0x21: {  	s3 =	sadd.s32 s3, s9;
	s6 =	sadd.s32 @!p0 $0x88, s6;
	s7 =	simm.s32 @p2 $0x1082  }
0x22: {  	[simem:s7], [sflag:s8] =	dma.local @!p0 [hbm:s6], $0xF7A  }
0x23: {  	s9 =	sor.u32 $0xD0000000, s2;
	s6 =	simm.s32 $0x108;
	_ =	swait.ge @!p0 [sflag:s8], $0x0  }
0x24: {  	s3 =	sadd.s32 $0x88, s3;
	s6 =	simm.s32 @!p1 $0x1082;
	[sflag:s4] =	ssyncset.s32 $0xFFFFF086  }
0x25: {  	[simem:s6], [sflag:s4] =	dma.local [hbm:s3], $0xF7A  }
0x26: {  	[smem:$0x3F9C] =	sst s1;
	(tag) =	ssettag s2;
	_ =	strace s9  }
0x27: {  	s1 =	sld [smem:$0x3FAC]  }
0x28: {  	s2 =	sld [smem:$0x3FAD]  }
0x29: {  	s4 =	sld [smem:$0x3FAF]  }
0x2a: {  	p0 =	seq.s32 s5, $0x0;
	s5 =	sld [smem:$0x3FB0]  }
0x2b: {  	s6 =	sld [smem:$0x3FB1]  }
0x2c: {  	s7 =	sld [smem:$0x3FB2]  }
0x2d: {  	s3 =	simm.s32 $0x108;
	s8 =	sld [smem:$0x3FB3]  }
0x2e: {  	s3 =	simm.s32 @!p0 $0x1082;
	s9 =	sld [smem:$0x3FB4]  }
0x2f: {  	lr =	sadd.s32 s0, s3;
	s0 =	sld [smem:$0x3FAB]  }
0x30: {  	s3 =	sld [smem:$0x3FAE]  }
0x31: {  	[smem:$0x3FB7] =	sst s10  }
0x32: {  	s10 =	sld [smem:$0x3FB5];
	_ =	sdelay $0x3  }
0x33: {  	p0 =	seq.s32 s10, $0x1;
	s10 =	sld [smem:$0x3FB7];
	_ =	sdelay $0x3  }
0x34: {  	[smem:$0x3FB7] =	sst s10  }
0x35: {  	s10 =	sld [smem:$0x3FB6];
	_ =	sdelay $0x3  }
0x36: {  	p1 =	seq.s32 s10, $0x1;
	s10 =	sld [smem:$0x3FB7];
	_ =	sdelay $0x3  }
0x37: {  	[smem:$0x3FB7] =	sst s10  }
0x38: {  	s10 =	sld [smem:$0x3FB8]  }
0x39: {  	_ = 	snop;
	(pc) =	sbr.ind lr, $3  }
0x3a: {  	_ = 	snop  }
0x3b: {  	_ = 	snop  }
0x3c: {  	p2 =	seq.s32 s10, $0x1;
	s10 =	sld [smem:$0x3FB7]  }
0x3d: {  	_ =	shalt  }
0x3e: {  	_ =	shalt  }
0x3f: {  	_ =	shalt  }
0x40: {  	_ =	shalt  }
0x41: {  	_ =	shalt  }
0x42: {  	_ =	shalt  }
0x43: {  	_ =	shalt  }
0x44: {  	_ =	shalt  }
0x45: {  	_ =	shalt  }
0x46: {  	_ =	shalt  }
0x47: {  	_ =	shalt  }
0x48: {  	_ =	shalt  }
0x49: {  	_ =	shalt  }
0x4a: {  	_ =	shalt  }
0x4b: {  	_ =	shalt  }
0x4c: {  	_ =	shalt  }
0x4d: {  	_ =	shalt  }
0x4e: {  	_ =	shalt  }
0x4f: {  	_ =	shalt  }
0x50: {  	_ =	shalt  }
0x51: {  	_ =	shalt  }
0x52: {  	_ =	shalt  }
0x53: {  	_ =	shalt  }
0x54: {  	_ =	shalt  }
0x55: {  	_ =	shalt  }
0x56: {  	_ =	shalt  }
0x57: {  	_ =	shalt  }
0x58: {  	_ =	shalt  }
0x59: {  	_ =	shalt  }
0x5a: {  	_ =	shalt  }
0x5b: {  	_ =	shalt  }
0x5c: {  	_ =	shalt  }
0x5d: {  	_ =	shalt  }
0x5e: {  	_ =	shalt  }
0x5f: {  	_ =	shalt  }
0x60: {  	_ =	shalt  }
0x61: {  	_ =	shalt  }
0x62: {  	_ =	shalt  }
0x63: {  	_ =	shalt  }
0x64: {  	_ =	shalt  }
0x65: {  	_ =	shalt  }
0x66: {  	_ =	shalt  }
0x67: {  	_ =	shalt  }
0x68: {  	_ =	shalt  }
0x69: {  	_ =	shalt  }
0x6a: {  	_ =	shalt  }
0x6b: {  	_ =	shalt  }
0x6c: {  	_ =	shalt  }
0x6d: {  	_ =	shalt  }
0x6e: {  	_ =	shalt  }
0x6f: {  	_ =	shalt  }
0x70: {  	_ =	shalt  }
0x71: {  	_ =	shalt  }
0x72: {  	_ =	shalt  }
0x73: {  	_ =	shalt  }
0x74: {  	_ =	shalt  }
0x75: {  	_ =	shalt  }
0x76: {  	_ =	shalt  }
0x77: {  	_ =	shalt  }
0x78: {  	_ =	shalt  }
0x79: {  	_ =	shalt  }
0x7a: {  	_ =	shalt  }
0x7b: {  	_ =	shalt  }
0x7c: {  	_ =	shalt  }
0x7d: {  	_ =	shalt  }
0x7e: {  	_ =	shalt  }
0x7f: {  	_ =	shalt  }
0x80: {  	_ =	shalt  }
0x81: {  	_ =	shalt  }
0x82: {  	_ =	shalt  }
0x83: {  	_ =	shalt  }
0x84: {  	_ =	shalt  }
0x85: {  	_ =	shalt  }
0x86: {  	_ =	shalt  }
0x87: {  	_ =	shalt  }
.Lfunc_end0:
.L_simem_size_0:
called_computation.1_lowered:
.L_overlay_start_0:
0x88: {  	s2 =	sld [smem:$0x3FD9]  }
0x89: {  	s3 =	sld [smem:$0x3FFE];
	_ =	sdelay $0x1  }
0x8a: {  	s1 =	srdreg.scid  }
0x8b: {  	s0 =	sand.u32 $0x1, s1  }
0x8c: {  	s17 =	sshll.u32 s0, $0xA;
	s2 =	sadd.s32 s3, s2  }
0x8d: {  	s2 =	sadd.s32 s2, s17  }
0x8e: {  	[smem:$0x3FC3] =	sst s2  }
0x8f: {  	_ = 	snop  }
0x90: {  	s2 =	sld [smem:$0x3FC7]  }
0x91: {  	s18 =	sld [smem:$0x3FD0];
	(tm) =	ssettm $0x1  }
0x92: {  	s4 =	sld [smem:$0x3FFB];
	_ =	sdelay $0x3  }
0x93: {  	_ =	strace s4  }
0x94: {  	s4 =	sld [smem:$0x3FFC];
	_ =	sdelay $0x3  }
0x95: {  	_ =	strace s4  }
0x96: {  	s4 =	sld [smem:$0x3FFD];
	_ =	sdelay $0x3  }
0x97: {  	_ =	strace s4  }
0x98: {  	_ =	strace $0x8FFFFFFF  }
0x99: {  	s19 =	sld [smem:$0x3FDB];
	_ =	sdelay $0x1  }
0x9a: {  	s5 =	simm.s32 $_scs_section_size  }
0x9b: {  	s6 =	simm.s32 $_size__tile_overlayer_lowered;
	s7 =	simm.s32 $_tile_overlayer_lowered  }
0x9c: {  	s22 =	simm.s32 $0x1BFF;
	s21 =	sshll.u32 s7, $0x1;
	s4 =	sadd.s32 s5, s19  }
0x9d: {  	s8 =	simm.s32 $0x0;
	s20 =	sshll.u32 s6, $0x1;
	s6 =	sadd.s32 s21, s4  }
0x9e: {  	[timem:s8], [sflag:s22] =	dma.local [hbm:s6], s20  }
0x9f: {  	_ =	swait.ge [sflag:s22], s20  }
0xa0: {  	s5 =	ssub.s32 $0x0, s20;
	[sflag:s22] =	ssyncset.done $0x0  }
0xa1: {  	[sflag:s22] =	ssyncadd.s32 s5;
	_ =	sdelay $0x1  }
0xa2: {  	s23 =	simm.s32 $0x1B8B  }
0xa3: {  	_ =	swait.ge [sflag:s23], $0x1  }
0xa4: {  	[sflag:s23] =	ssyncset.done $0x0  }
0xa5: {  	s25 =	simm.s32 $0x1B8E;
	s24 =	sld [smem:$0x3FFE];
	[sflag:s23] =	ssyncadd.s32 $0xFFFFFFFF  }
0xa6: {  	s26 =	simm.s32 $execute0_lowered;
	[smem:$0x3FD2] =	sst s25  }
0xa7: {  	s6 =	sshll.u32 s26, $0x1;
	_ =	strace $0x80000049;
	[dreg:$0x1] =	wrdreg $0xFFFFFFFF  }
0xa8: {  	s28 =	simm.s32 $_size_execute0_lowered;
	s4 =	sadd.s32 s4, s6;
	[dreg:$0x0] =	wrdreg $0x0  }
0xa9: {  	s6 =	sshll.u32 s28, $0x1;
	[dreg:$0x2] =	wrdreg s4  }
0xaa: {  	[dreg:$0x3] =	wrdreg s6  }
0xab: {  	[dreg:$0x4] =	wrdreg $0xC0  }
0xac: {  	_ =	task [dreg:s8], $0x5FFFF  }
0xad: {  	[dreg:$0x1] =	wrdreg $0xFFFFFFFF  }
0xae: {  	[dreg:$0x0] =	wrdreg $0x60  }
0xaf: {  	[dreg:$0x2] =	wrdreg s18  }
0xb0: {  	[dreg:$0x3] =	wrdreg s24  }
0xb1: {  	[dreg:$0x4] =	wrdreg s2  }
0xb2: {  	[dreg:$0x5] =	wrdreg $0xC0000  }
0xb3: {  	[dreg:$0x6] =	wrdreg $0x9  }
0xb4: {  	_ =	task.clear_ibuf [dreg:s8], $0x7FFFF;
	_ =	strace $0x90000049  }
0xb5: {  	s29 =	simm.s32 $0x9;
	_ =	strace $0x8000004B  }
0xb6: {  	_ =	swait.ge [sflag:s29], $0x1  }
0xb7: {  	[sflag:s29] =	ssyncadd.s32 $0xFFFFFFFF  }
0xb8: {  	_ =	strace $0x9000004B  }
0xb9: {  	_ =	sfence  }
0xba: {  	s30 =	sld [smem:$0x0];
	_ =	sdelay $0x2  }
0xbb: {  	s31 =	sshll.u32 s1, $0xD;
	s1 =	sshrl.u32 s1, $0x2  }
0xbc: {  	s3 =	sand.u32 $0x4000, s31;
	s1 =	sadd.s32 s1, s30  }
0xbd: {  	s0 =	sor.u32 s3, s0;
	s1 =	sshll.u32 s1, $0x11  }
0xbe: {  	s0 =	sor.u32 s1, s0  }
0xbf: {  	s0 =	sadd.s32 $0x8F2B, s0  }
0xc0: {  	[sflag:s0] =	ssyncadd.remote.s32 $0x1  }
0xc1: {  	_ =	sfence.sel $0xFFFF  }
0xc2: {  	[dreg:$0x0] =	wrdreg $0xFFFFFFFF;
	(pc) =	sbr.abs _section_cstart, $3  }
0xc3: {  	[dreg:$0x1] =	wrdreg $0xFFFFFFFF  }
0xc4: {  	_ =	task.clear_ibuf [dreg:s8], $0x2FFFF;
	_ =	strace $0x9FFFFFFF  }
0xc5: {  	(tm) =	ssettm $0x7FFFFFFF  }
tec
execute0_lowered:
.L_overlay_start_1:
0x0: {  	(tag) =	ssettag $0x1  }
0x1: {  	s0 =	rddreg [dreg:$0x0]  }
0x2: {  	s1 =	rddreg [dreg:$0x1];
	s13 =	stileid.u32  }
0x3: {  	s4 =	srdreg.scid;
	s6 =	smul.u32 $0x14000, s13  }
0x4: {  	s2 =	rddreg [dreg:$0x2];
	s8 =	sand.u32 $0x1, s4;
	s9 =	smul.u32 $0x50000, s13  }
0x5: {  	s3 =	rddreg [dreg:$0x3];
	s4 =	simm.s32 $0x0;
	s5 =	smul.u32 $0x140000, s8  }
0x6: {  	[smem:$0x7FF] =	sst s4;
	s23 =	ssub.s32 $0x2, s8;
	s11 =	sshll.u32 s8, $0x4  }
0x7: {  	s8 =	smul.u32 $0x271000, s8;
	_ =	strace $0x8000004A;
	s10 =	sshrl.u32 s23, $0x1  }
0x8: {  	s9 =	sshrl.u32 s9, $0x2;
	s11 =	sor.u32 s13, s11;
	s13 =	smul.u32 $0x27100, s13  }
0x9: {  	s6 =	sadd.s32 s6, s5;
	s5 =	sadd.s32 $0x15000, s1;
	s28 =	smul.u32 $0x9000, s11  }
0xa: {  	s10 =	ssub.s32 s23, s10;
	s26 =	sadd.s32 s9, s3;
	s12 =	smul.u32 $0x27100, s11  }
0xb: {  	s11 =	smul.u32 $0x138800, s11;
	s24 =	sadd.s32 $0x1400, s26;
	[dreg:$0x5] =	wrdreg s26  }
0xc: {  	s8 =	sadd.s32 s8, s2;
	s25 =	sadd.s32 $0x2800, s26;
	[dreg:$0x6] =	wrdreg s24  }
0xd: {  	s9 =	simm.s32 $0x28;
	s29 =	sadd.s32 $0x3C00, s26;
	[dreg:$0x7] =	wrdreg s25  }
0xe: {  	s7 =	sshrl.u32 s6, $0x3;
	s30 =	sadd.s32 $0x5000, s26;
	[dreg:$0x8] =	wrdreg s29  }
0xf: {  	s6 =	sadd.s32 $0x39000, s1;
	s31 =	sadd.s32 $0x6400, s26;
	[dreg:$0x9] =	wrdreg s30  }
0x10: {  	s14 =	sadd.s32 $0x7800, s26;
	s15 =	sadd.s32 $0x8C00, s26;
	[dreg:$0xa] =	wrdreg s31  }
0x11: {  	s16 =	sadd.s32 $0xA000, s26;
	s17 =	sadd.s32 $0xB400, s26;
	[dreg:$0xb] =	wrdreg s14  }
0x12: {  	s18 =	sadd.s32 $0xC800, s26;
	s8 =	sadd.s32 s13, s8;
	[dreg:$0xc] =	wrdreg s15  }
0x13: {  	s23 =	smax.u32 s10, $0x1;
	s10 =	simm.s32 $0x8400;
	[dreg:$0xd] =	wrdreg s16  }
0x14: {  	s13 =	simm.s32 $0x1;
	s1 =	sadd.s32 s7, s1;
	[dreg:$0xe] =	wrdreg s17  }
0x15: {  	[dreg:$0xf] =	wrdreg s18;
	s19 =	sadd.s32 s2, s12;
	s11 =	sshrl.u32 s11, $0x3  }
0x16: {  	s20 =	sshrl.u32 s28, $0x3;
	[dreg:$0x15] =	wrdreg s23;
	s24 =	sadd.s32 $0xA00, s8  }
0x17: {  	s25 =	sadd.s32 $0xDC00, s26;
	s29 =	sadd.s32 $0x10400, s26;
	s30 =	sadd.s32 $0x11800, s26  }
0x18: {  	s31 =	sadd.s32 $0x12C00, s26;
	s8 =	simm.s32 $0x2400;
	[dreg:$0x10] =	wrdreg s19  }
0x19: {  	s12 =	simm.s32 $0x9800;
	s14 =	simm.s32 $0x7000;
	[dreg:$0x16] =	wrdreg s24  }
0x1a: {  	s15 =	simm.s32 $0xAC00;
	s16 =	simm.s32 $0x2;
	[dreg:$0x17] =	wrdreg s25  }
0x1b: {  	s17 =	simm.s32 $0x4;
	s18 =	simm.s32 $0x3;
	[dreg:$0x19] =	wrdreg s29  }
0x1c: {  	s23 =	simm.s32 $0x0;
	s2 =	sadd.s32 s2, s11;
	[dreg:$0x1a] =	wrdreg s30  }
0x1d: {  	s21 =	sadd.s32 s5, s20;
	s22 =	sadd.s32 s6, s20;
	[dreg:$0x1b] =	wrdreg s31  }
.Ltmp0:
0x1e: {  	s1 =	sadd.s32 $0x5D000, s1;
	[dreg:$0x11] =	wrdreg s21;
	(pc) =	sbr.rel .LBB2_1-.Ltmp0, $4  }
0x1f: {  	s11 =	simm.s32 $0x5C00;
	s19 =	simm.s32 $0x5;
	[dreg:$0x12] =	wrdreg s22  }
0x20: {  	s20 =	simm.s32 $0x6;
	s2 =	sadd.s32 $0x280, s2;
	[dreg:$0x14] =	wrdreg s1  }
0x21: {  	s22 =	sadd.s32 $0x2400, s28;
	s28 =	sadd.s32 $0xF000, s26;
	[dreg:$0x13] =	wrdreg s2  }
0x22: {  	v0 =	vimm.f32 $0.0e+00;
	s1 =	simm.s32 $0x4800;
	[dreg:$0x18] =	wrdreg s28;
	s2 =	simm.s32 $0x7  }
.LBB2_8:
0x23: {  	_ =	swait.ge [sflag:s13], $0x1400  }
0x24: {  	[sflag:s13] =	ssyncset.done $0x0  }
0x25: {  	[sflag:s13] =	ssyncadd.s32 $0xFFFFEC00  }
0x26: {  	_ =	swait.ge [sflag:s13], $0x1400  }
0x27: {  	[sflag:s13] =	ssyncset.done $0x0  }
0x28: {  	s7 =	simm.s32 $0x3480;
	[sflag:s13] =	ssyncadd.s32 $0xFFFFEC00  }
0x29: {  	[spmem:s3] =	stream.indirect.scatter.add.f32 [tilespmem:s1], [sflag:$0x4], $0x80, s7, s9, $0xb8;
	v63 =	vld [tilespmem:$0x0]  }
0x2a: {  	_ = 	snop  }
0x2b: {  	[spmem:s3] =	stream.indirect.scatter.add.f32 [tilespmem:s10], [sflag:$0x4], $0x80, s7, s9, $0xb8;
	v63 =	vld [tilespmem:$0x0]  }
0x2c: {  	_ =	swait.ge [sflag:s20], $0x1400  }
0x2d: {  	[sflag:s20] =	ssyncset.done $0x0  }
0x2e: {  	[sflag:s20] =	ssyncadd.s32 $0xFFFFEC00  }
0x2f: {  	_ =	swait.ge [sflag:s20], $0x1400  }
0x30: {  	[sflag:s20] =	ssyncset.done $0x0  }
0x31: {  	[sflag:s20] =	ssyncadd.s32 $0xFFFFEC00  }
0x32: {  	_ =	swait.ge [sflag:s17], $0x1400  }
0x33: {  	[sflag:s17] =	ssyncset.done $0x0  }
0x34: {  	[sflag:s17] =	ssyncadd.s32 $0xFFFFEC00  }
0x35: {  	_ =	swait.ge [sflag:s17], $0x1400  }
0x36: {  	[sflag:s17] =	ssyncset.done $0x0  }
0x37: {  	[sflag:s17] =	ssyncadd.s32 $0xFFFFEC00  }
0x38: {  	s30 =	stileid.u32;
	[bflag:$0x0] =	sbarrier.arrive $0xFFFF  }
0x39: {  	s7 =	sshll.u32 s30, $0x6;
	s26 =	rddreg [dreg:$0x5]  }
0x3a: {  	s7 =	sor.u32 $0x1C07, s7;
	s24 =	rddreg [dreg:$0x14];
	s21 =	sshrl.u32 s26, $0x3  }
0x3b: {  	[hbm:s24], [sflag:s7] =	dma.local [spmem:s21], $0x2800  }
0x3c: {  	_ =	swait.ge [sflag:s2], $0x2800  }
0x3d: {  	s23 =	sadd.s32 $0x1, s23;
	s31 =	rddreg [dreg:$0x15]  }
0x3e: {  	p0 =	sne.s32 s23, s31  }
.Ltmp1:
0x3f: {  	_ = 	snop;
	(pc) =	sbr.rel @!p0 .LBB2_9-.Ltmp1, $3  }
0x40: {  	_ =	sdelay $0x1  }
0x41: {  	[sflag:s2] =	ssyncset.done $0x0  }
0x42: {  	[sflag:s2] =	ssyncadd.s32 $0xFFFFD800  }
.LBB2_1:
0x43: {  	s24 =	simm.s32 $0x0;
	s25 =	simm.s32 $0x200  }
.LBB2_2:
0x44: {  	p0 =	sne.s32 s25, $0x4E00;
	[tilespmem:s24+$0x4870] =	vst v0  }
0x45: {  	[tilespmem:s24+$0x4800] =	vst v0  }
0x46: {  	[tilespmem:s24+$0x4810] =	vst v0  }
.Ltmp2:
0x47: {  	[tilespmem:s24+$0x4820] =	vst v0;
	(pc) =	sbr.rel @p0 .LBB2_2-.Ltmp2, $4  }
0x48: {  	[tilespmem:s24+$0x4830] =	vst v0  }
0x49: {  	[tilespmem:s24+$0x4840] =	vst v0  }
0x4a: {  	[tilespmem:s24+$0x4850] =	vst v0  }
0x4b: {  	[tilespmem:s24+$0x4860] =	vst v0;
	s24 =	sshra.s32 s25, $0x2;
	s25 =	sadd.s32 $0x200, s25  }
0x4c: {  	[tilespmem:s24+$0x4870] =	vst v0  }
0x4d: {  	[tilespmem:s24+$0x4800] =	vst v0  }
0x4e: {  	[tilespmem:s24+$0x4810] =	vst v0  }
0x4f: {  	[tilespmem:s24+$0x4820] =	vst v0  }
0x50: {  	[tilespmem:s24+$0x4830] =	vst v0  }
0x51: {  	[tilespmem:s24+$0x4840] =	vst v0  }
0x52: {  	[tilespmem:s24+$0x4850] =	vst v0  }
0x53: {  	[tilespmem:s24+$0x4860] =	vst v0  }
0x54: {  	[spmem:s26] =	stream.linear.scatter [tilespmem:s1], [sflag:$0x7], $0x1400, $0x38;
	v63 =	vld [tilespmem:$0x0]  }
0x55: {  	_ =	swait.ge [sflag:s2], $0x1400  }
0x56: {  	[sflag:s2] =	ssyncset.done $0x0  }
0x57: {  	s7 =	rddreg [dreg:$0x6];
	[sflag:s2] =	ssyncadd.s32 $0xFFFFEC00  }
0x58: {  	[spmem:s7] =	stream.linear.scatter [tilespmem:s1], [sflag:$0x7], $0x1400, $0x38;
	v63 =	vld [tilespmem:$0x0]  }
0x59: {  	_ =	swait.ge [sflag:s2], $0x1400  }
0x5a: {  	[sflag:s2] =	ssyncset.done $0x0  }
0x5b: {  	s29 =	rddreg [dreg:$0x7];
	[sflag:s2] =	ssyncadd.s32 $0xFFFFEC00  }
0x5c: {  	[spmem:s29] =	stream.linear.scatter [tilespmem:s1], [sflag:$0x7], $0x1400, $0x38;
	v63 =	vld [tilespmem:$0x0]  }
0x5d: {  	_ =	swait.ge [sflag:s2], $0x1400  }
0x5e: {  	[sflag:s2] =	ssyncset.done $0x0  }
0x5f: {  	s30 =	rddreg [dreg:$0x8];
	[sflag:s2] =	ssyncadd.s32 $0xFFFFEC00  }
0x60: {  	[spmem:s30] =	stream.linear.scatter [tilespmem:s1], [sflag:$0x7], $0x1400, $0x38;
	v63 =	vld [tilespmem:$0x0]  }
0x61: {  	_ =	swait.ge [sflag:s2], $0x1400  }
0x62: {  	[sflag:s2] =	ssyncset.done $0x0  }
0x63: {  	s31 =	rddreg [dreg:$0x9];
	[sflag:s2] =	ssyncadd.s32 $0xFFFFEC00  }
0x64: {  	[spmem:s31] =	stream.linear.scatter [tilespmem:s1], [sflag:$0x7], $0x1400, $0x38;
	v63 =	vld [tilespmem:$0x0]  }
0x65: {  	_ =	swait.ge [sflag:s2], $0x1400  }
0x66: {  	[sflag:s2] =	ssyncset.done $0x0  }
0x67: {  	s21 =	rddreg [dreg:$0xa];
	[sflag:s2] =	ssyncadd.s32 $0xFFFFEC00  }
0x68: {  	[spmem:s21] =	stream.linear.scatter [tilespmem:s1], [sflag:$0x7], $0x1400, $0x38;
	v63 =	vld [tilespmem:$0x0]  }
0x69: {  	_ =	swait.ge [sflag:s2], $0x1400  }
0x6a: {  	[sflag:s2] =	ssyncset.done $0x0  }
0x6b: {  	s24 =	rddreg [dreg:$0xb];
	[sflag:s2] =	ssyncadd.s32 $0xFFFFEC00  }
0x6c: {  	[spmem:s24] =	stream.linear.scatter [tilespmem:s1], [sflag:$0x7], $0x1400, $0x38;
	v63 =	vld [tilespmem:$0x0]  }
0x6d: {  	_ =	swait.ge [sflag:s2], $0x1400  }
0x6e: {  	[sflag:s2] =	ssyncset.done $0x0  }
0x6f: {  	s25 =	rddreg [dreg:$0xc];
	[sflag:s2] =	ssyncadd.s32 $0xFFFFEC00  }
0x70: {  	[spmem:s25] =	stream.linear.scatter [tilespmem:s1], [sflag:$0x7], $0x1400, $0x38;
	v63 =	vld [tilespmem:$0x0]  }
0x71: {  	_ =	swait.ge [sflag:s2], $0x1400  }
0x72: {  	[sflag:s2] =	ssyncset.done $0x0  }
0x73: {  	s26 =	rddreg [dreg:$0xd];
	[sflag:s2] =	ssyncadd.s32 $0xFFFFEC00  }
0x74: {  	[spmem:s26] =	stream.linear.scatter [tilespmem:s1], [sflag:$0x7], $0x1400, $0x38;
	v63 =	vld [tilespmem:$0x0]  }
0x75: {  	_ =	swait.ge [sflag:s2], $0x1400  }
0x76: {  	[sflag:s2] =	ssyncset.done $0x0  }
0x77: {  	s28 =	rddreg [dreg:$0xe];
	[sflag:s2] =	ssyncadd.s32 $0xFFFFEC00  }
0x78: {  	[spmem:s28] =	stream.linear.scatter [tilespmem:s1], [sflag:$0x7], $0x1400, $0x38;
	v63 =	vld [tilespmem:$0x0]  }
0x79: {  	_ =	swait.ge [sflag:s2], $0x1400  }
0x7a: {  	[sflag:s2] =	ssyncset.done $0x0  }
0x7b: {  	s29 =	rddreg [dreg:$0xf];
	[sflag:s2] =	ssyncadd.s32 $0xFFFFEC00  }
0x7c: {  	[spmem:s29] =	stream.linear.scatter [tilespmem:s1], [sflag:$0x7], $0x1400, $0x38;
	v63 =	vld [tilespmem:$0x0]  }
0x7d: {  	_ =	swait.ge [sflag:s2], $0x1400  }
0x7e: {  	[sflag:s2] =	ssyncset.done $0x0  }
0x7f: {  	s30 =	rddreg [dreg:$0x17];
	[sflag:s2] =	ssyncadd.s32 $0xFFFFEC00  }
0x80: {  	[spmem:s30] =	stream.linear.scatter [tilespmem:s1], [sflag:$0x7], $0x1400, $0x38;
	v63 =	vld [tilespmem:$0x0]  }
0x81: {  	_ =	swait.ge [sflag:s2], $0x1400  }
0x82: {  	[sflag:s2] =	ssyncset.done $0x0  }
0x83: {  	s31 =	rddreg [dreg:$0x18];
	[sflag:s2] =	ssyncadd.s32 $0xFFFFEC00  }
0x84: {  	[spmem:s31] =	stream.linear.scatter [tilespmem:s1], [sflag:$0x7], $0x1400, $0x38;
	v63 =	vld [tilespmem:$0x0]  }
0x85: {  	_ =	swait.ge [sflag:s2], $0x1400  }
0x86: {  	[sflag:s2] =	ssyncset.done $0x0  }
0x87: {  	s21 =	rddreg [dreg:$0x19];
	[sflag:s2] =	ssyncadd.s32 $0xFFFFEC00  }
0x88: {  	[spmem:s21] =	stream.linear.scatter [tilespmem:s1], [sflag:$0x7], $0x1400, $0x38;
	v63 =	vld [tilespmem:$0x0]  }
0x89: {  	_ =	swait.ge [sflag:s2], $0x1400  }
0x8a: {  	[sflag:s2] =	ssyncset.done $0x0  }
0x8b: {  	s24 =	rddreg [dreg:$0x1a];
	[sflag:s2] =	ssyncadd.s32 $0xFFFFEC00  }
0x8c: {  	[spmem:s24] =	stream.linear.scatter [tilespmem:s1], [sflag:$0x7], $0x1400, $0x38;
	v63 =	vld [tilespmem:$0x0]  }
0x8d: {  	_ =	swait.ge [sflag:s2], $0x1400  }
0x8e: {  	[sflag:s2] =	ssyncset.done $0x0  }
0x8f: {  	s25 =	rddreg [dreg:$0x1b];
	[sflag:s2] =	ssyncadd.s32 $0xFFFFEC00  }
0x90: {  	[spmem:s25] =	stream.linear.scatter [tilespmem:s1], [sflag:$0x7], $0x1400, $0x38;
	v63 =	vld [tilespmem:$0x0]  }
0x91: {  	_ =	swait.ge [sflag:s2], $0x1400  }
0x92: {  	[sflag:s2] =	ssyncset.done $0x0  }
0x93: {  	[sflag:s2] =	ssyncadd.s32 $0xFFFFEC00  }
0x94: {  	[bflag:$0x0] =	sbarrier.arrive $0xFFFF  }
0x95: {  	s24 =	simm.s32 $0x0;
	s26 =	rddreg [dreg:$0x11]  }
0x96: {  	[tilespmem:s24], [sflag:$0x7] =	stream.linear.gather [hbm4b:s26+s24], $0x2400, $0x38;
	v63 =	vld [tilespmem:$0x0]  }
0x97: {  	_ =	swait.ge [sflag:s2], $0x2400  }
0x98: {  	[sflag:s2] =	ssyncset.done $0x0  }
0x99: {  	s28 =	rddreg [dreg:$0x12];
	[sflag:s2] =	ssyncadd.s32 $0xFFFFDC00  }
0x9a: {  	[tilespmem:s8], [sflag:$0x7] =	stream.linear.gather [hbm4b:s28+s24], $0x2400, $0x38;
	v63 =	vld [tilespmem:$0x0]  }
0x9b: {  	_ =	swait.ge [sflag:s2], $0x2400  }
0x9c: {  	[sflag:s2] =	ssyncset.done $0x0  }
0x9d: {  	[sflag:s2] =	ssyncadd.s32 $0xFFFFDC00  }
0x9e: {  	[tilespmem:s1], [sflag:$0x1] =	stream.indirect.gather [hbm4b:s0+s9], $0x80, s24, s9, $0xb8;
	v63 =	vld [tilespmem:$0x0]  }
0x9f: {  	s29 =	rddreg [dreg:$0x10]  }
0xa0: {  	[tilespmem:s10], [sflag:$0x1] =	stream.linear.gather [hbm4b:s29+s24], $0x1400, $0x38;
	v63 =	vld [tilespmem:$0x0]  }
.Ltmp3:
0xa1: {  	_ = 	snop;
	(pc) =	sbr.rel .LBB2_4-.Ltmp3, $4  }
0xa2: {  	s30 =	simm.s32 $0x80;
	s31 =	rddreg [dreg:$0x13]  }
0xa3: {  	[tilespmem:s11], [sflag:$0x2] =	stream.indirect.gather [hbm4b:s0+s9], $0x80, s30, s9, $0xb8;
	v63 =	vld [tilespmem:$0x0]  }
0xa4: {  	s26 =	simm.s32 $0x4;
	s25 =	rddreg [dreg:$0x16]  }
0xa5: {  	[tilespmem:s12], [sflag:$0x2] =	stream.linear.gather [hbm4b:s31+s24], $0x1400, $0x38;
	v63 =	vld [tilespmem:$0x0]  }
.LBB2_5:
0xa6: {  	_ =	swait.ge [sflag:s18], $0x1400  }
0xa7: {  	[sflag:s18] =	ssyncset.done $0x0  }
0xa8: {  	[sflag:s18] =	ssyncadd.s32 $0xFFFFEC00  }
0xa9: {  	_ =	swait.ge [sflag:s18], $0x1400  }
0xaa: {  	[sflag:s18] =	ssyncset.done $0x0  }
0xab: {  	s7 =	sadd.s32 $0x2400, s28;
	[sflag:s18] =	ssyncadd.s32 $0xFFFFEC00  }
0xac: {  	[spmem:s3] =	stream.indirect.scatter.add.f32 [tilespmem:s14], [sflag:$0x6], $0x80, s7, s9, $0xb8;
	v63 =	vld [tilespmem:$0x0]  }
0xad: {  	_ = 	snop  }
0xae: {  	[spmem:s3] =	stream.indirect.scatter.add.f32 [tilespmem:s15], [sflag:$0x6], $0x80, s7, s9, $0xb8;
	v63 =	vld [tilespmem:$0x0]  }
0xaf: {  	_ =	swait.ge [sflag:s19], $0x1400  }
0xb0: {  	[sflag:s19] =	ssyncset.done $0x0  }
0xb1: {  	[sflag:s19] =	ssyncadd.s32 $0xFFFFEC00  }
0xb2: {  	_ =	swait.ge [sflag:s19], $0x1400  }
0xb3: {  	[sflag:s19] =	ssyncset.done $0x0  }
0xb4: {  	[sflag:s19] =	ssyncadd.s32 $0xFFFFEC00  }
0xb5: {  	_ =	swait.ge [sflag:s20], $0x1400  }
0xb6: {  	s30 =	smul.u32 $0x2400, s29;
	[sflag:s20] =	ssyncset.done $0x0  }
0xb7: {  	[sflag:s20] =	ssyncadd.s32 $0xFFFFEC00  }
0xb8: {  	s31 =	sadd.s32 $0xFFFFFFFF, s26;
	s7 =	sadd.s32 s30, s22;
	_ =	swait.ge [sflag:s20], $0x1400  }
0xb9: {  	s29 =	sand.u32 $0xFF, s31;
	s7 =	sshrl.u32 s7, $0x3;
	[sflag:s20] =	ssyncset.done $0x0  }
0xba: {  	s28 =	smul.u32 $0x39, s29;
	s21 =	sadd.s32 s5, s7;
	[sflag:s20] =	ssyncadd.s32 $0xFFFFEC00  }
0xbb: {  	[tilespmem:s4], [sflag:$0x7] =	stream.linear.gather [hbm4b:s21+s4], $0x2400, $0x38;
	v63 =	vld [tilespmem:$0x0]  }
0xbc: {  	_ =	swait.ge [sflag:s2], $0x2400  }
0xbd: {  	s28 =	sshrl.u32 s28, $0xC;
	[sflag:s2] =	ssyncset.done $0x0  }
0xbe: {  	s28 =	smul.u32 $0x48, s28;
	s7 =	sadd.s32 s6, s7;
	[sflag:s2] =	ssyncadd.s32 $0xFFFFDC00  }
0xbf: {  	[tilespmem:s8], [sflag:$0x7] =	stream.linear.gather [hbm4b:s7+s4], $0x2400, $0x38;
	v63 =	vld [tilespmem:$0x0]  }
0xc0: {  	s30 =	ssub.s32 s31, s28;
	_ =	swait.ge [sflag:s2], $0x2400  }
0xc1: {  	s7 =	sand.u32 $0xFF, s30;
	[sflag:s2] =	ssyncset.done $0x0  }
0xc2: {  	s7 =	sshll.u32 s7, $0x7;
	[sflag:s2] =	ssyncadd.s32 $0xFFFFDC00  }
0xc3: {  	[tilespmem:s1], [sflag:$0x1] =	stream.indirect.gather [hbm4b:s0+s9], $0x80, s7, s9, $0xb8;
	v63 =	vld [tilespmem:$0x0]  }
0xc4: {  	s31 =	sadd.s32 $0xFFFFFD80, s25  }
0xc5: {  	[tilespmem:s10], [sflag:$0x1] =	stream.linear.gather [hbm4b:s31+s4], $0x1400, $0x38;
	v63 =	vld [tilespmem:$0x0]  }
.LBB2_7:
0xc6: {  	s7 =	sand.u32 $0xFF, s26  }
0xc7: {  	s7 =	smul.u32 $0x39, s7;
	_ =	sdelay $0x1  }
0xc8: {  	s7 =	sshrl.u32 s7, $0xC  }
0xc9: {  	s7 =	smul.u32 $0x48, s7;
	_ =	sdelay $0x1  }
0xca: {  	s7 =	ssub.s32 s26, s7;
	s26 =	sadd.s32 $0x3, s26  }
0xcb: {  	s7 =	sand.u32 $0xFF, s7;
	p0 =	sne.s32 s26, $0xFD  }
.Ltmp4:
0xcc: {  	s7 =	sshll.u32 s7, $0x7;
	(pc) =	sbr.rel @!p0 .LBB2_8-.Ltmp4, $4  }
0xcd: {  	[tilespmem:s11], [sflag:$0x2] =	stream.indirect.gather [hbm4b:s0+s9], $0x80, s7, s9, $0xb8;
	v63 =	vld [tilespmem:$0x0]  }
0xce: {  	_ = 	snop  }
0xcf: {  	[tilespmem:s12], [sflag:$0x2] =	stream.linear.gather [hbm4b:s25+s4], $0x1400, $0x38;
	v63 =	vld [tilespmem:$0x0]  }
0xd0: {  	s24 =	sadd.s32 $0x1, s24;
	s25 =	sadd.s32 $0x780, s25  }
.LBB2_4:
0xd1: {  	s30 =	sadd.s32 $0xFFFFFFFC, s26  }
0xd2: {  	s28 =	sand.u32 $0xFF, s30  }
0xd3: {  	s28 =	smul.u32 $0x39, s28;
	_ =	sdelay $0x1  }
0xd4: {  	s28 =	sshrl.u32 s28, $0xC  }
0xd5: {  	_ =	swait.ge [sflag:s13], $0x1400;
	s28 =	smul.u32 $0x48, s28  }
0xd6: {  	[sflag:s13] =	ssyncset.done $0x0  }
0xd7: {  	s29 =	smul.u32 $0xAB, s24;
	[sflag:s13] =	ssyncadd.s32 $0xFFFFEC00;
	s28 =	ssub.s32 s30, s28  }
0xd8: {  	_ =	swait.ge [sflag:s13], $0x1400;
	s28 =	sand.u32 $0xFF, s28  }
0xd9: {  	s29 =	sshrl.u32 s29, $0xC;
	[sflag:s13] =	ssyncset.done $0x0;
	s28 =	sshll.u32 s28, $0x7  }
0xda: {  	s29 =	sand.u32 $0xF, s29;
	[sflag:s13] =	ssyncadd.s32 $0xFFFFEC00;
	s28 =	sadd.s32 $0x2400, s28  }
0xdb: {  	[spmem:s3] =	stream.indirect.scatter.add.f32 [tilespmem:s1], [sflag:$0x4], $0x80, s28, s9, $0xb8;
	v63 =	vld [tilespmem:$0x0]  }
0xdc: {  	s31 =	smul.u32 $0x18, s29  }
0xdd: {  	[spmem:s3] =	stream.indirect.scatter.add.f32 [tilespmem:s10], [sflag:$0x4], $0x80, s28, s9, $0xb8;
	v63 =	vld [tilespmem:$0x0]  }
0xde: {  	s28 =	ssub.s32 s24, s31;
	s31 =	sadd.s32 $0xFFFFFFFE, s26  }
0xdf: {  	s21 =	sand.u32 $0xFF, s28;
	s28 =	sand.u32 $0xFF, s31  }
0xe0: {  	p0 =	seq.s32 s21, $0x0;
	s28 =	smul.u32 $0x39, s28  }
0xe1: {  	s7 =	simm.s32 @!p0 $0x6  }
0xe2: {  	_ =	swait.ge @!p0 [sflag:s7], $0x1400;
	s28 =	sshrl.u32 s28, $0xC  }
0xe3: {  	[sflag:s7] =	ssyncset.done @!p0 $0x0;
	s28 =	smul.u32 $0x48, s28  }
0xe4: {  	[sflag:s7] =	ssyncadd.s32 @!p0 $0xFFFFEC00  }
0xe5: {  	_ =	swait.ge @!p0 [sflag:s7], $0x1400;
	s28 =	ssub.s32 s31, s28  }
0xe6: {  	[sflag:s7] =	ssyncset.done @!p0 $0x0;
	s28 =	sand.u32 $0xFF, s28  }
0xe7: {  	[sflag:s7] =	ssyncadd.s32 @!p0 $0xFFFFEC00;
	s28 =	sshll.u32 s28, $0x7;
	s7 =	sadd.s32 $0x1, s30  }
0xe8: {  	[tilespmem:s14], [sflag:$0x3] =	stream.indirect.gather [hbm4b:s0+s9], $0x80, s28, s9, $0xb8;
	v63 =	vld [tilespmem:$0x0]  }
0xe9: {  	s30 =	sand.u32 $0xFF, s7  }
0xea: {  	s31 =	sadd.s32 $0xFFFFFB00, s25;
	s30 =	smul.u32 $0x39, s30  }
0xeb: {  	[tilespmem:s15], [sflag:$0x3] =	stream.linear.gather [hbm4b:s31+s4], $0x1400, $0x38;
	v63 =	vld [tilespmem:$0x0]  }
0xec: {  	s30 =	sshrl.u32 s30, $0xC  }
0xed: {  	_ =	swait.ge [sflag:s16], $0x1400;
	s30 =	smul.u32 $0x48, s30  }
0xee: {  	[sflag:s16] =	ssyncset.done $0x0  }
0xef: {  	[sflag:s16] =	ssyncadd.s32 $0xFFFFEC00;
	s7 =	ssub.s32 s7, s30  }
0xf0: {  	_ =	swait.ge [sflag:s16], $0x1400;
	s7 =	sand.u32 $0xFF, s7  }
0xf1: {  	[sflag:s16] =	ssyncset.done $0x0;
	s7 =	sshll.u32 s7, $0x7  }
0xf2: {  	[sflag:s16] =	ssyncadd.s32 $0xFFFFEC00;
	s7 =	sadd.s32 $0x2400, s7  }
0xf3: {  	[spmem:s3] =	stream.indirect.scatter.add.f32 [tilespmem:s11], [sflag:$0x5], $0x80, s7, s9, $0xb8;
	v63 =	vld [tilespmem:$0x0]  }
0xf4: {  	_ = 	snop  }
0xf5: {  	[spmem:s3] =	stream.indirect.scatter.add.f32 [tilespmem:s12], [sflag:$0x5], $0x80, s7, s9, $0xb8;
	v63 =	vld [tilespmem:$0x0]  }
0xf6: {  	p0 =	sne.s32 s21, $0x17;
	_ =	swait.ge [sflag:s17], $0x1400  }
.Ltmp5:
0xf7: {  	[sflag:s17] =	ssyncset.done $0x0;
	(pc) =	sbr.rel @!p0 .LBB2_5-.Ltmp5, $4  }
0xf8: {  	[sflag:s17] =	ssyncadd.s32 $0xFFFFEC00  }
0xf9: {  	_ =	swait.ge [sflag:s17], $0x1400  }
0xfa: {  	[sflag:s17] =	ssyncset.done $0x0  }
0xfb: {  	[sflag:s17] =	ssyncadd.s32 $0xFFFFEC00  }
0xfc: {  	s7 =	sadd.s32 $0xFFFFFFFF, s26  }
0xfd: {  	s21 =	sand.u32 $0xFF, s7  }
0xfe: {  	s21 =	smul.u32 $0x39, s21;
	_ =	sdelay $0x1  }
0xff: {  	s21 =	sshrl.u32 s21, $0xC  }
0x100: {  	s21 =	smul.u32 $0x48, s21;
	_ =	sdelay $0x1  }
0x101: {  	s7 =	ssub.s32 s7, s21  }
0x102: {  	s7 =	sand.u32 $0xFF, s7  }
0x103: {  	s7 =	sshll.u32 s7, $0x7  }
0x104: {  	[tilespmem:s1], [sflag:$0x1] =	stream.indirect.gather [hbm4b:s0+s9], $0x80, s7, s9, $0xb8;
	v63 =	vld [tilespmem:$0x0]  }
0x105: {  	s30 =	sadd.s32 $0xFFFFFD80, s25  }
0x106: {  	[tilespmem:s10], [sflag:$0x1] =	stream.linear.gather [hbm4b:s30+s4], $0x1400, $0x38;
	v63 =	vld [tilespmem:$0x0]  }
0x107: {  	_ =	swait.ge [sflag:s18], $0x1400  }
0x108: {  	[sflag:s18] =	ssyncset.done $0x0  }
0x109: {  	[sflag:s18] =	ssyncadd.s32 $0xFFFFEC00  }
0x10a: {  	_ =	swait.ge [sflag:s18], $0x1400  }
0x10b: {  	[sflag:s18] =	ssyncset.done $0x0  }
0x10c: {  	s31 =	sadd.s32 $0x2400, s28;
	[sflag:s18] =	ssyncadd.s32 $0xFFFFEC00  }
0x10d: {  	[spmem:s3] =	stream.indirect.scatter.add.f32 [tilespmem:s14], [sflag:$0x6], $0x80, s31, s9, $0xb8;
	v63 =	vld [tilespmem:$0x0]  }
0x10e: {  	_ = 	snop  }
0x10f: {  	[spmem:s3] =	stream.indirect.scatter.add.f32 [tilespmem:s15], [sflag:$0x6], $0x80, s31, s9, $0xb8;
	v63 =	vld [tilespmem:$0x0]  }
0x110: {  	p0 =	seq.s32 s26, $0xFA;
	_ =	swait.ge [sflag:s19], $0x1400  }
.Ltmp6:
0x111: {  	[sflag:s19] =	ssyncset.done $0x0;
	(pc) =	sbr.rel @!p0 .LBB2_7-.Ltmp6, $4  }
.Ltmp7:
0x112: {  	[sflag:s19] =	ssyncadd.s32 $0xFFFFEC00;
	(pc) =	sbr.rel @p0 .LBB2_8-.Ltmp7, $4  }
0x113: {  	_ =	swait.ge [sflag:s19], $0x1400  }
0x114: {  	[sflag:s19] =	ssyncset.done $0x0  }
0x115: {  	[sflag:s19] =	ssyncadd.s32 $0xFFFFEC00  }
0x116: {  	_ = 	snop  }
.LBB2_9:
0x117: {  	_ =	sfence.sel $0x180000  }
0x118: {  	[bflag:$0x0] =	sbarrier.arrive $0xFFFF  }
0x119: {  	_ =	strace $0x9000004A  }
0x11a: {  	s0 =	stileid.u32;
	[bflag:$0x2] =	sbarrier.arrive $0xFFFF  }
0x11b: {  	p0 =	sne.s32 s0, $0x0;
	s0 =	rddreg [dreg:$0x4]  }
0x11c: {  	s0 =	sadd.s32 @!p0 $0x100000, s0  }
0x11d: {  	[sflag:s0] =	ssyncadd.tile.s32 @!p0 $0x1;
	_ =	shalt  }
.Lfunc_end2:
_tile_overlayer_lowered:
.L_overlay_start_2:
0x11e: {  	(tag) =	ssettag $0x2  }
0x11f: {  	s0 =	rddreg [dreg:$0x0];
	s2 =	stileid.u32  }
0x120: {  	s1 =	rddreg [dreg:$0x1];
	p0 =	sne.s32 s2, $0x0  }
0x121: {  	s3 =	rddreg [dreg:$0x2];
	[bflag:$0x3] =	sbarrier.arrive $0xFFFF;
	s2 =	simm.s32 @!p0 $0x1C07  }
0x122: {  	[timem:s3], [sflag:s2] =	dma.local @!p0 [hbm:s0], s1  }
0x123: {  	s0 =	simm.s32 @!p0 $0x7  }
0x124: {  	_ =	swait.ge @!p0 [sflag:s0], s1  }
0x125: {  	s1 =	ssub.s32 @!p0 $0x0, s1;
	[sflag:s0] =	ssyncset.done @!p0 $0x0  }
0x126: {  	[sflag:s0] =	ssyncadd.s32 @!p0 s1  }
0x127: {  	[bflag:$0x3] =	sbarrier.arrive $0xFFFF  }
0x128: {  	_ =	shalt  }

</sc_bundles>
